<compile_context>
chip_gen: v7x
topology: tpu7x:2x2x1
jax: 0.10.2.dev20260603
libtpu: 0.0.44.dev20260713+nightly
codegen_flags: <defaults>
</compile_context>

<pallas_src>
import functools

import jax
import jax.numpy as jnp
from jax import lax
from jax.experimental import pallas as pl
from jax.experimental.pallas import tpu as pltpu
from jax.experimental.pallas import tpu_sc as plsc

N_NODES = 10000
N_EDGES = 320000
N_FEATS = 128
N_GRAPHS = 200

N_TILES = 16
NODES_PAD = 10240
NODE_CHUNK = NODES_PAD // N_TILES
E_PER_TILE = N_EDGES // N_TILES
EVREGS = E_PER_TILE // 16
GRAPHS_PAD = 208



def _util_body(f_ref, w_ref, b_ref, o_ref):
    prod = jax.lax.dot_general(
        f_ref[...], w_ref[...],
        dimension_numbers=(((1,), (0,)), ((), ())),
        preferred_element_type=jnp.float32,
    )
    o_ref[...] = prod.reshape(8, 128) + b_ref[0, 0]


def _util_tc(feats, W, b):
    rows = N_EDGES // 128
    grid = pl.cdiv(rows, 8)
    out = pl.pallas_call(
        _util_body,
        grid=(grid,),
        in_specs=[
            pl.BlockSpec((1024, N_FEATS), lambda i: (i, 0)),
            pl.BlockSpec((N_FEATS, 1), lambda i: (0, 0)),
            pl.BlockSpec(memory_space=pltpu.SMEM),
        ],
        out_specs=pl.BlockSpec((8, 128), lambda i: (i, 0)),
        out_shape=jax.ShapeDtypeStruct((rows, 128), jnp.float32),
    )(feats, W.reshape(N_FEATS, 1), b.reshape(1, 1))
    return out.reshape(N_EDGES)



def _sc_body(src_hbm, dst_hbm, util_hbm, dest_hbm, batch_hbm,
             out_hbm,
             src_v, dst_v, util_v,
             value_v, acc_v,
             batch_v, hist_v, dest_v,
             merged_v, gathm_v,
             kscr_v,
             accs_sh, value_sh):
    sid = lax.axis_index("s")
    iota = lax.iota(jnp.int32, 16)
    zeros_i = jnp.zeros((16,), jnp.int32)
    ones_i = jnp.ones((16,), jnp.int32)
    ninf = jnp.full((16,), -jnp.inf, jnp.float32)

    ebase = sid * E_PER_TILE
    pltpu.sync_copy(src_hbm.at[pl.ds(ebase, E_PER_TILE)], src_v)
    pltpu.sync_copy(dst_hbm.at[pl.ds(ebase, E_PER_TILE)], dst_v)
    pltpu.sync_copy(util_hbm.at[pl.ds(ebase, E_PER_TILE)], util_v)
    pltpu.sync_copy(dest_hbm, dest_v)
    pltpu.sync_copy(batch_hbm, batch_v)

    def zero_hist(i, c):
        hist_v[pl.ds(i * 16, 16)] = zeros_i
        return c
    lax.fori_loop(0, GRAPHS_PAD // 16, zero_hist, 0)

    def hist_step(i, c):
        b = batch_v[pl.ds(i * 16, 16)]
        plsc.addupdate_scatter(hist_v, [b], ones_i)
        return c
    lax.fori_loop(0, N_NODES // 16, hist_step, 0)

    def hist_max(i, m):
        return jnp.maximum(m, hist_v[pl.ds(i * 16, 16)])
    n_steps = jnp.max(lax.fori_loop(0, GRAPHS_PAD // 16, hist_max, zeros_i)) - 1

    def init_value(i, c):
        value_v[pl.ds(i * 16, 16)] = ninf
        return c
    lax.fori_loop(0, NODES_PAD // 16, init_value, 0)

    def set_dest(i, c):
        d = dest_v[pl.ds(i * 16, 16)]
        plsc.store_scatter(value_v, [d], jnp.zeros((16,), jnp.float32))
        return c
    lax.fori_loop(0, GRAPHS_PAD // 16, set_dest, 0)

    def bf_step(_, c):
        def init_acc(i, cc):
            acc_v[pl.ds(i * 16, 16)] = ninf
            return cc
        lax.fori_loop(0, NODES_PAD // 16, init_acc, 0)

        def edge_body(j, cc):
            e = j * 16
            s = src_v[pl.ds(e, 16)]
            d = dst_v[pl.ds(e, 16)]
            u = util_v[pl.ds(e, 16)]
            m = plsc.load_gather(value_v, [d]) + u
            ks, ms = plsc.sort_key_val(s, m)
            kscr_v[...] = ks
            def lift(dd, mm):
                idx = jnp.minimum(iota + dd, 15)
                kshift = plsc.load_gather(kscr_v, [idx])
                mshift = jax.lax.gather(
                    mm, idx.reshape(16, 1),
                    jax.lax.GatherDimensionNumbers(
                        offset_dims=(), collapsed_slice_dims=(0,),
                        start_index_map=(0,)),
                    slice_sizes=(1,),
                    mode=jax.lax.GatherScatterMode.PROMISE_IN_BOUNDS,
                )
                return jnp.where(kshift == ks, jnp.maximum(mm, mshift), mm)
            mm = lift(1, ms)
            mm = lift(2, mm)
            mm = lift(4, mm)
            mm = lift(8, mm)
            kprev = plsc.load_gather(kscr_v, [jnp.maximum(iota - 1, 0)])
            run_start = (iota == 0) | (kprev != ks)
            old = plsc.load_gather(acc_v, [ks])
            plsc.store_scatter(acc_v, [ks], jnp.maximum(old, mm),
                               mask=run_start)
            return cc
        lax.fori_loop(0, EVREGS, edge_body, 0)

        pltpu.sync_copy(acc_v, accs_sh.at[sid])
        plsc.subcore_barrier()
        for t in range(N_TILES):
            pltpu.sync_copy(accs_sh.at[t, pl.ds(sid * NODE_CHUNK, NODE_CHUNK)],
                            gathm_v.at[t])

        def merge_body(ci, cc):
            col = ci * 16
            m = gathm_v[0, pl.ds(col, 16)]
            for t in range(1, N_TILES):
                m = jnp.maximum(m, gathm_v[t, pl.ds(col, 16)])
            merged_v[pl.ds(col, 16)] = m
            return cc
        lax.fori_loop(0, NODE_CHUNK // 16, merge_body, 0)

        pltpu.sync_copy(merged_v, value_sh.at[pl.ds(sid * NODE_CHUNK,
                                                    NODE_CHUNK)])
        plsc.subcore_barrier()
        pltpu.sync_copy(value_sh, value_v)
        return c

    lax.fori_loop(0, n_steps, bf_step, 0)

    pltpu.sync_copy(value_v.at[pl.ds(sid * NODE_CHUNK, NODE_CHUNK)],
                    out_hbm.at[pl.ds(sid * NODE_CHUNK, NODE_CHUNK)])


def _sc_bellman_ford(src, dst, util, dest_p, batch):
    mesh = plsc.VectorSubcoreMesh(core_axis_name="c", subcore_axis_name="s",
                                  num_cores=1)
    fn = pl.kernel(
        _sc_body,
        out_type=jax.ShapeDtypeStruct((NODES_PAD,), jnp.float32),
        mesh=mesh,
        compiler_params=pltpu.CompilerParams(needs_layout_passes=False),
        scratch_types=[
            pltpu.VMEM((E_PER_TILE,), jnp.int32),
            pltpu.VMEM((E_PER_TILE,), jnp.int32),
            pltpu.VMEM((E_PER_TILE,), jnp.float32),
            pltpu.VMEM((NODES_PAD,), jnp.float32),
            pltpu.VMEM((NODES_PAD,), jnp.float32),
            pltpu.VMEM((N_NODES,), jnp.int32),
            pltpu.VMEM((GRAPHS_PAD,), jnp.int32),
            pltpu.VMEM((GRAPHS_PAD,), jnp.int32),
            pltpu.VMEM((NODE_CHUNK,), jnp.float32),
            pltpu.VMEM((N_TILES, NODE_CHUNK), jnp.float32),
            pltpu.VMEM((16,), jnp.int32),
            pltpu.VMEM_SHARED((N_TILES, NODES_PAD), jnp.float32),
            pltpu.VMEM_SHARED((NODES_PAD,), jnp.float32),
        ],
    )
    return fn(src, dst, util, dest_p, batch)



def kernel(feats, edge_index, dest, batch, W, b):
    util = _util_tc(feats, W, b)
    src = edge_index[0]
    dst = edge_index[1]
    dest_p = jnp.concatenate(
        [dest, jnp.broadcast_to(dest[:1], (GRAPHS_PAD - N_GRAPHS,))])
    value_p = _sc_bellman_ford(src, dst, util, dest_p, batch)
    return value_p[:N_NODES].reshape(N_NODES, 1), util.reshape(N_EDGES, 1)

# --- scband reference (transcript-rebuilt; emitter-appended) ---
"""Pipeline reference for scband-recursive-logit-60584808677528 (READ-ONLY COPY).

The authoritative reference and input builder live on the scoring server;
editing this copy changes nothing except your own understanding.
"""

import jax, jax.numpy as jnp
import numpy as np

N_NODES = 10000
N_EDGES = 320000
N_FEATS = 128
N_GRAPHS = 200


def setup_inputs(seed: int = 0) -> dict:
    key = jax.random.key(seed)
    k1, k2, k3, k4, k5, k6 = jax.random.split(key, 6)
    feats = jax.random.normal(k1, (N_EDGES, N_FEATS), dtype=jnp.float32)
    edge_index = jax.random.randint(k2, (2, N_EDGES), 0, N_NODES, dtype=jnp.int32)
    dest = jax.random.randint(k3, (N_GRAPHS,), 0, N_NODES, dtype=jnp.int32)
    batch = jnp.sort(jax.random.randint(k4, (N_NODES,), 0, N_GRAPHS, dtype=jnp.int32))
    # Learned params of coeffs = Linear(n_feats, 1, bias=True); scaled small so
    # positive-cycle value iteration stays numerically bounded.
    W = jax.random.normal(k5, (1, N_FEATS), dtype=jnp.float32) * 0.01
    b = jax.random.normal(k6, (1,), dtype=jnp.float32) * 0.01
    return {"feats": feats, "edge_index": edge_index, "dest": dest, "batch": batch, "W": W, "b": b}


def _bellman_ford_step(value, util, edge_index):
    # BellmanFordStep: MessagePassing(aggr='max', flow='target_to_source')
    # message: value_j + util (util is a per-edge quantity); aggregate max at source node.
    src = edge_index[0]
    dst = edge_index[1]
    msg = value[dst] + util  # [E, 1]
    # segment_max fills empty segments with -inf (matches scatter-max identity)
    return jax.ops.segment_max(msg, src, num_segments=N_NODES)


def reference(feats, edge_index, dest, batch, W, b):
    # util = self.coeffs(batch.feats) -> per-edge utility [E, 1]
    util = feats @ W.T + b
    # value init: -inf everywhere, 0 at destination nodes
    value = jnp.full((N_NODES, 1), -jnp.inf, dtype=jnp.float32)
    value = value.at[dest].set(0.0)
    # _, node_counts = torch.unique(batch.batch, return_counts=True)
    node_counts = jnp.bincount(batch, length=N_GRAPHS)
    n_steps = node_counts.max() - 1
    value = jax.lax.fori_loop(
        0, n_steps,
        lambda _, v: _bellman_ford_step(v, util, edge_index),
        value,
    )
    # cycle check step (computed as in torch forward; assert omitted for traced values)
    cycle_check = _bellman_ford_step(value, util, edge_index)
    return value, util

if __name__ == "__main__":
    import jax
    _d = setup_inputs()
    print(jax.jit(kernel)(*tuple(_d.values())))

</pallas_src>

<mosaic_0001>
#map = affine_map<(d0, d1) -> (0)>
module attributes {stable_mosaic.version = 14 : i64} {
  func.func @_sc_body(%arg0: i32, %arg1: i32, %arg2: memref<320000xi32, #tpu.memory_space<hbm>>, %arg3: memref<320000xi32, #tpu.memory_space<hbm>>, %arg4: memref<320000xf32, #tpu.memory_space<hbm>>, %arg5: memref<208xi32, #tpu.memory_space<hbm>>, %arg6: memref<10000xi32, #tpu.memory_space<hbm>>, %arg7: memref<10240xf32, #tpu.memory_space<hbm>>, %arg8: memref<20000xi32, #tpu.memory_space<vmem>>, %arg9: memref<20000xi32, #tpu.memory_space<vmem>>, %arg10: memref<20000xf32, #tpu.memory_space<vmem>>, %arg11: memref<10240xf32, #tpu.memory_space<vmem>>, %arg12: memref<10240xf32, #tpu.memory_space<vmem>>, %arg13: memref<10000xi32, #tpu.memory_space<vmem>>, %arg14: memref<208xi32, #tpu.memory_space<vmem>>, %arg15: memref<208xi32, #tpu.memory_space<vmem>>, %arg16: memref<640xf32, #tpu.memory_space<vmem>>, %arg17: memref<16x640xf32, #tpu.memory_space<vmem>>, %arg18: memref<16xi32, #tpu.memory_space<vmem>>, %arg19: memref<16x10240xf32, #tpu.memory_space<vmem_shared>>, %arg20: memref<10240xf32, #tpu.memory_space<vmem_shared>>) attributes {dimension_semantics = [#tpu.dimension_semantics<core_parallel>, #tpu.dimension_semantics<subcore_parallel>], iteration_bounds = array<i64: 1, 16>, scalar_prefetch = 0 : i64, scratch_operands = 13 : i64, tpu.core_type = #tpu.core_type<sc_vector_subcore>, window_params = [{transform_indices = #map}, {transform_indices = #map}, {transform_indices = #map}, {transform_indices = #map}, {transform_indices = #map}, {transform_indices = #map}]} {
    %iota3A = tpu.iota {dimensions = array<i32: 0>} : vector<16xi32>
    %broadcast_in_dim3A = arith.constant 0 : i32
    %broadcast_in_dim3A_0 = vector.broadcast %broadcast_in_dim3A : i32 to vector<16xi32>
    %broadcast_in_dim3A_1 = arith.constant 1 : i32
    %broadcast_in_dim3A_2 = vector.broadcast %broadcast_in_dim3A_1 : i32 to vector<16xi32>
    %broadcast_in_dim3A_3 = arith.constant 0xFF800000 : f32
    %broadcast_in_dim3A_4 = vector.broadcast %broadcast_in_dim3A_3 : f32 to vector<16xf32>
    %mul3A = arith.constant 20000 : i32
    %mul3A_5 = arith.muli %arg1, %mul3A : i32
    "tpu.region"() ({
      %run_scoped3A = tpu.sem_alloc : memref<!tpu.dma_semaphore, #tpu.memory_space<semaphore_mem>>
      %dma_start3A = tpu.memref_slice %arg2[%mul3A_5] : memref<320000xi32, #tpu.memory_space<hbm>> -> memref<20000xi32, #tpu.memory_space<hbm>>
      %dma_start3A_56 = tpu.memref_slice %arg2[%mul3A_5] : memref<320000xi32, #tpu.memory_space<hbm>> -> memref<20000xi32, #tpu.memory_space<hbm>>
      tpu.enqueue_dma source(%dma_start3A_56 : memref<20000xi32, #tpu.memory_space<hbm>>) target(%arg8 : memref<20000xi32, #tpu.memory_space<vmem>>) target_semaphore(%run_scoped3A : memref<!tpu.dma_semaphore, #tpu.memory_space<semaphore_mem>>)
      %dma_wait3A = tpu.memref_slice %arg2[%mul3A_5] : memref<320000xi32, #tpu.memory_space<hbm>> -> memref<20000xi32, #tpu.memory_space<hbm>>
      %dma_wait3A_57 = tpu.memref_slice %arg2[%mul3A_5] : memref<320000xi32, #tpu.memory_space<hbm>> -> memref<20000xi32, #tpu.memory_space<hbm>>
      tpu.wait_dma2 semaphore(%run_scoped3A : memref<!tpu.dma_semaphore, #tpu.memory_space<semaphore_mem>>) src(%dma_wait3A_57 : memref<20000xi32, #tpu.memory_space<hbm>>) dst(%arg8 : memref<20000xi32, #tpu.memory_space<vmem>>)
      tpu.yield
    }) : () -> ()
    "tpu.region"() ({
      %run_scoped3A = tpu.sem_alloc : memref<!tpu.dma_semaphore, #tpu.memory_space<semaphore_mem>>
      %dma_start3A = tpu.memref_slice %arg3[%mul3A_5] : memref<320000xi32, #tpu.memory_space<hbm>> -> memref<20000xi32, #tpu.memory_space<hbm>>
      %dma_start3A_56 = tpu.memref_slice %arg3[%mul3A_5] : memref<320000xi32, #tpu.memory_space<hbm>> -> memref<20000xi32, #tpu.memory_space<hbm>>
      tpu.enqueue_dma source(%dma_start3A_56 : memref<20000xi32, #tpu.memory_space<hbm>>) target(%arg9 : memref<20000xi32, #tpu.memory_space<vmem>>) target_semaphore(%run_scoped3A : memref<!tpu.dma_semaphore, #tpu.memory_space<semaphore_mem>>)
      %dma_wait3A = tpu.memref_slice %arg3[%mul3A_5] : memref<320000xi32, #tpu.memory_space<hbm>> -> memref<20000xi32, #tpu.memory_space<hbm>>
      %dma_wait3A_57 = tpu.memref_slice %arg3[%mul3A_5] : memref<320000xi32, #tpu.memory_space<hbm>> -> memref<20000xi32, #tpu.memory_space<hbm>>
      tpu.wait_dma2 semaphore(%run_scoped3A : memref<!tpu.dma_semaphore, #tpu.memory_space<semaphore_mem>>) src(%dma_wait3A_57 : memref<20000xi32, #tpu.memory_space<hbm>>) dst(%arg9 : memref<20000xi32, #tpu.memory_space<vmem>>)
      tpu.yield
    }) : () -> ()
    "tpu.region"() ({
      %run_scoped3A = tpu.sem_alloc : memref<!tpu.dma_semaphore, #tpu.memory_space<semaphore_mem>>
      %dma_start3A = tpu.memref_slice %arg4[%mul3A_5] : memref<320000xf32, #tpu.memory_space<hbm>> -> memref<20000xf32, #tpu.memory_space<hbm>>
      %dma_start3A_56 = tpu.memref_slice %arg4[%mul3A_5] : memref<320000xf32, #tpu.memory_space<hbm>> -> memref<20000xf32, #tpu.memory_space<hbm>>
      tpu.enqueue_dma source(%dma_start3A_56 : memref<20000xf32, #tpu.memory_space<hbm>>) target(%arg10 : memref<20000xf32, #tpu.memory_space<vmem>>) target_semaphore(%run_scoped3A : memref<!tpu.dma_semaphore, #tpu.memory_space<semaphore_mem>>)
      %dma_wait3A = tpu.memref_slice %arg4[%mul3A_5] : memref<320000xf32, #tpu.memory_space<hbm>> -> memref<20000xf32, #tpu.memory_space<hbm>>
      %dma_wait3A_57 = tpu.memref_slice %arg4[%mul3A_5] : memref<320000xf32, #tpu.memory_space<hbm>> -> memref<20000xf32, #tpu.memory_space<hbm>>
      tpu.wait_dma2 semaphore(%run_scoped3A : memref<!tpu.dma_semaphore, #tpu.memory_space<semaphore_mem>>) src(%dma_wait3A_57 : memref<20000xf32, #tpu.memory_space<hbm>>) dst(%arg10 : memref<20000xf32, #tpu.memory_space<vmem>>)
      tpu.yield
    }) : () -> ()
    "tpu.region"() ({
      %run_scoped3A = tpu.sem_alloc : memref<!tpu.dma_semaphore, #tpu.memory_space<semaphore_mem>>
      tpu.enqueue_dma source(%arg5 : memref<208xi32, #tpu.memory_space<hbm>>) target(%arg15 : memref<208xi32, #tpu.memory_space<vmem>>) target_semaphore(%run_scoped3A : memref<!tpu.dma_semaphore, #tpu.memory_space<semaphore_mem>>)
      tpu.wait_dma2 semaphore(%run_scoped3A : memref<!tpu.dma_semaphore, #tpu.memory_space<semaphore_mem>>) src(%arg5 : memref<208xi32, #tpu.memory_space<hbm>>) dst(%arg15 : memref<208xi32, #tpu.memory_space<vmem>>)
      tpu.yield
    }) : () -> ()
    "tpu.region"() ({
      %run_scoped3A = tpu.sem_alloc : memref<!tpu.dma_semaphore, #tpu.memory_space<semaphore_mem>>
      tpu.enqueue_dma source(%arg6 : memref<10000xi32, #tpu.memory_space<hbm>>) target(%arg13 : memref<10000xi32, #tpu.memory_space<vmem>>) target_semaphore(%run_scoped3A : memref<!tpu.dma_semaphore, #tpu.memory_space<semaphore_mem>>)
      tpu.wait_dma2 semaphore(%run_scoped3A : memref<!tpu.dma_semaphore, #tpu.memory_space<semaphore_mem>>) src(%arg6 : memref<10000xi32, #tpu.memory_space<hbm>>) dst(%arg13 : memref<10000xi32, #tpu.memory_space<vmem>>)
      tpu.yield
    }) : () -> ()
    %scan3A = arith.constant 0 : i32
    %scan3A_6 = arith.constant 0 : i32
    %scan3A_7 = arith.constant 13 : i32
    %scan3A_8 = arith.addi %scan3A_6, %scan3A_7 : i32
    %scan3A_9 = arith.constant 1 : i32
    scf.for %scan3A_56 = %scan3A_6 to %scan3A_8 step %scan3A_9  : i32 {
      %mul3A_57 = arith.constant 16 : i32
      %mul3A_58 = arith.muli %scan3A_56, %mul3A_57 : i32
      %swap3A = arith.index_cast %mul3A_58 : i32 to index
      %swap3A_59 = tpu.vector_load %arg14[%swap3A] {strides = array<i32>} : memref<208xi32, #tpu.memory_space<vmem>>, vector<16xi32>,
      tpu.vector_store %arg14[%swap3A], %broadcast_in_dim3A_0 {strides = array<i32>} : memref<208xi32, #tpu.memory_space<vmem>>, vector<16xi32>,
    }
    %scan3A_10 = arith.constant 13 : i32
    %scan3A_11 = arith.constant 0 : i32
    %scan3A_12 = arith.constant 0 : i32
    %scan3A_13 = arith.constant 625 : i32
    %scan3A_14 = arith.addi %scan3A_12, %scan3A_13 : i32
    %scan3A_15 = arith.constant 1 : i32
    scf.for %scan3A_56 = %scan3A_12 to %scan3A_14 step %scan3A_15  : i32 {
      %mul3A_57 = arith.constant 16 : i32
      %mul3A_58 = arith.muli %scan3A_56, %mul3A_57 : i32
      %get3A = arith.index_cast %mul3A_58 : i32 to index
      %get3A_59 = tpu.vector_load %arg13[%get3A] {strides = array<i32>} : memref<10000xi32, #tpu.memory_space<vmem>>, vector<16xi32>,
      tpu.vector_store_idx %arg14[%get3A_59], %broadcast_in_dim3A_2 {add = true} : memref<208xi32, #tpu.memory_space<vmem>>[vector<16xi32>], vector<16xi32>,
    }
    %scan3A_16 = arith.constant 625 : i32
    %scan3A_17 = arith.constant 0 : i32
    %scan3A_18 = arith.constant 13 : i32
    %scan3A_19 = arith.addi %scan3A_17, %scan3A_18 : i32
    %scan3A_20 = arith.constant 1 : i32
    %scan3A_21 = scf.for %scan3A_56 = %scan3A_17 to %scan3A_19 step %scan3A_20 iter_args(%scan3A_57 = %broadcast_in_dim3A_0) -> (vector<16xi32>)  : i32 {
      %mul3A_58 = arith.constant 16 : i32
      %mul3A_59 = arith.muli %scan3A_56, %mul3A_58 : i32
      %get3A = arith.index_cast %mul3A_59 : i32 to index
      %get3A_60 = tpu.vector_load %arg14[%get3A] {strides = array<i32>} : memref<208xi32, #tpu.memory_space<vmem>>, vector<16xi32>,
      %max3A = arith.maxsi %scan3A_57, %get3A_60 : vector<16xi32>
      scf.yield %max3A : vector<16xi32>
    }
    %scan3A_22 = arith.constant 13 : i32
    %reduce_max3A = arith.constant true
    %reduce_max3A_23 = vector.broadcast %reduce_max3A : i1 to vector<16xi1>
    %reduce_max3A_24 = arith.constant -2147483648 : i32
    %reduce_max3A_25 = vector.broadcast %reduce_max3A_24 : i32 to vector<16xi32>
    %reduce_max3A_26 = arith.xori %scan3A_21, %reduce_max3A_25 : vector<16xi32>
    %reduce_max3A_27 = tpu.scan <max>, %reduce_max3A_26 masked %reduce_max3A_23 : vector<16xi32>, vector<16xi1> -> vector<16xi32>
    %reduce_max3A_28 = arith.xori %reduce_max3A_27, %reduce_max3A_25 : vector<16xi32>
    %reduce_max3A_29 = vector.extract %reduce_max3A_28[15] : i32 from vector<16xi32>
    %sub3A = arith.constant 1 : i32
    %sub3A_30 = arith.subi %reduce_max3A_29, %sub3A : i32
    %scan3A_31 = arith.constant 0 : i32
    %scan3A_32 = arith.constant 0 : i32
    %scan3A_33 = arith.constant 640 : i32
    %scan3A_34 = arith.addi %scan3A_32, %scan3A_33 : i32
    %scan3A_35 = arith.constant 1 : i32
    scf.for %scan3A_56 = %scan3A_32 to %scan3A_34 step %scan3A_35  : i32 {
      %mul3A_57 = arith.constant 16 : i32
      %mul3A_58 = arith.muli %scan3A_56, %mul3A_57 : i32
      %swap3A = arith.index_cast %mul3A_58 : i32 to index
      %swap3A_59 = tpu.vector_load %arg11[%swap3A] {strides = array<i32>} : memref<10240xf32, #tpu.memory_space<vmem>>, vector<16xf32>,
      tpu.vector_store %arg11[%swap3A], %broadcast_in_dim3A_4 {strides = array<i32>} : memref<10240xf32, #tpu.memory_space<vmem>>, vector<16xf32>,
    }
    %scan3A_36 = arith.constant 640 : i32
    %scan3A_37 = arith.constant 0 : i32
    %scan3A_38 = arith.constant 0 : i32
    %scan3A_39 = arith.constant 13 : i32
    %scan3A_40 = arith.addi %scan3A_38, %scan3A_39 : i32
    %scan3A_41 = arith.constant 1 : i32
    scf.for %scan3A_56 = %scan3A_38 to %scan3A_40 step %scan3A_41  : i32 {
      %mul3A_57 = arith.constant 16 : i32
      %mul3A_58 = arith.muli %scan3A_56, %mul3A_57 : i32
      %get3A = arith.index_cast %mul3A_58 : i32 to index
      %get3A_59 = tpu.vector_load %arg15[%get3A] {strides = array<i32>} : memref<208xi32, #tpu.memory_space<vmem>>, vector<16xi32>,
      %broadcast_in_dim3A_60 = arith.constant 0.000000e+00 : f32
      %broadcast_in_dim3A_61 = vector.broadcast %broadcast_in_dim3A_60 : f32 to vector<16xf32>
      tpu.vector_store_idx %arg11[%get3A_59], %broadcast_in_dim3A_61 : memref<10240xf32, #tpu.memory_space<vmem>>[vector<16xi32>], vector<16xf32>,
    }
    %scan3A_42 = arith.constant 13 : i32
    %while3A = arith.constant 0 : i32
    %while3A_43 = arith.constant 0 : i32
    %while3A_44 = arith.subi %sub3A_30, %while3A_43 : i32
    %while3A_45 = arith.addi %while3A_43, %while3A_44 : i32
    %while3A_46 = arith.constant 1 : i32
    %while3A_47 = arith.divsi %while3A_44, %while3A_46 : i32
    %while3A_48 = arith.muli %while3A_47, %while3A_46 : i32
    %while3A_49 = arith.addi %while3A_43, %while3A_48 : i32
    %while3A_50 = arith.constant 1 : i32
    scf.for %while3A_56 = %while3A_43 to %while3A_49 step %while3A_50  : i32 {
      %scan3A_57 = arith.constant 0 : i32
      %scan3A_58 = arith.constant 0 : i32
      %scan3A_59 = arith.constant 640 : i32
      %scan3A_60 = arith.addi %scan3A_58, %scan3A_59 : i32
      %scan3A_61 = arith.constant 1 : i32
      scf.for %scan3A_141 = %scan3A_58 to %scan3A_60 step %scan3A_61  : i32 {
        %mul3A_142 = arith.constant 16 : i32
        %mul3A_143 = arith.muli %scan3A_141, %mul3A_142 : i32
        %swap3A = arith.index_cast %mul3A_143 : i32 to index
        %swap3A_144 = tpu.vector_load %arg12[%swap3A] {strides = array<i32>} : memref<10240xf32, #tpu.memory_space<vmem>>, vector<16xf32>,
        tpu.vector_store %arg12[%swap3A], %broadcast_in_dim3A_4 {strides = array<i32>} : memref<10240xf32, #tpu.memory_space<vmem>>, vector<16xf32>,
      }
      %scan3A_62 = arith.constant 640 : i32
      %scan3A_63 = arith.constant 0 : i32
      %scan3A_64 = arith.constant 0 : i32
      %scan3A_65 = arith.constant 1250 : i32
      %scan3A_66 = arith.addi %scan3A_64, %scan3A_65 : i32
      %scan3A_67 = arith.constant 1 : i32
      scf.for %scan3A_141 = %scan3A_64 to %scan3A_66 step %scan3A_67  : i32 {
        %mul3A_142 = arith.constant 16 : i32
        %mul3A_143 = arith.muli %scan3A_141, %mul3A_142 : i32
        %get3A = arith.index_cast %mul3A_143 : i32 to index
        %get3A_144 = tpu.vector_load %arg8[%get3A] {strides = array<i32>} : memref<20000xi32, #tpu.memory_space<vmem>>, vector<16xi32>,
        %get3A_145 = arith.index_cast %mul3A_143 : i32 to index
        %get3A_146 = tpu.vector_load %arg9[%get3A_145] {strides = array<i32>} : memref<20000xi32, #tpu.memory_space<vmem>>, vector<16xi32>,
        %get3A_147 = arith.index_cast %mul3A_143 : i32 to index
        %get3A_148 = tpu.vector_load %arg10[%get3A_147] {strides = array<i32>} : memref<20000xf32, #tpu.memory_space<vmem>>, vector<16xf32>,
        %gather3A = tpu.vector_load_idx %arg11[%get3A_146] : memref<10240xf32, #tpu.memory_space<vmem>>[vector<16xi32>], vector<16xf32>,
        %add3A = arith.addf %gather3A, %get3A_148 : vector<16xf32>
        %masked_sort3A = arith.constant dense<true> : vector<16xi1>
        %masked_sort3A_149 = arith.constant -2147483648 : i32
        %masked_sort3A_150 = vector.broadcast %masked_sort3A_149 : i32 to vector<16xi32>
        %masked_sort3A_151 = arith.xori %get3A_144, %masked_sort3A_150 : vector<16xi32>
        %masked_sort3A_152, %masked_sort3A_153, %masked_sort3A_154 = tpu.sort %masked_sort3A_151, %add3A masked %masked_sort3A : (vector<16xi32>, vector<16xf32>, vector<16xi1>) -> (vector<16xi1>, vector<16xi32>, vector<16xf32>)
        %masked_sort3A_155 = arith.xori %masked_sort3A_153, %masked_sort3A_150 : vector<16xi32>
        %swap3A = arith.constant 0 : index
        %swap3A_156 = tpu.vector_load %arg18[%swap3A] {strides = array<i32>} : memref<16xi32, #tpu.memory_space<vmem>>, vector<16xi32>,
        tpu.vector_store %arg18[%swap3A], %masked_sort3A_155 {strides = array<i32>} : memref<16xi32, #tpu.memory_space<vmem>>, vector<16xi32>,
        %add3A_157 = arith.constant 1 : i32
        %add3A_158 = vector.broadcast %add3A_157 : i32 to vector<16xi32>
        %add3A_159 = arith.addi %iota3A, %add3A_158 : vector<16xi32>
        %min3A = arith.constant 15 : i32
        %min3A_160 = vector.broadcast %min3A : i32 to vector<16xi32>
        %min3A_161 = arith.minsi %add3A_159, %min3A_160 : vector<16xi32>
        %gather3A_162 = tpu.vector_load_idx %arg18[%min3A_161] : memref<16xi32, #tpu.memory_space<vmem>>[vector<16xi32>], vector<16xi32>,
        %reshape3A = vector.shape_cast %min3A_161 : vector<16xi32> to vector<16x1xi32>
        %gather3A_163 = vector.shape_cast %reshape3A : vector<16x1xi32> to vector<16xi32>
        %gather3A_164 = tpu.dynamic_gather %masked_sort3A_154[%gather3A_163] in [0] : vector<16xf32>, vector<16xi32> -> vector<16xf32>
        %eq3A = arith.cmpi eq, %gather3A_162, %masked_sort3A_155 : vector<16xi32>
        %max3A = arith.maximumf %masked_sort3A_154, %gather3A_164 : vector<16xf32>
        %select_n3A = arith.select %eq3A, %max3A, %masked_sort3A_154 : vector<16xi1>, vector<16xf32>
        %add3A_165 = arith.constant 2 : i32
        %add3A_166 = vector.broadcast %add3A_165 : i32 to vector<16xi32>
        %add3A_167 = arith.addi %iota3A, %add3A_166 : vector<16xi32>
        %min3A_168 = arith.constant 15 : i32
        %min3A_169 = vector.broadcast %min3A_168 : i32 to vector<16xi32>
        %min3A_170 = arith.minsi %add3A_167, %min3A_169 : vector<16xi32>
        %gather3A_171 = tpu.vector_load_idx %arg18[%min3A_170] : memref<16xi32, #tpu.memory_space<vmem>>[vector<16xi32>], vector<16xi32>,
        %reshape3A_172 = vector.shape_cast %min3A_170 : vector<16xi32> to vector<16x1xi32>
        %gather3A_173 = vector.shape_cast %reshape3A_172 : vector<16x1xi32> to vector<16xi32>
        %gather3A_174 = tpu.dynamic_gather %select_n3A[%gather3A_173] in [0] : vector<16xf32>, vector<16xi32> -> vector<16xf32>
        %eq3A_175 = arith.cmpi eq, %gather3A_171, %masked_sort3A_155 : vector<16xi32>
        %max3A_176 = arith.maximumf %select_n3A, %gather3A_174 : vector<16xf32>
        %select_n3A_177 = arith.select %eq3A_175, %max3A_176, %select_n3A : vector<16xi1>, vector<16xf32>
        %add3A_178 = arith.constant 4 : i32
        %add3A_179 = vector.broadcast %add3A_178 : i32 to vector<16xi32>
        %add3A_180 = arith.addi %iota3A, %add3A_179 : vector<16xi32>
        %min3A_181 = arith.constant 15 : i32
        %min3A_182 = vector.broadcast %min3A_181 : i32 to vector<16xi32>
        %min3A_183 = arith.minsi %add3A_180, %min3A_182 : vector<16xi32>
        %gather3A_184 = tpu.vector_load_idx %arg18[%min3A_183] : memref<16xi32, #tpu.memory_space<vmem>>[vector<16xi32>], vector<16xi32>,
        %reshape3A_185 = vector.shape_cast %min3A_183 : vector<16xi32> to vector<16x1xi32>
        %gather3A_186 = vector.shape_cast %reshape3A_185 : vector<16x1xi32> to vector<16xi32>
        %gather3A_187 = tpu.dynamic_gather %select_n3A_177[%gather3A_186] in [0] : vector<16xf32>, vector<16xi32> -> vector<16xf32>
        %eq3A_188 = arith.cmpi eq, %gather3A_184, %masked_sort3A_155 : vector<16xi32>
        %max3A_189 = arith.maximumf %select_n3A_177, %gather3A_187 : vector<16xf32>
        %select_n3A_190 = arith.select %eq3A_188, %max3A_189, %select_n3A_177 : vector<16xi1>, vector<16xf32>
        %add3A_191 = arith.constant 8 : i32
        %add3A_192 = vector.broadcast %add3A_191 : i32 to vector<16xi32>
        %add3A_193 = arith.addi %iota3A, %add3A_192 : vector<16xi32>
        %min3A_194 = arith.constant 15 : i32
        %min3A_195 = vector.broadcast %min3A_194 : i32 to vector<16xi32>
        %min3A_196 = arith.minsi %add3A_193, %min3A_195 : vector<16xi32>
        %gather3A_197 = tpu.vector_load_idx %arg18[%min3A_196] : memref<16xi32, #tpu.memory_space<vmem>>[vector<16xi32>], vector<16xi32>,
        %reshape3A_198 = vector.shape_cast %min3A_196 : vector<16xi32> to vector<16x1xi32>
        %gather3A_199 = vector.shape_cast %reshape3A_198 : vector<16x1xi32> to vector<16xi32>
        %gather3A_200 = tpu.dynamic_gather %select_n3A_190[%gather3A_199] in [0] : vector<16xf32>, vector<16xi32> -> vector<16xf32>
        %eq3A_201 = arith.cmpi eq, %gather3A_197, %masked_sort3A_155 : vector<16xi32>
        %max3A_202 = arith.maximumf %select_n3A_190, %gather3A_200 : vector<16xf32>
        %select_n3A_203 = arith.select %eq3A_201, %max3A_202, %select_n3A_190 : vector<16xi1>, vector<16xf32>
        %sub3A_204 = arith.constant 1 : i32
        %sub3A_205 = vector.broadcast %sub3A_204 : i32 to vector<16xi32>
        %sub3A_206 = arith.subi %iota3A, %sub3A_205 : vector<16xi32>
        %max3A_207 = arith.constant 0 : i32
        %max3A_208 = vector.broadcast %max3A_207 : i32 to vector<16xi32>
        %max3A_209 = arith.maxsi %sub3A_206, %max3A_208 : vector<16xi32>
        %gather3A_210 = tpu.vector_load_idx %arg18[%max3A_209] : memref<16xi32, #tpu.memory_space<vmem>>[vector<16xi32>], vector<16xi32>,
        %eq3A_211 = arith.constant 0 : i32
        %eq3A_212 = vector.broadcast %eq3A_211 : i32 to vector<16xi32>
        %eq3A_213 = arith.cmpi eq, %iota3A, %eq3A_212 : vector<16xi32>
        %ne3A = arith.cmpi ne, %gather3A_210, %masked_sort3A_155 : vector<16xi32>
        %or3A = arith.ori %eq3A_213, %ne3A : vector<16xi1>
        %gather3A_214 = tpu.vector_load_idx %arg12[%masked_sort3A_155] : memref<10240xf32, #tpu.memory_space<vmem>>[vector<16xi32>], vector<16xf32>,
        %max3A_215 = arith.maximumf %gather3A_214, %select_n3A_203 : vector<16xf32>
        tpu.vector_store_idx %arg12[%masked_sort3A_155], %max3A_215 masked %or3A : memref<10240xf32, #tpu.memory_space<vmem>>[vector<16xi32>], vector<16xf32>, vector<16xi1>
      }
      %scan3A_68 = arith.constant 1250 : i32
      "tpu.region"() ({
        %run_scoped3A_141 = tpu.sem_alloc : memref<!tpu.dma_semaphore, #tpu.memory_space<semaphore_mem>>
        %dma_start3A = arith.constant 0 : i32
        %dma_start3A_142 = tpu.memref_slice %arg19[%arg1, %dma_start3A] : memref<16x10240xf32, #tpu.memory_space<vmem_shared>> -> memref<1x10240xf32, #tpu.memory_space<vmem_shared>>
        %dma_start3A_143 = tpu.memref_squeeze %dma_start3A_142 : memref<1x10240xf32, #tpu.memory_space<vmem_shared>> -> memref<10240xf32, #tpu.memory_space<vmem_shared>>
        %dma_start3A_144 = arith.constant 0 : i32
        %dma_start3A_145 = tpu.memref_slice %arg19[%arg1, %dma_start3A_144] : memref<16x10240xf32, #tpu.memory_space<vmem_shared>> -> memref<1x10240xf32, #tpu.memory_space<vmem_shared>>
        %dma_start3A_146 = tpu.memref_squeeze %dma_start3A_145 : memref<1x10240xf32, #tpu.memory_space<vmem_shared>> -> memref<10240xf32, #tpu.memory_space<vmem_shared>>
        tpu.enqueue_dma source(%arg12 : memref<10240xf32, #tpu.memory_space<vmem>>) target(%dma_start3A_146 : memref<10240xf32, #tpu.memory_space<vmem_shared>>) target_semaphore(%run_scoped3A_141 : memref<!tpu.dma_semaphore, #tpu.memory_space<semaphore_mem>>)
        %dma_wait3A = arith.constant 0 : i32
        %dma_wait3A_147 = tpu.memref_slice %arg19[%arg1, %dma_wait3A] : memref<16x10240xf32, #tpu.memory_space<vmem_shared>> -> memref<1x10240xf32, #tpu.memory_space<vmem_shared>>
        %dma_wait3A_148 = tpu.memref_squeeze %dma_wait3A_147 : memref<1x10240xf32, #tpu.memory_space<vmem_shared>> -> memref<10240xf32, #tpu.memory_space<vmem_shared>>
        %dma_wait3A_149 = arith.constant 0 : i32
        %dma_wait3A_150 = tpu.memref_slice %arg19[%arg1, %dma_wait3A_149] : memref<16x10240xf32, #tpu.memory_space<vmem_shared>> -> memref<1x10240xf32, #tpu.memory_space<vmem_shared>>
        %dma_wait3A_151 = tpu.memref_squeeze %dma_wait3A_150 : memref<1x10240xf32, #tpu.memory_space<vmem_shared>> -> memref<10240xf32, #tpu.memory_space<vmem_shared>>
        tpu.wait_dma2 semaphore(%run_scoped3A_141 : memref<!tpu.dma_semaphore, #tpu.memory_space<semaphore_mem>>) src(%arg12 : memref<10240xf32, #tpu.memory_space<vmem>>) dst(%dma_wait3A_151 : memref<10240xf32, #tpu.memory_space<vmem_shared>>)
        tpu.yield
      }) : () -> ()
      %barrier3A = arith.constant 0 : index
      tpu.barrier barrier_id(%barrier3A)
      %mul3A_69 = arith.constant 640 : i32
      %mul3A_70 = arith.muli %arg1, %mul3A_69 : i32
      %run_scoped3A = arith.constant 0 : i32
      %run_scoped3A_71 = arith.constant 0 : i32
      "tpu.region"() ({
        %run_scoped3A_141 = tpu.sem_alloc : memref<!tpu.dma_semaphore, #tpu.memory_space<semaphore_mem>>
        %dma_start3A = arith.constant 0 : i32
        %dma_start3A_142 = tpu.memref_slice %arg17[%run_scoped3A_71, %dma_start3A] : memref<16x640xf32, #tpu.memory_space<vmem>> -> memref<1x640xf32, #tpu.memory_space<vmem>>
        %dma_start3A_143 = tpu.memref_squeeze %dma_start3A_142 : memref<1x640xf32, #tpu.memory_space<vmem>> -> memref<640xf32, #tpu.memory_space<vmem>>
        %dma_start3A_144 = tpu.memref_slice %arg19[%run_scoped3A, %mul3A_70] : memref<16x10240xf32, #tpu.memory_space<vmem_shared>> -> memref<1x640xf32, #tpu.memory_space<vmem_shared>>
        %dma_start3A_145 = tpu.memref_squeeze %dma_start3A_144 : memref<1x640xf32, #tpu.memory_space<vmem_shared>> -> memref<640xf32, #tpu.memory_space<vmem_shared>>
        %dma_start3A_146 = arith.constant 0 : i32
        %dma_start3A_147 = tpu.memref_slice %arg17[%run_scoped3A_71, %dma_start3A_146] : memref<16x640xf32, #tpu.memory_space<vmem>> -> memref<1x640xf32, #tpu.memory_space<vmem>>
        %dma_start3A_148 = tpu.memref_squeeze %dma_start3A_147 : memref<1x640xf32, #tpu.memory_space<vmem>> -> memref<640xf32, #tpu.memory_space<vmem>>
        %dma_start3A_149 = tpu.memref_slice %arg19[%run_scoped3A, %mul3A_70] : memref<16x10240xf32, #tpu.memory_space<vmem_shared>> -> memref<1x640xf32, #tpu.memory_space<vmem_shared>>
        %dma_start3A_150 = tpu.memref_squeeze %dma_start3A_149 : memref<1x640xf32, #tpu.memory_space<vmem_shared>> -> memref<640xf32, #tpu.memory_space<vmem_shared>>
        tpu.enqueue_dma source(%dma_start3A_150 : memref<640xf32, #tpu.memory_space<vmem_shared>>) target(%dma_start3A_148 : memref<640xf32, #tpu.memory_space<vmem>>) target_semaphore(%run_scoped3A_141 : memref<!tpu.dma_semaphore, #tpu.memory_space<semaphore_mem>>)
        %dma_wait3A = arith.constant 0 : i32
        %dma_wait3A_151 = tpu.memref_slice %arg17[%run_scoped3A_71, %dma_wait3A] : memref<16x640xf32, #tpu.memory_space<vmem>> -> memref<1x640xf32, #tpu.memory_space<vmem>>
        %dma_wait3A_152 = tpu.memref_squeeze %dma_wait3A_151 : memref<1x640xf32, #tpu.memory_space<vmem>> -> memref<640xf32, #tpu.memory_space<vmem>>
        %dma_wait3A_153 = tpu.memref_slice %arg19[%run_scoped3A, %mul3A_70] : memref<16x10240xf32, #tpu.memory_space<vmem_shared>> -> memref<1x640xf32, #tpu.memory_space<vmem_shared>>
        %dma_wait3A_154 = tpu.memref_squeeze %dma_wait3A_153 : memref<1x640xf32, #tpu.memory_space<vmem_shared>> -> memref<640xf32, #tpu.memory_space<vmem_shared>>
        %dma_wait3A_155 = arith.constant 0 : i32
        %dma_wait3A_156 = tpu.memref_slice %arg17[%run_scoped3A_71, %dma_wait3A_155] : memref<16x640xf32, #tpu.memory_space<vmem>> -> memref<1x640xf32, #tpu.memory_space<vmem>>
        %dma_wait3A_157 = tpu.memref_squeeze %dma_wait3A_156 : memref<1x640xf32, #tpu.memory_space<vmem>> -> memref<640xf32, #tpu.memory_space<vmem>>
        %dma_wait3A_158 = tpu.memref_slice %arg19[%run_scoped3A, %mul3A_70] : memref<16x10240xf32, #tpu.memory_space<vmem_shared>> -> memref<1x640xf32, #tpu.memory_space<vmem_shared>>
        %dma_wait3A_159 = tpu.memref_squeeze %dma_wait3A_158 : memref<1x640xf32, #tpu.memory_space<vmem_shared>> -> memref<640xf32, #tpu.memory_space<vmem_shared>>
        tpu.wait_dma2 semaphore(%run_scoped3A_141 : memref<!tpu.dma_semaphore, #tpu.memory_space<semaphore_mem>>) src(%dma_wait3A_159 : memref<640xf32, #tpu.memory_space<vmem_shared>>) dst(%dma_wait3A_157 : memref<640xf32, #tpu.memory_space<vmem>>)
        tpu.yield
      }) : () -> ()
      %mul3A_72 = arith.constant 640 : i32
      %mul3A_73 = arith.muli %arg1, %mul3A_72 : i32
      %run_scoped3A_74 = arith.constant 1 : i32
      %run_scoped3A_75 = arith.constant 1 : i32
      "tpu.region"() ({
        %run_scoped3A_141 = tpu.sem_alloc : memref<!tpu.dma_semaphore, #tpu.memory_space<semaphore_mem>>
        %dma_start3A = arith.constant 0 : i32
        %dma_start3A_142 = tpu.memref_slice %arg17[%run_scoped3A_75, %dma_start3A] : memref<16x640xf32, #tpu.memory_space<vmem>> -> memref<1x640xf32, #tpu.memory_space<vmem>>
        %dma_start3A_143 = tpu.memref_squeeze %dma_start3A_142 : memref<1x640xf32, #tpu.memory_space<vmem>> -> memref<640xf32, #tpu.memory_space<vmem>>
        %dma_start3A_144 = tpu.memref_slice %arg19[%run_scoped3A_74, %mul3A_73] : memref<16x10240xf32, #tpu.memory_space<vmem_shared>> -> memref<1x640xf32, #tpu.memory_space<vmem_shared>>
        %dma_start3A_145 = tpu.memref_squeeze %dma_start3A_144 : memref<1x640xf32, #tpu.memory_space<vmem_shared>> -> memref<640xf32, #tpu.memory_space<vmem_shared>>
        %dma_start3A_146 = arith.constant 0 : i32
        %dma_start3A_147 = tpu.memref_slice %arg17[%run_scoped3A_75, %dma_start3A_146] : memref<16x640xf32, #tpu.memory_space<vmem>> -> memref<1x640xf32, #tpu.memory_space<vmem>>
        %dma_start3A_148 = tpu.memref_squeeze %dma_start3A_147 : memref<1x640xf32, #tpu.memory_space<vmem>> -> memref<640xf32, #tpu.memory_space<vmem>>
        %dma_start3A_149 = tpu.memref_slice %arg19[%run_scoped3A_74, %mul3A_73] : memref<16x10240xf32, #tpu.memory_space<vmem_shared>> -> memref<1x640xf32, #tpu.memory_space<vmem_shared>>
        %dma_start3A_150 = tpu.memref_squeeze %dma_start3A_149 : memref<1x640xf32, #tpu.memory_space<vmem_shared>> -> memref<640xf32, #tpu.memory_space<vmem_shared>>
        tpu.enqueue_dma source(%dma_start3A_150 : memref<640xf32, #tpu.memory_space<vmem_shared>>) target(%dma_start3A_148 : memref<640xf32, #tpu.memory_space<vmem>>) target_semaphore(%run_scoped3A_141 : memref<!tpu.dma_semaphore, #tpu.memory_space<semaphore_mem>>)
        %dma_wait3A = arith.constant 0 : i32
        %dma_wait3A_151 = tpu.memref_slice %arg17[%run_scoped3A_75, %dma_wait3A] : memref<16x640xf32, #tpu.memory_space<vmem>> -> memref<1x640xf32, #tpu.memory_space<vmem>>
        %dma_wait3A_152 = tpu.memref_squeeze %dma_wait3A_151 : memref<1x640xf32, #tpu.memory_space<vmem>> -> memref<640xf32, #tpu.memory_space<vmem>>
        %dma_wait3A_153 = tpu.memref_slice %arg19[%run_scoped3A_74, %mul3A_73] : memref<16x10240xf32, #tpu.memory_space<vmem_shared>> -> memref<1x640xf32, #tpu.memory_space<vmem_shared>>
        %dma_wait3A_154 = tpu.memref_squeeze %dma_wait3A_153 : memref<1x640xf32, #tpu.memory_space<vmem_shared>> -> memref<640xf32, #tpu.memory_space<vmem_shared>>
        %dma_wait3A_155 = arith.constant 0 : i32
        %dma_wait3A_156 = tpu.memref_slice %arg17[%run_scoped3A_75, %dma_wait3A_155] : memref<16x640xf32, #tpu.memory_space<vmem>> -> memref<1x640xf32, #tpu.memory_space<vmem>>
        %dma_wait3A_157 = tpu.memref_squeeze %dma_wait3A_156 : memref<1x640xf32, #tpu.memory_space<vmem>> -> memref<640xf32, #tpu.memory_space<vmem>>
        %dma_wait3A_158 = tpu.memref_slice %arg19[%run_scoped3A_74, %mul3A_73] : memref<16x10240xf32, #tpu.memory_space<vmem_shared>> -> memref<1x640xf32, #tpu.memory_space<vmem_shared>>
        %dma_wait3A_159 = tpu.memref_squeeze %dma_wait3A_158 : memref<1x640xf32, #tpu.memory_space<vmem_shared>> -> memref<640xf32, #tpu.memory_space<vmem_shared>>
        tpu.wait_dma2 semaphore(%run_scoped3A_141 : memref<!tpu.dma_semaphore, #tpu.memory_space<semaphore_mem>>) src(%dma_wait3A_159 : memref<640xf32, #tpu.memory_space<vmem_shared>>) dst(%dma_wait3A_157 : memref<640xf32, #tpu.memory_space<vmem>>)
        tpu.yield
      }) : () -> ()
      %mul3A_76 = arith.constant 640 : i32
      %mul3A_77 = arith.muli %arg1, %mul3A_76 : i32
      %run_scoped3A_78 = arith.constant 2 : i32
      %run_scoped3A_79 = arith.constant 2 : i32
      "tpu.region"() ({
        %run_scoped3A_141 = tpu.sem_alloc : memref<!tpu.dma_semaphore, #tpu.memory_space<semaphore_mem>>
        %dma_start3A = arith.constant 0 : i32
        %dma_start3A_142 = tpu.memref_slice %arg17[%run_scoped3A_79, %dma_start3A] : memref<16x640xf32, #tpu.memory_space<vmem>> -> memref<1x640xf32, #tpu.memory_space<vmem>>
        %dma_start3A_143 = tpu.memref_squeeze %dma_start3A_142 : memref<1x640xf32, #tpu.memory_space<vmem>> -> memref<640xf32, #tpu.memory_space<vmem>>
        %dma_start3A_144 = tpu.memref_slice %arg19[%run_scoped3A_78, %mul3A_77] : memref<16x10240xf32, #tpu.memory_space<vmem_shared>> -> memref<1x640xf32, #tpu.memory_space<vmem_shared>>
        %dma_start3A_145 = tpu.memref_squeeze %dma_start3A_144 : memref<1x640xf32, #tpu.memory_space<vmem_shared>> -> memref<640xf32, #tpu.memory_space<vmem_shared>>
        %dma_start3A_146 = arith.constant 0 : i32
        %dma_start3A_147 = tpu.memref_slice %arg17[%run_scoped3A_79, %dma_start3A_146] : memref<16x640xf32, #tpu.memory_space<vmem>> -> memref<1x640xf32, #tpu.memory_space<vmem>>
        %dma_start3A_148 = tpu.memref_squeeze %dma_start3A_147 : memref<1x640xf32, #tpu.memory_space<vmem>> -> memref<640xf32, #tpu.memory_space<vmem>>
        %dma_start3A_149 = tpu.memref_slice %arg19[%run_scoped3A_78, %mul3A_77] : memref<16x10240xf32, #tpu.memory_space<vmem_shared>> -> memref<1x640xf32, #tpu.memory_space<vmem_shared>>
        %dma_start3A_150 = tpu.memref_squeeze %dma_start3A_149 : memref<1x640xf32, #tpu.memory_space<vmem_shared>> -> memref<640xf32, #tpu.memory_space<vmem_shared>>
        tpu.enqueue_dma source(%dma_start3A_150 : memref<640xf32, #tpu.memory_space<vmem_shared>>) target(%dma_start3A_148 : memref<640xf32, #tpu.memory_space<vmem>>) target_semaphore(%run_scoped3A_141 : memref<!tpu.dma_semaphore, #tpu.memory_space<semaphore_mem>>)
        %dma_wait3A = arith.constant 0 : i32
        %dma_wait3A_151 = tpu.memref_slice %arg17[%run_scoped3A_79, %dma_wait3A] : memref<16x640xf32, #tpu.memory_space<vmem>> -> memref<1x640xf32, #tpu.memory_space<vmem>>
        %dma_wait3A_152 = tpu.memref_squeeze %dma_wait3A_151 : memref<1x640xf32, #tpu.memory_space<vmem>> -> memref<640xf32, #tpu.memory_space<vmem>>
        %dma_wait3A_153 = tpu.memref_slice %arg19[%run_scoped3A_78, %mul3A_77] : memref<16x10240xf32, #tpu.memory_space<vmem_shared>> -> memref<1x640xf32, #tpu.memory_space<vmem_shared>>
        %dma_wait3A_154 = tpu.memref_squeeze %dma_wait3A_153 : memref<1x640xf32, #tpu.memory_space<vmem_shared>> -> memref<640xf32, #tpu.memory_space<vmem_shared>>
        %dma_wait3A_155 = arith.constant 0 : i32
        %dma_wait3A_156 = tpu.memref_slice %arg17[%run_scoped3A_79, %dma_wait3A_155] : memref<16x640xf32, #tpu.memory_space<vmem>> -> memref<1x640xf32, #tpu.memory_space<vmem>>
        %dma_wait3A_157 = tpu.memref_squeeze %dma_wait3A_156 : memref<1x640xf32, #tpu.memory_space<vmem>> -> memref<640xf32, #tpu.memory_space<vmem>>
        %dma_wait3A_158 = tpu.memref_slice %arg19[%run_scoped3A_78, %mul3A_77] : memref<16x10240xf32, #tpu.memory_space<vmem_shared>> -> memref<1x640xf32, #tpu.memory_space<vmem_shared>>
        %dma_wait3A_159 = tpu.memref_squeeze %dma_wait3A_158 : memref<1x640xf32, #tpu.memory_space<vmem_shared>> -> memref<640xf32, #tpu.memory_space<vmem_shared>>
        tpu.wait_dma2 semaphore(%run_scoped3A_141 : memref<!tpu.dma_semaphore, #tpu.memory_space<semaphore_mem>>) src(%dma_wait3A_159 : memref<640xf32, #tpu.memory_space<vmem_shared>>) dst(%dma_wait3A_157 : memref<640xf32, #tpu.memory_space<vmem>>)
        tpu.yield
      }) : () -> ()
      %mul3A_80 = arith.constant 640 : i32
      %mul3A_81 = arith.muli %arg1, %mul3A_80 : i32
      %run_scoped3A_82 = arith.constant 3 : i32
      %run_scoped3A_83 = arith.constant 3 : i32
      "tpu.region"() ({
        %run_scoped3A_141 = tpu.sem_alloc : memref<!tpu.dma_semaphore, #tpu.memory_space<semaphore_mem>>
        %dma_start3A = arith.constant 0 : i32
        %dma_start3A_142 = tpu.memref_slice %arg17[%run_scoped3A_83, %dma_start3A] : memref<16x640xf32, #tpu.memory_space<vmem>> -> memref<1x640xf32, #tpu.memory_space<vmem>>
        %dma_start3A_143 = tpu.memref_squeeze %dma_start3A_142 : memref<1x640xf32, #tpu.memory_space<vmem>> -> memref<640xf32, #tpu.memory_space<vmem>>
        %dma_start3A_144 = tpu.memref_slice %arg19[%run_scoped3A_82, %mul3A_81] : memref<16x10240xf32, #tpu.memory_space<vmem_shared>> -> memref<1x640xf32, #tpu.memory_space<vmem_shared>>
        %dma_start3A_145 = tpu.memref_squeeze %dma_start3A_144 : memref<1x640xf32, #tpu.memory_space<vmem_shared>> -> memref<640xf32, #tpu.memory_space<vmem_shared>>
        %dma_start3A_146 = arith.constant 0 : i32
        %dma_start3A_147 = tpu.memref_slice %arg17[%run_scoped3A_83, %dma_start3A_146] : memref<16x640xf32, #tpu.memory_space<vmem>> -> memref<1x640xf32, #tpu.memory_space<vmem>>
        %dma_start3A_148 = tpu.memref_squeeze %dma_start3A_147 : memref<1x640xf32, #tpu.memory_space<vmem>> -> memref<640xf32, #tpu.memory_space<vmem>>
        %dma_start3A_149 = tpu.memref_slice %arg19[%run_scoped3A_82, %mul3A_81] : memref<16x10240xf32, #tpu.memory_space<vmem_shared>> -> memref<1x640xf32, #tpu.memory_space<vmem_shared>>
        %dma_start3A_150 = tpu.memref_squeeze %dma_start3A_149 : memref<1x640xf32, #tpu.memory_space<vmem_shared>> -> memref<640xf32, #tpu.memory_space<vmem_shared>>
        tpu.enqueue_dma source(%dma_start3A_150 : memref<640xf32, #tpu.memory_space<vmem_shared>>) target(%dma_start3A_148 : memref<640xf32, #tpu.memory_space<vmem>>) target_semaphore(%run_scoped3A_141 : memref<!tpu.dma_semaphore, #tpu.memory_space<semaphore_mem>>)
        %dma_wait3A = arith.constant 0 : i32
        %dma_wait3A_151 = tpu.memref_slice %arg17[%run_scoped3A_83, %dma_wait3A] : memref<16x640xf32, #tpu.memory_space<vmem>> -> memref<1x640xf32, #tpu.memory_space<vmem>>
        %dma_wait3A_152 = tpu.memref_squeeze %dma_wait3A_151 : memref<1x640xf32, #tpu.memory_space<vmem>> -> memref<640xf32, #tpu.memory_space<vmem>>
        %dma_wait3A_153 = tpu.memref_slice %arg19[%run_scoped3A_82, %mul3A_81] : memref<16x10240xf32, #tpu.memory_space<vmem_shared>> -> memref<1x640xf32, #tpu.memory_space<vmem_shared>>
        %dma_wait3A_154 = tpu.memref_squeeze %dma_wait3A_153 : memref<1x640xf32, #tpu.memory_space<vmem_shared>> -> memref<640xf32, #tpu.memory_space<vmem_shared>>
        %dma_wait3A_155 = arith.constant 0 : i32
        %dma_wait3A_156 = tpu.memref_slice %arg17[%run_scoped3A_83, %dma_wait3A_155] : memref<16x640xf32, #tpu.memory_space<vmem>> -> memref<1x640xf32, #tpu.memory_space<vmem>>
        %dma_wait3A_157 = tpu.memref_squeeze %dma_wait3A_156 : memref<1x640xf32, #tpu.memory_space<vmem>> -> memref<640xf32, #tpu.memory_space<vmem>>
        %dma_wait3A_158 = tpu.memref_slice %arg19[%run_scoped3A_82, %mul3A_81] : memref<16x10240xf32, #tpu.memory_space<vmem_shared>> -> memref<1x640xf32, #tpu.memory_space<vmem_shared>>
        %dma_wait3A_159 = tpu.memref_squeeze %dma_wait3A_158 : memref<1x640xf32, #tpu.memory_space<vmem_shared>> -> memref<640xf32, #tpu.memory_space<vmem_shared>>
        tpu.wait_dma2 semaphore(%run_scoped3A_141 : memref<!tpu.dma_semaphore, #tpu.memory_space<semaphore_mem>>) src(%dma_wait3A_159 : memref<640xf32, #tpu.memory_space<vmem_shared>>) dst(%dma_wait3A_157 : memref<640xf32, #tpu.memory_space<vmem>>)
        tpu.yield
      }) : () -> ()
      %mul3A_84 = arith.constant 640 : i32
      %mul3A_85 = arith.muli %arg1, %mul3A_84 : i32
      %run_scoped3A_86 = arith.constant 4 : i32
      %run_scoped3A_87 = arith.constant 4 : i32
      "tpu.region"() ({
        %run_scoped3A_141 = tpu.sem_alloc : memref<!tpu.dma_semaphore, #tpu.memory_space<semaphore_mem>>
        %dma_start3A = arith.constant 0 : i32
        %dma_start3A_142 = tpu.memref_slice %arg17[%run_scoped3A_87, %dma_start3A] : memref<16x640xf32, #tpu.memory_space<vmem>> -> memref<1x640xf32, #tpu.memory_space<vmem>>
        %dma_start3A_143 = tpu.memref_squeeze %dma_start3A_142 : memref<1x640xf32, #tpu.memory_space<vmem>> -> memref<640xf32, #tpu.memory_space<vmem>>
        %dma_start3A_144 = tpu.memref_slice %arg19[%run_scoped3A_86, %mul3A_85] : memref<16x10240xf32, #tpu.memory_space<vmem_shared>> -> memref<1x640xf32, #tpu.memory_space<vmem_shared>>
        %dma_start3A_145 = tpu.memref_squeeze %dma_start3A_144 : memref<1x640xf32, #tpu.memory_space<vmem_shared>> -> memref<640xf32, #tpu.memory_space<vmem_shared>>
        %dma_start3A_146 = arith.constant 0 : i32
        %dma_start3A_147 = tpu.memref_slice %arg17[%run_scoped3A_87, %dma_start3A_146] : memref<16x640xf32, #tpu.memory_space<vmem>> -> memref<1x640xf32, #tpu.memory_space<vmem>>
        %dma_start3A_148 = tpu.memref_squeeze %dma_start3A_147 : memref<1x640xf32, #tpu.memory_space<vmem>> -> memref<640xf32, #tpu.memory_space<vmem>>
        %dma_start3A_149 = tpu.memref_slice %arg19[%run_scoped3A_86, %mul3A_85] : memref<16x10240xf32, #tpu.memory_space<vmem_shared>> -> memref<1x640xf32, #tpu.memory_space<vmem_shared>>
        %dma_start3A_150 = tpu.memref_squeeze %dma_start3A_149 : memref<1x640xf32, #tpu.memory_space<vmem_shared>> -> memref<640xf32, #tpu.memory_space<vmem_shared>>
        tpu.enqueue_dma source(%dma_start3A_150 : memref<640xf32, #tpu.memory_space<vmem_shared>>) target(%dma_start3A_148 : memref<640xf32, #tpu.memory_space<vmem>>) target_semaphore(%run_scoped3A_141 : memref<!tpu.dma_semaphore, #tpu.memory_space<semaphore_mem>>)
        %dma_wait3A = arith.constant 0 : i32
        %dma_wait3A_151 = tpu.memref_slice %arg17[%run_scoped3A_87, %dma_wait3A] : memref<16x640xf32, #tpu.memory_space<vmem>> -> memref<1x640xf32, #tpu.memory_space<vmem>>
        %dma_wait3A_152 = tpu.memref_squeeze %dma_wait3A_151 : memref<1x640xf32, #tpu.memory_space<vmem>> -> memref<640xf32, #tpu.memory_space<vmem>>
        %dma_wait3A_153 = tpu.memref_slice %arg19[%run_scoped3A_86, %mul3A_85] : memref<16x10240xf32, #tpu.memory_space<vmem_shared>> -> memref<1x640xf32, #tpu.memory_space<vmem_shared>>
        %dma_wait3A_154 = tpu.memref_squeeze %dma_wait3A_153 : memref<1x640xf32, #tpu.memory_space<vmem_shared>> -> memref<640xf32, #tpu.memory_space<vmem_shared>>
        %dma_wait3A_155 = arith.constant 0 : i32
        %dma_wait3A_156 = tpu.memref_slice %arg17[%run_scoped3A_87, %dma_wait3A_155] : memref<16x640xf32, #tpu.memory_space<vmem>> -> memref<1x640xf32, #tpu.memory_space<vmem>>
        %dma_wait3A_157 = tpu.memref_squeeze %dma_wait3A_156 : memref<1x640xf32, #tpu.memory_space<vmem>> -> memref<640xf32, #tpu.memory_space<vmem>>
        %dma_wait3A_158 = tpu.memref_slice %arg19[%run_scoped3A_86, %mul3A_85] : memref<16x10240xf32, #tpu.memory_space<vmem_shared>> -> memref<1x640xf32, #tpu.memory_space<vmem_shared>>
        %dma_wait3A_159 = tpu.memref_squeeze %dma_wait3A_158 : memref<1x640xf32, #tpu.memory_space<vmem_shared>> -> memref<640xf32, #tpu.memory_space<vmem_shared>>
        tpu.wait_dma2 semaphore(%run_scoped3A_141 : memref<!tpu.dma_semaphore, #tpu.memory_space<semaphore_mem>>) src(%dma_wait3A_159 : memref<640xf32, #tpu.memory_space<vmem_shared>>) dst(%dma_wait3A_157 : memref<640xf32, #tpu.memory_space<vmem>>)
        tpu.yield
      }) : () -> ()
      %mul3A_88 = arith.constant 640 : i32
      %mul3A_89 = arith.muli %arg1, %mul3A_88 : i32
      %run_scoped3A_90 = arith.constant 5 : i32
      %run_scoped3A_91 = arith.constant 5 : i32
      "tpu.region"() ({
        %run_scoped3A_141 = tpu.sem_alloc : memref<!tpu.dma_semaphore, #tpu.memory_space<semaphore_mem>>
        %dma_start3A = arith.constant 0 : i32
        %dma_start3A_142 = tpu.memref_slice %arg17[%run_scoped3A_91, %dma_start3A] : memref<16x640xf32, #tpu.memory_space<vmem>> -> memref<1x640xf32, #tpu.memory_space<vmem>>
        %dma_start3A_143 = tpu.memref_squeeze %dma_start3A_142 : memref<1x640xf32, #tpu.memory_space<vmem>> -> memref<640xf32, #tpu.memory_space<vmem>>
        %dma_start3A_144 = tpu.memref_slice %arg19[%run_scoped3A_90, %mul3A_89] : memref<16x10240xf32, #tpu.memory_space<vmem_shared>> -> memref<1x640xf32, #tpu.memory_space<vmem_shared>>
        %dma_start3A_145 = tpu.memref_squeeze %dma_start3A_144 : memref<1x640xf32, #tpu.memory_space<vmem_shared>> -> memref<640xf32, #tpu.memory_space<vmem_shared>>
        %dma_start3A_146 = arith.constant 0 : i32
        %dma_start3A_147 = tpu.memref_slice %arg17[%run_scoped3A_91, %dma_start3A_146] : memref<16x640xf32, #tpu.memory_space<vmem>> -> memref<1x640xf32, #tpu.memory_space<vmem>>
        %dma_start3A_148 = tpu.memref_squeeze %dma_start3A_147 : memref<1x640xf32, #tpu.memory_space<vmem>> -> memref<640xf32, #tpu.memory_space<vmem>>
        %dma_start3A_149 = tpu.memref_slice %arg19[%run_scoped3A_90, %mul3A_89] : memref<16x10240xf32, #tpu.memory_space<vmem_shared>> -> memref<1x640xf32, #tpu.memory_space<vmem_shared>>
        %dma_start3A_150 = tpu.memref_squeeze %dma_start3A_149 : memref<1x640xf32, #tpu.memory_space<vmem_shared>> -> memref<640xf32, #tpu.memory_space<vmem_shared>>
        tpu.enqueue_dma source(%dma_start3A_150 : memref<640xf32, #tpu.memory_space<vmem_shared>>) target(%dma_start3A_148 : memref<640xf32, #tpu.memory_space<vmem>>) target_semaphore(%run_scoped3A_141 : memref<!tpu.dma_semaphore, #tpu.memory_space<semaphore_mem>>)
        %dma_wait3A = arith.constant 0 : i32
        %dma_wait3A_151 = tpu.memref_slice %arg17[%run_scoped3A_91, %dma_wait3A] : memref<16x640xf32, #tpu.memory_space<vmem>> -> memref<1x640xf32, #tpu.memory_space<vmem>>
        %dma_wait3A_152 = tpu.memref_squeeze %dma_wait3A_151 : memref<1x640xf32, #tpu.memory_space<vmem>> -> memref<640xf32, #tpu.memory_space<vmem>>
        %dma_wait3A_153 = tpu.memref_slice %arg19[%run_scoped3A_90, %mul3A_89] : memref<16x10240xf32, #tpu.memory_space<vmem_shared>> -> memref<1x640xf32, #tpu.memory_space<vmem_shared>>
        %dma_wait3A_154 = tpu.memref_squeeze %dma_wait3A_153 : memref<1x640xf32, #tpu.memory_space<vmem_shared>> -> memref<640xf32, #tpu.memory_space<vmem_shared>>
        %dma_wait3A_155 = arith.constant 0 : i32
        %dma_wait3A_156 = tpu.memref_slice %arg17[%run_scoped3A_91, %dma_wait3A_155] : memref<16x640xf32, #tpu.memory_space<vmem>> -> memref<1x640xf32, #tpu.memory_space<vmem>>
        %dma_wait3A_157 = tpu.memref_squeeze %dma_wait3A_156 : memref<1x640xf32, #tpu.memory_space<vmem>> -> memref<640xf32, #tpu.memory_space<vmem>>
        %dma_wait3A_158 = tpu.memref_slice %arg19[%run_scoped3A_90, %mul3A_89] : memref<16x10240xf32, #tpu.memory_space<vmem_shared>> -> memref<1x640xf32, #tpu.memory_space<vmem_shared>>
        %dma_wait3A_159 = tpu.memref_squeeze %dma_wait3A_158 : memref<1x640xf32, #tpu.memory_space<vmem_shared>> -> memref<640xf32, #tpu.memory_space<vmem_shared>>
        tpu.wait_dma2 semaphore(%run_scoped3A_141 : memref<!tpu.dma_semaphore, #tpu.memory_space<semaphore_mem>>) src(%dma_wait3A_159 : memref<640xf32, #tpu.memory_space<vmem_shared>>) dst(%dma_wait3A_157 : memref<640xf32, #tpu.memory_space<vmem>>)
        tpu.yield
      }) : () -> ()
      %mul3A_92 = arith.constant 640 : i32
      %mul3A_93 = arith.muli %arg1, %mul3A_92 : i32
      %run_scoped3A_94 = arith.constant 6 : i32
      %run_scoped3A_95 = arith.constant 6 : i32
      "tpu.region"() ({
        %run_scoped3A_141 = tpu.sem_alloc : memref<!tpu.dma_semaphore, #tpu.memory_space<semaphore_mem>>
        %dma_start3A = arith.constant 0 : i32
        %dma_start3A_142 = tpu.memref_slice %arg17[%run_scoped3A_95, %dma_start3A] : memref<16x640xf32, #tpu.memory_space<vmem>> -> memref<1x640xf32, #tpu.memory_space<vmem>>
        %dma_start3A_143 = tpu.memref_squeeze %dma_start3A_142 : memref<1x640xf32, #tpu.memory_space<vmem>> -> memref<640xf32, #tpu.memory_space<vmem>>
        %dma_start3A_144 = tpu.memref_slice %arg19[%run_scoped3A_94, %mul3A_93] : memref<16x10240xf32, #tpu.memory_space<vmem_shared>> -> memref<1x640xf32, #tpu.memory_space<vmem_shared>>
        %dma_start3A_145 = tpu.memref_squeeze %dma_start3A_144 : memref<1x640xf32, #tpu.memory_space<vmem_shared>> -> memref<640xf32, #tpu.memory_space<vmem_shared>>
        %dma_start3A_146 = arith.constant 0 : i32
        %dma_start3A_147 = tpu.memref_slice %arg17[%run_scoped3A_95, %dma_start3A_146] : memref<16x640xf32, #tpu.memory_space<vmem>> -> memref<1x640xf32, #tpu.memory_space<vmem>>
        %dma_start3A_148 = tpu.memref_squeeze %dma_start3A_147 : memref<1x640xf32, #tpu.memory_space<vmem>> -> memref<640xf32, #tpu.memory_space<vmem>>
        %dma_start3A_149 = tpu.memref_slice %arg19[%run_scoped3A_94, %mul3A_93] : memref<16x10240xf32, #tpu.memory_space<vmem_shared>> -> memref<1x640xf32, #tpu.memory_space<vmem_shared>>
        %dma_start3A_150 = tpu.memref_squeeze %dma_start3A_149 : memref<1x640xf32, #tpu.memory_space<vmem_shared>> -> memref<640xf32, #tpu.memory_space<vmem_shared>>
        tpu.enqueue_dma source(%dma_start3A_150 : memref<640xf32, #tpu.memory_space<vmem_shared>>) target(%dma_start3A_148 : memref<640xf32, #tpu.memory_space<vmem>>) target_semaphore(%run_scoped3A_141 : memref<!tpu.dma_semaphore, #tpu.memory_space<semaphore_mem>>)
        %dma_wait3A = arith.constant 0 : i32
        %dma_wait3A_151 = tpu.memref_slice %arg17[%run_scoped3A_95, %dma_wait3A] : memref<16x640xf32, #tpu.memory_space<vmem>> -> memref<1x640xf32, #tpu.memory_space<vmem>>
        %dma_wait3A_152 = tpu.memref_squeeze %dma_wait3A_151 : memref<1x640xf32, #tpu.memory_space<vmem>> -> memref<640xf32, #tpu.memory_space<vmem>>
        %dma_wait3A_153 = tpu.memref_slice %arg19[%run_scoped3A_94, %mul3A_93] : memref<16x10240xf32, #tpu.memory_space<vmem_shared>> -> memref<1x640xf32, #tpu.memory_space<vmem_shared>>
        %dma_wait3A_154 = tpu.memref_squeeze %dma_wait3A_153 : memref<1x640xf32, #tpu.memory_space<vmem_shared>> -> memref<640xf32, #tpu.memory_space<vmem_shared>>
        %dma_wait3A_155 = arith.constant 0 : i32
        %dma_wait3A_156 = tpu.memref_slice %arg17[%run_scoped3A_95, %dma_wait3A_155] : memref<16x640xf32, #tpu.memory_space<vmem>> -> memref<1x640xf32, #tpu.memory_space<vmem>>
        %dma_wait3A_157 = tpu.memref_squeeze %dma_wait3A_156 : memref<1x640xf32, #tpu.memory_space<vmem>> -> memref<640xf32, #tpu.memory_space<vmem>>
        %dma_wait3A_158 = tpu.memref_slice %arg19[%run_scoped3A_94, %mul3A_93] : memref<16x10240xf32, #tpu.memory_space<vmem_shared>> -> memref<1x640xf32, #tpu.memory_space<vmem_shared>>
        %dma_wait3A_159 = tpu.memref_squeeze %dma_wait3A_158 : memref<1x640xf32, #tpu.memory_space<vmem_shared>> -> memref<640xf32, #tpu.memory_space<vmem_shared>>
        tpu.wait_dma2 semaphore(%run_scoped3A_141 : memref<!tpu.dma_semaphore, #tpu.memory_space<semaphore_mem>>) src(%dma_wait3A_159 : memref<640xf32, #tpu.memory_space<vmem_shared>>) dst(%dma_wait3A_157 : memref<640xf32, #tpu.memory_space<vmem>>)
        tpu.yield
      }) : () -> ()
      %mul3A_96 = arith.constant 640 : i32
      %mul3A_97 = arith.muli %arg1, %mul3A_96 : i32
      %run_scoped3A_98 = arith.constant 7 : i32
      %run_scoped3A_99 = arith.constant 7 : i32
      "tpu.region"() ({
        %run_scoped3A_141 = tpu.sem_alloc : memref<!tpu.dma_semaphore, #tpu.memory_space<semaphore_mem>>
        %dma_start3A = arith.constant 0 : i32
        %dma_start3A_142 = tpu.memref_slice %arg17[%run_scoped3A_99, %dma_start3A] : memref<16x640xf32, #tpu.memory_space<vmem>> -> memref<1x640xf32, #tpu.memory_space<vmem>>
        %dma_start3A_143 = tpu.memref_squeeze %dma_start3A_142 : memref<1x640xf32, #tpu.memory_space<vmem>> -> memref<640xf32, #tpu.memory_space<vmem>>
        %dma_start3A_144 = tpu.memref_slice %arg19[%run_scoped3A_98, %mul3A_97] : memref<16x10240xf32, #tpu.memory_space<vmem_shared>> -> memref<1x640xf32, #tpu.memory_space<vmem_shared>>
        %dma_start3A_145 = tpu.memref_squeeze %dma_start3A_144 : memref<1x640xf32, #tpu.memory_space<vmem_shared>> -> memref<640xf32, #tpu.memory_space<vmem_shared>>
        %dma_start3A_146 = arith.constant 0 : i32
        %dma_start3A_147 = tpu.memref_slice %arg17[%run_scoped3A_99, %dma_start3A_146] : memref<16x640xf32, #tpu.memory_space<vmem>> -> memref<1x640xf32, #tpu.memory_space<vmem>>
        %dma_start3A_148 = tpu.memref_squeeze %dma_start3A_147 : memref<1x640xf32, #tpu.memory_space<vmem>> -> memref<640xf32, #tpu.memory_space<vmem>>
        %dma_start3A_149 = tpu.memref_slice %arg19[%run_scoped3A_98, %mul3A_97] : memref<16x10240xf32, #tpu.memory_space<vmem_shared>> -> memref<1x640xf32, #tpu.memory_space<vmem_shared>>
        %dma_start3A_150 = tpu.memref_squeeze %dma_start3A_149 : memref<1x640xf32, #tpu.memory_space<vmem_shared>> -> memref<640xf32, #tpu.memory_space<vmem_shared>>
        tpu.enqueue_dma source(%dma_start3A_150 : memref<640xf32, #tpu.memory_space<vmem_shared>>) target(%dma_start3A_148 : memref<640xf32, #tpu.memory_space<vmem>>) target_semaphore(%run_scoped3A_141 : memref<!tpu.dma_semaphore, #tpu.memory_space<semaphore_mem>>)
        %dma_wait3A = arith.constant 0 : i32
        %dma_wait3A_151 = tpu.memref_slice %arg17[%run_scoped3A_99, %dma_wait3A] : memref<16x640xf32, #tpu.memory_space<vmem>> -> memref<1x640xf32, #tpu.memory_space<vmem>>
        %dma_wait3A_152 = tpu.memref_squeeze %dma_wait3A_151 : memref<1x640xf32, #tpu.memory_space<vmem>> -> memref<640xf32, #tpu.memory_space<vmem>>
        %dma_wait3A_153 = tpu.memref_slice %arg19[%run_scoped3A_98, %mul3A_97] : memref<16x10240xf32, #tpu.memory_space<vmem_shared>> -> memref<1x640xf32, #tpu.memory_space<vmem_shared>>
        %dma_wait3A_154 = tpu.memref_squeeze %dma_wait3A_153 : memref<1x640xf32, #tpu.memory_space<vmem_shared>> -> memref<640xf32, #tpu.memory_space<vmem_shared>>
        %dma_wait3A_155 = arith.constant 0 : i32
        %dma_wait3A_156 = tpu.memref_slice %arg17[%run_scoped3A_99, %dma_wait3A_155] : memref<16x640xf32, #tpu.memory_space<vmem>> -> memref<1x640xf32, #tpu.memory_space<vmem>>
        %dma_wait3A_157 = tpu.memref_squeeze %dma_wait3A_156 : memref<1x640xf32, #tpu.memory_space<vmem>> -> memref<640xf32, #tpu.memory_space<vmem>>
        %dma_wait3A_158 = tpu.memref_slice %arg19[%run_scoped3A_98, %mul3A_97] : memref<16x10240xf32, #tpu.memory_space<vmem_shared>> -> memref<1x640xf32, #tpu.memory_space<vmem_shared>>
        %dma_wait3A_159 = tpu.memref_squeeze %dma_wait3A_158 : memref<1x640xf32, #tpu.memory_space<vmem_shared>> -> memref<640xf32, #tpu.memory_space<vmem_shared>>
        tpu.wait_dma2 semaphore(%run_scoped3A_141 : memref<!tpu.dma_semaphore, #tpu.memory_space<semaphore_mem>>) src(%dma_wait3A_159 : memref<640xf32, #tpu.memory_space<vmem_shared>>) dst(%dma_wait3A_157 : memref<640xf32, #tpu.memory_space<vmem>>)
        tpu.yield
      }) : () -> ()
      %mul3A_100 = arith.constant 640 : i32
      %mul3A_101 = arith.muli %arg1, %mul3A_100 : i32
      %run_scoped3A_102 = arith.constant 8 : i32
      %run_scoped3A_103 = arith.constant 8 : i32
      "tpu.region"() ({
        %run_scoped3A_141 = tpu.sem_alloc : memref<!tpu.dma_semaphore, #tpu.memory_space<semaphore_mem>>
        %dma_start3A = arith.constant 0 : i32
        %dma_start3A_142 = tpu.memref_slice %arg17[%run_scoped3A_103, %dma_start3A] : memref<16x640xf32, #tpu.memory_space<vmem>> -> memref<1x640xf32, #tpu.memory_space<vmem>>
        %dma_start3A_143 = tpu.memref_squeeze %dma_start3A_142 : memref<1x640xf32, #tpu.memory_space<vmem>> -> memref<640xf32, #tpu.memory_space<vmem>>
        %dma_start3A_144 = tpu.memref_slice %arg19[%run_scoped3A_102, %mul3A_101] : memref<16x10240xf32, #tpu.memory_space<vmem_shared>> -> memref<1x640xf32, #tpu.memory_space<vmem_shared>>
        %dma_start3A_145 = tpu.memref_squeeze %dma_start3A_144 : memref<1x640xf32, #tpu.memory_space<vmem_shared>> -> memref<640xf32, #tpu.memory_space<vmem_shared>>
        %dma_start3A_146 = arith.constant 0 : i32
        %dma_start3A_147 = tpu.memref_slice %arg17[%run_scoped3A_103, %dma_start3A_146] : memref<16x640xf32, #tpu.memory_space<vmem>> -> memref<1x640xf32, #tpu.memory_space<vmem>>
        %dma_start3A_148 = tpu.memref_squeeze %dma_start3A_147 : memref<1x640xf32, #tpu.memory_space<vmem>> -> memref<640xf32, #tpu.memory_space<vmem>>
        %dma_start3A_149 = tpu.memref_slice %arg19[%run_scoped3A_102, %mul3A_101] : memref<16x10240xf32, #tpu.memory_space<vmem_shared>> -> memref<1x640xf32, #tpu.memory_space<vmem_shared>>
        %dma_start3A_150 = tpu.memref_squeeze %dma_start3A_149 : memref<1x640xf32, #tpu.memory_space<vmem_shared>> -> memref<640xf32, #tpu.memory_space<vmem_shared>>
        tpu.enqueue_dma source(%dma_start3A_150 : memref<640xf32, #tpu.memory_space<vmem_shared>>) target(%dma_start3A_148 : memref<640xf32, #tpu.memory_space<vmem>>) target_semaphore(%run_scoped3A_141 : memref<!tpu.dma_semaphore, #tpu.memory_space<semaphore_mem>>)
        %dma_wait3A = arith.constant 0 : i32
        %dma_wait3A_151 = tpu.memref_slice %arg17[%run_scoped3A_103, %dma_wait3A] : memref<16x640xf32, #tpu.memory_space<vmem>> -> memref<1x640xf32, #tpu.memory_space<vmem>>
        %dma_wait3A_152 = tpu.memref_squeeze %dma_wait3A_151 : memref<1x640xf32, #tpu.memory_space<vmem>> -> memref<640xf32, #tpu.memory_space<vmem>>
        %dma_wait3A_153 = tpu.memref_slice %arg19[%run_scoped3A_102, %mul3A_101] : memref<16x10240xf32, #tpu.memory_space<vmem_shared>> -> memref<1x640xf32, #tpu.memory_space<vmem_shared>>
        %dma_wait3A_154 = tpu.memref_squeeze %dma_wait3A_153 : memref<1x640xf32, #tpu.memory_space<vmem_shared>> -> memref<640xf32, #tpu.memory_space<vmem_shared>>
        %dma_wait3A_155 = arith.constant 0 : i32
        %dma_wait3A_156 = tpu.memref_slice %arg17[%run_scoped3A_103, %dma_wait3A_155] : memref<16x640xf32, #tpu.memory_space<vmem>> -> memref<1x640xf32, #tpu.memory_space<vmem>>
        %dma_wait3A_157 = tpu.memref_squeeze %dma_wait3A_156 : memref<1x640xf32, #tpu.memory_space<vmem>> -> memref<640xf32, #tpu.memory_space<vmem>>
        %dma_wait3A_158 = tpu.memref_slice %arg19[%run_scoped3A_102, %mul3A_101] : memref<16x10240xf32, #tpu.memory_space<vmem_shared>> -> memref<1x640xf32, #tpu.memory_space<vmem_shared>>
        %dma_wait3A_159 = tpu.memref_squeeze %dma_wait3A_158 : memref<1x640xf32, #tpu.memory_space<vmem_shared>> -> memref<640xf32, #tpu.memory_space<vmem_shared>>
        tpu.wait_dma2 semaphore(%run_scoped3A_141 : memref<!tpu.dma_semaphore, #tpu.memory_space<semaphore_mem>>) src(%dma_wait3A_159 : memref<640xf32, #tpu.memory_space<vmem_shared>>) dst(%dma_wait3A_157 : memref<640xf32, #tpu.memory_space<vmem>>)
        tpu.yield
      }) : () -> ()
      %mul3A_104 = arith.constant 640 : i32
      %mul3A_105 = arith.muli %arg1, %mul3A_104 : i32
      %run_scoped3A_106 = arith.constant 9 : i32
      %run_scoped3A_107 = arith.constant 9 : i32
      "tpu.region"() ({
        %run_scoped3A_141 = tpu.sem_alloc : memref<!tpu.dma_semaphore, #tpu.memory_space<semaphore_mem>>
        %dma_start3A = arith.constant 0 : i32
        %dma_start3A_142 = tpu.memref_slice %arg17[%run_scoped3A_107, %dma_start3A] : memref<16x640xf32, #tpu.memory_space<vmem>> -> memref<1x640xf32, #tpu.memory_space<vmem>>
        %dma_start3A_143 = tpu.memref_squeeze %dma_start3A_142 : memref<1x640xf32, #tpu.memory_space<vmem>> -> memref<640xf32, #tpu.memory_space<vmem>>
        %dma_start3A_144 = tpu.memref_slice %arg19[%run_scoped3A_106, %mul3A_105] : memref<16x10240xf32, #tpu.memory_space<vmem_shared>> -> memref<1x640xf32, #tpu.memory_space<vmem_shared>>
        %dma_start3A_145 = tpu.memref_squeeze %dma_start3A_144 : memref<1x640xf32, #tpu.memory_space<vmem_shared>> -> memref<640xf32, #tpu.memory_space<vmem_shared>>
        %dma_start3A_146 = arith.constant 0 : i32
        %dma_start3A_147 = tpu.memref_slice %arg17[%run_scoped3A_107, %dma_start3A_146] : memref<16x640xf32, #tpu.memory_space<vmem>> -> memref<1x640xf32, #tpu.memory_space<vmem>>
        %dma_start3A_148 = tpu.memref_squeeze %dma_start3A_147 : memref<1x640xf32, #tpu.memory_space<vmem>> -> memref<640xf32, #tpu.memory_space<vmem>>
        %dma_start3A_149 = tpu.memref_slice %arg19[%run_scoped3A_106, %mul3A_105] : memref<16x10240xf32, #tpu.memory_space<vmem_shared>> -> memref<1x640xf32, #tpu.memory_space<vmem_shared>>
        %dma_start3A_150 = tpu.memref_squeeze %dma_start3A_149 : memref<1x640xf32, #tpu.memory_space<vmem_shared>> -> memref<640xf32, #tpu.memory_space<vmem_shared>>
        tpu.enqueue_dma source(%dma_start3A_150 : memref<640xf32, #tpu.memory_space<vmem_shared>>) target(%dma_start3A_148 : memref<640xf32, #tpu.memory_space<vmem>>) target_semaphore(%run_scoped3A_141 : memref<!tpu.dma_semaphore, #tpu.memory_space<semaphore_mem>>)
        %dma_wait3A = arith.constant 0 : i32
        %dma_wait3A_151 = tpu.memref_slice %arg17[%run_scoped3A_107, %dma_wait3A] : memref<16x640xf32, #tpu.memory_space<vmem>> -> memref<1x640xf32, #tpu.memory_space<vmem>>
        %dma_wait3A_152 = tpu.memref_squeeze %dma_wait3A_151 : memref<1x640xf32, #tpu.memory_space<vmem>> -> memref<640xf32, #tpu.memory_space<vmem>>
        %dma_wait3A_153 = tpu.memref_slice %arg19[%run_scoped3A_106, %mul3A_105] : memref<16x10240xf32, #tpu.memory_space<vmem_shared>> -> memref<1x640xf32, #tpu.memory_space<vmem_shared>>
        %dma_wait3A_154 = tpu.memref_squeeze %dma_wait3A_153 : memref<1x640xf32, #tpu.memory_space<vmem_shared>> -> memref<640xf32, #tpu.memory_space<vmem_shared>>
        %dma_wait3A_155 = arith.constant 0 : i32
        %dma_wait3A_156 = tpu.memref_slice %arg17[%run_scoped3A_107, %dma_wait3A_155] : memref<16x640xf32, #tpu.memory_space<vmem>> -> memref<1x640xf32, #tpu.memory_space<vmem>>
        %dma_wait3A_157 = tpu.memref_squeeze %dma_wait3A_156 : memref<1x640xf32, #tpu.memory_space<vmem>> -> memref<640xf32, #tpu.memory_space<vmem>>
        %dma_wait3A_158 = tpu.memref_slice %arg19[%run_scoped3A_106, %mul3A_105] : memref<16x10240xf32, #tpu.memory_space<vmem_shared>> -> memref<1x640xf32, #tpu.memory_space<vmem_shared>>
        %dma_wait3A_159 = tpu.memref_squeeze %dma_wait3A_158 : memref<1x640xf32, #tpu.memory_space<vmem_shared>> -> memref<640xf32, #tpu.memory_space<vmem_shared>>
        tpu.wait_dma2 semaphore(%run_scoped3A_141 : memref<!tpu.dma_semaphore, #tpu.memory_space<semaphore_mem>>) src(%dma_wait3A_159 : memref<640xf32, #tpu.memory_space<vmem_shared>>) dst(%dma_wait3A_157 : memref<640xf32, #tpu.memory_space<vmem>>)
        tpu.yield
      }) : () -> ()
      %mul3A_108 = arith.constant 640 : i32
      %mul3A_109 = arith.muli %arg1, %mul3A_108 : i32
      %run_scoped3A_110 = arith.constant 10 : i32
      %run_scoped3A_111 = arith.constant 10 : i32
      "tpu.region"() ({
        %run_scoped3A_141 = tpu.sem_alloc : memref<!tpu.dma_semaphore, #tpu.memory_space<semaphore_mem>>
        %dma_start3A = arith.constant 0 : i32
        %dma_start3A_142 = tpu.memref_slice %arg17[%run_scoped3A_111, %dma_start3A] : memref<16x640xf32, #tpu.memory_space<vmem>> -> memref<1x640xf32, #tpu.memory_space<vmem>>
        %dma_start3A_143 = tpu.memref_squeeze %dma_start3A_142 : memref<1x640xf32, #tpu.memory_space<vmem>> -> memref<640xf32, #tpu.memory_space<vmem>>
        %dma_start3A_144 = tpu.memref_slice %arg19[%run_scoped3A_110, %mul3A_109] : memref<16x10240xf32, #tpu.memory_space<vmem_shared>> -> memref<1x640xf32, #tpu.memory_space<vmem_shared>>
        %dma_start3A_145 = tpu.memref_squeeze %dma_start3A_144 : memref<1x640xf32, #tpu.memory_space<vmem_shared>> -> memref<640xf32, #tpu.memory_space<vmem_shared>>
        %dma_start3A_146 = arith.constant 0 : i32
        %dma_start3A_147 = tpu.memref_slice %arg17[%run_scoped3A_111, %dma_start3A_146] : memref<16x640xf32, #tpu.memory_space<vmem>> -> memref<1x640xf32, #tpu.memory_space<vmem>>
        %dma_start3A_148 = tpu.memref_squeeze %dma_start3A_147 : memref<1x640xf32, #tpu.memory_space<vmem>> -> memref<640xf32, #tpu.memory_space<vmem>>
        %dma_start3A_149 = tpu.memref_slice %arg19[%run_scoped3A_110, %mul3A_109] : memref<16x10240xf32, #tpu.memory_space<vmem_shared>> -> memref<1x640xf32, #tpu.memory_space<vmem_shared>>
        %dma_start3A_150 = tpu.memref_squeeze %dma_start3A_149 : memref<1x640xf32, #tpu.memory_space<vmem_shared>> -> memref<640xf32, #tpu.memory_space<vmem_shared>>
        tpu.enqueue_dma source(%dma_start3A_150 : memref<640xf32, #tpu.memory_space<vmem_shared>>) target(%dma_start3A_148 : memref<640xf32, #tpu.memory_space<vmem>>) target_semaphore(%run_scoped3A_141 : memref<!tpu.dma_semaphore, #tpu.memory_space<semaphore_mem>>)
        %dma_wait3A = arith.constant 0 : i32
        %dma_wait3A_151 = tpu.memref_slice %arg17[%run_scoped3A_111, %dma_wait3A] : memref<16x640xf32, #tpu.memory_space<vmem>> -> memref<1x640xf32, #tpu.memory_space<vmem>>
        %dma_wait3A_152 = tpu.memref_squeeze %dma_wait3A_151 : memref<1x640xf32, #tpu.memory_space<vmem>> -> memref<640xf32, #tpu.memory_space<vmem>>
        %dma_wait3A_153 = tpu.memref_slice %arg19[%run_scoped3A_110, %mul3A_109] : memref<16x10240xf32, #tpu.memory_space<vmem_shared>> -> memref<1x640xf32, #tpu.memory_space<vmem_shared>>
        %dma_wait3A_154 = tpu.memref_squeeze %dma_wait3A_153 : memref<1x640xf32, #tpu.memory_space<vmem_shared>> -> memref<640xf32, #tpu.memory_space<vmem_shared>>
        %dma_wait3A_155 = arith.constant 0 : i32
        %dma_wait3A_156 = tpu.memref_slice %arg17[%run_scoped3A_111, %dma_wait3A_155] : memref<16x640xf32, #tpu.memory_space<vmem>> -> memref<1x640xf32, #tpu.memory_space<vmem>>
        %dma_wait3A_157 = tpu.memref_squeeze %dma_wait3A_156 : memref<1x640xf32, #tpu.memory_space<vmem>> -> memref<640xf32, #tpu.memory_space<vmem>>
        %dma_wait3A_158 = tpu.memref_slice %arg19[%run_scoped3A_110, %mul3A_109] : memref<16x10240xf32, #tpu.memory_space<vmem_shared>> -> memref<1x640xf32, #tpu.memory_space<vmem_shared>>
        %dma_wait3A_159 = tpu.memref_squeeze %dma_wait3A_158 : memref<1x640xf32, #tpu.memory_space<vmem_shared>> -> memref<640xf32, #tpu.memory_space<vmem_shared>>
        tpu.wait_dma2 semaphore(%run_scoped3A_141 : memref<!tpu.dma_semaphore, #tpu.memory_space<semaphore_mem>>) src(%dma_wait3A_159 : memref<640xf32, #tpu.memory_space<vmem_shared>>) dst(%dma_wait3A_157 : memref<640xf32, #tpu.memory_space<vmem>>)
        tpu.yield
      }) : () -> ()
      %mul3A_112 = arith.constant 640 : i32
      %mul3A_113 = arith.muli %arg1, %mul3A_112 : i32
      %run_scoped3A_114 = arith.constant 11 : i32
      %run_scoped3A_115 = arith.constant 11 : i32
      "tpu.region"() ({
        %run_scoped3A_141 = tpu.sem_alloc : memref<!tpu.dma_semaphore, #tpu.memory_space<semaphore_mem>>
        %dma_start3A = arith.constant 0 : i32
        %dma_start3A_142 = tpu.memref_slice %arg17[%run_scoped3A_115, %dma_start3A] : memref<16x640xf32, #tpu.memory_space<vmem>> -> memref<1x640xf32, #tpu.memory_space<vmem>>
        %dma_start3A_143 = tpu.memref_squeeze %dma_start3A_142 : memref<1x640xf32, #tpu.memory_space<vmem>> -> memref<640xf32, #tpu.memory_space<vmem>>
        %dma_start3A_144 = tpu.memref_slice %arg19[%run_scoped3A_114, %mul3A_113] : memref<16x10240xf32, #tpu.memory_space<vmem_shared>> -> memref<1x640xf32, #tpu.memory_space<vmem_shared>>
        %dma_start3A_145 = tpu.memref_squeeze %dma_start3A_144 : memref<1x640xf32, #tpu.memory_space<vmem_shared>> -> memref<640xf32, #tpu.memory_space<vmem_shared>>
        %dma_start3A_146 = arith.constant 0 : i32
        %dma_start3A_147 = tpu.memref_slice %arg17[%run_scoped3A_115, %dma_start3A_146] : memref<16x640xf32, #tpu.memory_space<vmem>> -> memref<1x640xf32, #tpu.memory_space<vmem>>
        %dma_start3A_148 = tpu.memref_squeeze %dma_start3A_147 : memref<1x640xf32, #tpu.memory_space<vmem>> -> memref<640xf32, #tpu.memory_space<vmem>>
        %dma_start3A_149 = tpu.memref_slice %arg19[%run_scoped3A_114, %mul3A_113] : memref<16x10240xf32, #tpu.memory_space<vmem_shared>> -> memref<1x640xf32, #tpu.memory_space<vmem_shared>>
        %dma_start3A_150 = tpu.memref_squeeze %dma_start3A_149 : memref<1x640xf32, #tpu.memory_space<vmem_shared>> -> memref<640xf32, #tpu.memory_space<vmem_shared>>
        tpu.enqueue_dma source(%dma_start3A_150 : memref<640xf32, #tpu.memory_space<vmem_shared>>) target(%dma_start3A_148 : memref<640xf32, #tpu.memory_space<vmem>>) target_semaphore(%run_scoped3A_141 : memref<!tpu.dma_semaphore, #tpu.memory_space<semaphore_mem>>)
        %dma_wait3A = arith.constant 0 : i32
        %dma_wait3A_151 = tpu.memref_slice %arg17[%run_scoped3A_115, %dma_wait3A] : memref<16x640xf32, #tpu.memory_space<vmem>> -> memref<1x640xf32, #tpu.memory_space<vmem>>
        %dma_wait3A_152 = tpu.memref_squeeze %dma_wait3A_151 : memref<1x640xf32, #tpu.memory_space<vmem>> -> memref<640xf32, #tpu.memory_space<vmem>>
        %dma_wait3A_153 = tpu.memref_slice %arg19[%run_scoped3A_114, %mul3A_113] : memref<16x10240xf32, #tpu.memory_space<vmem_shared>> -> memref<1x640xf32, #tpu.memory_space<vmem_shared>>
        %dma_wait3A_154 = tpu.memref_squeeze %dma_wait3A_153 : memref<1x640xf32, #tpu.memory_space<vmem_shared>> -> memref<640xf32, #tpu.memory_space<vmem_shared>>
        %dma_wait3A_155 = arith.constant 0 : i32
        %dma_wait3A_156 = tpu.memref_slice %arg17[%run_scoped3A_115, %dma_wait3A_155] : memref<16x640xf32, #tpu.memory_space<vmem>> -> memref<1x640xf32, #tpu.memory_space<vmem>>
        %dma_wait3A_157 = tpu.memref_squeeze %dma_wait3A_156 : memref<1x640xf32, #tpu.memory_space<vmem>> -> memref<640xf32, #tpu.memory_space<vmem>>
        %dma_wait3A_158 = tpu.memref_slice %arg19[%run_scoped3A_114, %mul3A_113] : memref<16x10240xf32, #tpu.memory_space<vmem_shared>> -> memref<1x640xf32, #tpu.memory_space<vmem_shared>>
        %dma_wait3A_159 = tpu.memref_squeeze %dma_wait3A_158 : memref<1x640xf32, #tpu.memory_space<vmem_shared>> -> memref<640xf32, #tpu.memory_space<vmem_shared>>
        tpu.wait_dma2 semaphore(%run_scoped3A_141 : memref<!tpu.dma_semaphore, #tpu.memory_space<semaphore_mem>>) src(%dma_wait3A_159 : memref<640xf32, #tpu.memory_space<vmem_shared>>) dst(%dma_wait3A_157 : memref<640xf32, #tpu.memory_space<vmem>>)
        tpu.yield
      }) : () -> ()
      %mul3A_116 = arith.constant 640 : i32
      %mul3A_117 = arith.muli %arg1, %mul3A_116 : i32
      %run_scoped3A_118 = arith.constant 12 : i32
      %run_scoped3A_119 = arith.constant 12 : i32
      "tpu.region"() ({
        %run_scoped3A_141 = tpu.sem_alloc : memref<!tpu.dma_semaphore, #tpu.memory_space<semaphore_mem>>
        %dma_start3A = arith.constant 0 : i32
        %dma_start3A_142 = tpu.memref_slice %arg17[%run_scoped3A_119, %dma_start3A] : memref<16x640xf32, #tpu.memory_space<vmem>> -> memref<1x640xf32, #tpu.memory_space<vmem>>
        %dma_start3A_143 = tpu.memref_squeeze %dma_start3A_142 : memref<1x640xf32, #tpu.memory_space<vmem>> -> memref<640xf32, #tpu.memory_space<vmem>>
        %dma_start3A_144 = tpu.memref_slice %arg19[%run_scoped3A_118, %mul3A_117] : memref<16x10240xf32, #tpu.memory_space<vmem_shared>> -> memref<1x640xf32, #tpu.memory_space<vmem_shared>>
        %dma_start3A_145 = tpu.memref_squeeze %dma_start3A_144 : memref<1x640xf32, #tpu.memory_space<vmem_shared>> -> memref<640xf32, #tpu.memory_space<vmem_shared>>
        %dma_start3A_146 = arith.constant 0 : i32
        %dma_start3A_147 = tpu.memref_slice %arg17[%run_scoped3A_119, %dma_start3A_146] : memref<16x640xf32, #tpu.memory_space<vmem>> -> memref<1x640xf32, #tpu.memory_space<vmem>>
        %dma_start3A_148 = tpu.memref_squeeze %dma_start3A_147 : memref<1x640xf32, #tpu.memory_space<vmem>> -> memref<640xf32, #tpu.memory_space<vmem>>
        %dma_start3A_149 = tpu.memref_slice %arg19[%run_scoped3A_118, %mul3A_117] : memref<16x10240xf32, #tpu.memory_space<vmem_shared>> -> memref<1x640xf32, #tpu.memory_space<vmem_shared>>
        %dma_start3A_150 = tpu.memref_squeeze %dma_start3A_149 : memref<1x640xf32, #tpu.memory_space<vmem_shared>> -> memref<640xf32, #tpu.memory_space<vmem_shared>>
        tpu.enqueue_dma source(%dma_start3A_150 : memref<640xf32, #tpu.memory_space<vmem_shared>>) target(%dma_start3A_148 : memref<640xf32, #tpu.memory_space<vmem>>) target_semaphore(%run_scoped3A_141 : memref<!tpu.dma_semaphore, #tpu.memory_space<semaphore_mem>>)
        %dma_wait3A = arith.constant 0 : i32
        %dma_wait3A_151 = tpu.memref_slice %arg17[%run_scoped3A_119, %dma_wait3A] : memref<16x640xf32, #tpu.memory_space<vmem>> -> memref<1x640xf32, #tpu.memory_space<vmem>>
        %dma_wait3A_152 = tpu.memref_squeeze %dma_wait3A_151 : memref<1x640xf32, #tpu.memory_space<vmem>> -> memref<640xf32, #tpu.memory_space<vmem>>
        %dma_wait3A_153 = tpu.memref_slice %arg19[%run_scoped3A_118, %mul3A_117] : memref<16x10240xf32, #tpu.memory_space<vmem_shared>> -> memref<1x640xf32, #tpu.memory_space<vmem_shared>>
        %dma_wait3A_154 = tpu.memref_squeeze %dma_wait3A_153 : memref<1x640xf32, #tpu.memory_space<vmem_shared>> -> memref<640xf32, #tpu.memory_space<vmem_shared>>
        %dma_wait3A_155 = arith.constant 0 : i32
        %dma_wait3A_156 = tpu.memref_slice %arg17[%run_scoped3A_119, %dma_wait3A_155] : memref<16x640xf32, #tpu.memory_space<vmem>> -> memref<1x640xf32, #tpu.memory_space<vmem>>
        %dma_wait3A_157 = tpu.memref_squeeze %dma_wait3A_156 : memref<1x640xf32, #tpu.memory_space<vmem>> -> memref<640xf32, #tpu.memory_space<vmem>>
        %dma_wait3A_158 = tpu.memref_slice %arg19[%run_scoped3A_118, %mul3A_117] : memref<16x10240xf32, #tpu.memory_space<vmem_shared>> -> memref<1x640xf32, #tpu.memory_space<vmem_shared>>
        %dma_wait3A_159 = tpu.memref_squeeze %dma_wait3A_158 : memref<1x640xf32, #tpu.memory_space<vmem_shared>> -> memref<640xf32, #tpu.memory_space<vmem_shared>>
        tpu.wait_dma2 semaphore(%run_scoped3A_141 : memref<!tpu.dma_semaphore, #tpu.memory_space<semaphore_mem>>) src(%dma_wait3A_159 : memref<640xf32, #tpu.memory_space<vmem_shared>>) dst(%dma_wait3A_157 : memref<640xf32, #tpu.memory_space<vmem>>)
        tpu.yield
      }) : () -> ()
      %mul3A_120 = arith.constant 640 : i32
      %mul3A_121 = arith.muli %arg1, %mul3A_120 : i32
      %run_scoped3A_122 = arith.constant 13 : i32
      %run_scoped3A_123 = arith.constant 13 : i32
      "tpu.region"() ({
        %run_scoped3A_141 = tpu.sem_alloc : memref<!tpu.dma_semaphore, #tpu.memory_space<semaphore_mem>>
        %dma_start3A = arith.constant 0 : i32
        %dma_start3A_142 = tpu.memref_slice %arg17[%run_scoped3A_123, %dma_start3A] : memref<16x640xf32, #tpu.memory_space<vmem>> -> memref<1x640xf32, #tpu.memory_space<vmem>>
        %dma_start3A_143 = tpu.memref_squeeze %dma_start3A_142 : memref<1x640xf32, #tpu.memory_space<vmem>> -> memref<640xf32, #tpu.memory_space<vmem>>
        %dma_start3A_144 = tpu.memref_slice %arg19[%run_scoped3A_122, %mul3A_121] : memref<16x10240xf32, #tpu.memory_space<vmem_shared>> -> memref<1x640xf32, #tpu.memory_space<vmem_shared>>
        %dma_start3A_145 = tpu.memref_squeeze %dma_start3A_144 : memref<1x640xf32, #tpu.memory_space<vmem_shared>> -> memref<640xf32, #tpu.memory_space<vmem_shared>>
        %dma_start3A_146 = arith.constant 0 : i32
        %dma_start3A_147 = tpu.memref_slice %arg17[%run_scoped3A_123, %dma_start3A_146] : memref<16x640xf32, #tpu.memory_space<vmem>> -> memref<1x640xf32, #tpu.memory_space<vmem>>
        %dma_start3A_148 = tpu.memref_squeeze %dma_start3A_147 : memref<1x640xf32, #tpu.memory_space<vmem>> -> memref<640xf32, #tpu.memory_space<vmem>>
        %dma_start3A_149 = tpu.memref_slice %arg19[%run_scoped3A_122, %mul3A_121] : memref<16x10240xf32, #tpu.memory_space<vmem_shared>> -> memref<1x640xf32, #tpu.memory_space<vmem_shared>>
        %dma_start3A_150 = tpu.memref_squeeze %dma_start3A_149 : memref<1x640xf32, #tpu.memory_space<vmem_shared>> -> memref<640xf32, #tpu.memory_space<vmem_shared>>
        tpu.enqueue_dma source(%dma_start3A_150 : memref<640xf32, #tpu.memory_space<vmem_shared>>) target(%dma_start3A_148 : memref<640xf32, #tpu.memory_space<vmem>>) target_semaphore(%run_scoped3A_141 : memref<!tpu.dma_semaphore, #tpu.memory_space<semaphore_mem>>)
        %dma_wait3A = arith.constant 0 : i32
        %dma_wait3A_151 = tpu.memref_slice %arg17[%run_scoped3A_123, %dma_wait3A] : memref<16x640xf32, #tpu.memory_space<vmem>> -> memref<1x640xf32, #tpu.memory_space<vmem>>
        %dma_wait3A_152 = tpu.memref_squeeze %dma_wait3A_151 : memref<1x640xf32, #tpu.memory_space<vmem>> -> memref<640xf32, #tpu.memory_space<vmem>>
        %dma_wait3A_153 = tpu.memref_slice %arg19[%run_scoped3A_122, %mul3A_121] : memref<16x10240xf32, #tpu.memory_space<vmem_shared>> -> memref<1x640xf32, #tpu.memory_space<vmem_shared>>
        %dma_wait3A_154 = tpu.memref_squeeze %dma_wait3A_153 : memref<1x640xf32, #tpu.memory_space<vmem_shared>> -> memref<640xf32, #tpu.memory_space<vmem_shared>>
        %dma_wait3A_155 = arith.constant 0 : i32
        %dma_wait3A_156 = tpu.memref_slice %arg17[%run_scoped3A_123, %dma_wait3A_155] : memref<16x640xf32, #tpu.memory_space<vmem>> -> memref<1x640xf32, #tpu.memory_space<vmem>>
        %dma_wait3A_157 = tpu.memref_squeeze %dma_wait3A_156 : memref<1x640xf32, #tpu.memory_space<vmem>> -> memref<640xf32, #tpu.memory_space<vmem>>
        %dma_wait3A_158 = tpu.memref_slice %arg19[%run_scoped3A_122, %mul3A_121] : memref<16x10240xf32, #tpu.memory_space<vmem_shared>> -> memref<1x640xf32, #tpu.memory_space<vmem_shared>>
        %dma_wait3A_159 = tpu.memref_squeeze %dma_wait3A_158 : memref<1x640xf32, #tpu.memory_space<vmem_shared>> -> memref<640xf32, #tpu.memory_space<vmem_shared>>
        tpu.wait_dma2 semaphore(%run_scoped3A_141 : memref<!tpu.dma_semaphore, #tpu.memory_space<semaphore_mem>>) src(%dma_wait3A_159 : memref<640xf32, #tpu.memory_space<vmem_shared>>) dst(%dma_wait3A_157 : memref<640xf32, #tpu.memory_space<vmem>>)
        tpu.yield
      }) : () -> ()
      %mul3A_124 = arith.constant 640 : i32
      %mul3A_125 = arith.muli %arg1, %mul3A_124 : i32
      %run_scoped3A_126 = arith.constant 14 : i32
      %run_scoped3A_127 = arith.constant 14 : i32
      "tpu.region"() ({
        %run_scoped3A_141 = tpu.sem_alloc : memref<!tpu.dma_semaphore, #tpu.memory_space<semaphore_mem>>
        %dma_start3A = arith.constant 0 : i32
        %dma_start3A_142 = tpu.memref_slice %arg17[%run_scoped3A_127, %dma_start3A] : memref<16x640xf32, #tpu.memory_space<vmem>> -> memref<1x640xf32, #tpu.memory_space<vmem>>
        %dma_start3A_143 = tpu.memref_squeeze %dma_start3A_142 : memref<1x640xf32, #tpu.memory_space<vmem>> -> memref<640xf32, #tpu.memory_space<vmem>>
        %dma_start3A_144 = tpu.memref_slice %arg19[%run_scoped3A_126, %mul3A_125] : memref<16x10240xf32, #tpu.memory_space<vmem_shared>> -> memref<1x640xf32, #tpu.memory_space<vmem_shared>>
        %dma_start3A_145 = tpu.memref_squeeze %dma_start3A_144 : memref<1x640xf32, #tpu.memory_space<vmem_shared>> -> memref<640xf32, #tpu.memory_space<vmem_shared>>
        %dma_start3A_146 = arith.constant 0 : i32
        %dma_start3A_147 = tpu.memref_slice %arg17[%run_scoped3A_127, %dma_start3A_146] : memref<16x640xf32, #tpu.memory_space<vmem>> -> memref<1x640xf32, #tpu.memory_space<vmem>>
        %dma_start3A_148 = tpu.memref_squeeze %dma_start3A_147 : memref<1x640xf32, #tpu.memory_space<vmem>> -> memref<640xf32, #tpu.memory_space<vmem>>
        %dma_start3A_149 = tpu.memref_slice %arg19[%run_scoped3A_126, %mul3A_125] : memref<16x10240xf32, #tpu.memory_space<vmem_shared>> -> memref<1x640xf32, #tpu.memory_space<vmem_shared>>
        %dma_start3A_150 = tpu.memref_squeeze %dma_start3A_149 : memref<1x640xf32, #tpu.memory_space<vmem_shared>> -> memref<640xf32, #tpu.memory_space<vmem_shared>>
        tpu.enqueue_dma source(%dma_start3A_150 : memref<640xf32, #tpu.memory_space<vmem_shared>>) target(%dma_start3A_148 : memref<640xf32, #tpu.memory_space<vmem>>) target_semaphore(%run_scoped3A_141 : memref<!tpu.dma_semaphore, #tpu.memory_space<semaphore_mem>>)
        %dma_wait3A = arith.constant 0 : i32
        %dma_wait3A_151 = tpu.memref_slice %arg17[%run_scoped3A_127, %dma_wait3A] : memref<16x640xf32, #tpu.memory_space<vmem>> -> memref<1x640xf32, #tpu.memory_space<vmem>>
        %dma_wait3A_152 = tpu.memref_squeeze %dma_wait3A_151 : memref<1x640xf32, #tpu.memory_space<vmem>> -> memref<640xf32, #tpu.memory_space<vmem>>
        %dma_wait3A_153 = tpu.memref_slice %arg19[%run_scoped3A_126, %mul3A_125] : memref<16x10240xf32, #tpu.memory_space<vmem_shared>> -> memref<1x640xf32, #tpu.memory_space<vmem_shared>>
        %dma_wait3A_154 = tpu.memref_squeeze %dma_wait3A_153 : memref<1x640xf32, #tpu.memory_space<vmem_shared>> -> memref<640xf32, #tpu.memory_space<vmem_shared>>
        %dma_wait3A_155 = arith.constant 0 : i32
        %dma_wait3A_156 = tpu.memref_slice %arg17[%run_scoped3A_127, %dma_wait3A_155] : memref<16x640xf32, #tpu.memory_space<vmem>> -> memref<1x640xf32, #tpu.memory_space<vmem>>
        %dma_wait3A_157 = tpu.memref_squeeze %dma_wait3A_156 : memref<1x640xf32, #tpu.memory_space<vmem>> -> memref<640xf32, #tpu.memory_space<vmem>>
        %dma_wait3A_158 = tpu.memref_slice %arg19[%run_scoped3A_126, %mul3A_125] : memref<16x10240xf32, #tpu.memory_space<vmem_shared>> -> memref<1x640xf32, #tpu.memory_space<vmem_shared>>
        %dma_wait3A_159 = tpu.memref_squeeze %dma_wait3A_158 : memref<1x640xf32, #tpu.memory_space<vmem_shared>> -> memref<640xf32, #tpu.memory_space<vmem_shared>>
        tpu.wait_dma2 semaphore(%run_scoped3A_141 : memref<!tpu.dma_semaphore, #tpu.memory_space<semaphore_mem>>) src(%dma_wait3A_159 : memref<640xf32, #tpu.memory_space<vmem_shared>>) dst(%dma_wait3A_157 : memref<640xf32, #tpu.memory_space<vmem>>)
        tpu.yield
      }) : () -> ()
      %mul3A_128 = arith.constant 640 : i32
      %mul3A_129 = arith.muli %arg1, %mul3A_128 : i32
      %run_scoped3A_130 = arith.constant 15 : i32
      %run_scoped3A_131 = arith.constant 15 : i32
      "tpu.region"() ({
        %run_scoped3A_141 = tpu.sem_alloc : memref<!tpu.dma_semaphore, #tpu.memory_space<semaphore_mem>>
        %dma_start3A = arith.constant 0 : i32
        %dma_start3A_142 = tpu.memref_slice %arg17[%run_scoped3A_131, %dma_start3A] : memref<16x640xf32, #tpu.memory_space<vmem>> -> memref<1x640xf32, #tpu.memory_space<vmem>>
        %dma_start3A_143 = tpu.memref_squeeze %dma_start3A_142 : memref<1x640xf32, #tpu.memory_space<vmem>> -> memref<640xf32, #tpu.memory_space<vmem>>
        %dma_start3A_144 = tpu.memref_slice %arg19[%run_scoped3A_130, %mul3A_129] : memref<16x10240xf32, #tpu.memory_space<vmem_shared>> -> memref<1x640xf32, #tpu.memory_space<vmem_shared>>
        %dma_start3A_145 = tpu.memref_squeeze %dma_start3A_144 : memref<1x640xf32, #tpu.memory_space<vmem_shared>> -> memref<640xf32, #tpu.memory_space<vmem_shared>>
        %dma_start3A_146 = arith.constant 0 : i32
        %dma_start3A_147 = tpu.memref_slice %arg17[%run_scoped3A_131, %dma_start3A_146] : memref<16x640xf32, #tpu.memory_space<vmem>> -> memref<1x640xf32, #tpu.memory_space<vmem>>
        %dma_start3A_148 = tpu.memref_squeeze %dma_start3A_147 : memref<1x640xf32, #tpu.memory_space<vmem>> -> memref<640xf32, #tpu.memory_space<vmem>>
        %dma_start3A_149 = tpu.memref_slice %arg19[%run_scoped3A_130, %mul3A_129] : memref<16x10240xf32, #tpu.memory_space<vmem_shared>> -> memref<1x640xf32, #tpu.memory_space<vmem_shared>>
        %dma_start3A_150 = tpu.memref_squeeze %dma_start3A_149 : memref<1x640xf32, #tpu.memory_space<vmem_shared>> -> memref<640xf32, #tpu.memory_space<vmem_shared>>
        tpu.enqueue_dma source(%dma_start3A_150 : memref<640xf32, #tpu.memory_space<vmem_shared>>) target(%dma_start3A_148 : memref<640xf32, #tpu.memory_space<vmem>>) target_semaphore(%run_scoped3A_141 : memref<!tpu.dma_semaphore, #tpu.memory_space<semaphore_mem>>)
        %dma_wait3A = arith.constant 0 : i32
        %dma_wait3A_151 = tpu.memref_slice %arg17[%run_scoped3A_131, %dma_wait3A] : memref<16x640xf32, #tpu.memory_space<vmem>> -> memref<1x640xf32, #tpu.memory_space<vmem>>
        %dma_wait3A_152 = tpu.memref_squeeze %dma_wait3A_151 : memref<1x640xf32, #tpu.memory_space<vmem>> -> memref<640xf32, #tpu.memory_space<vmem>>
        %dma_wait3A_153 = tpu.memref_slice %arg19[%run_scoped3A_130, %mul3A_129] : memref<16x10240xf32, #tpu.memory_space<vmem_shared>> -> memref<1x640xf32, #tpu.memory_space<vmem_shared>>
        %dma_wait3A_154 = tpu.memref_squeeze %dma_wait3A_153 : memref<1x640xf32, #tpu.memory_space<vmem_shared>> -> memref<640xf32, #tpu.memory_space<vmem_shared>>
        %dma_wait3A_155 = arith.constant 0 : i32
        %dma_wait3A_156 = tpu.memref_slice %arg17[%run_scoped3A_131, %dma_wait3A_155] : memref<16x640xf32, #tpu.memory_space<vmem>> -> memref<1x640xf32, #tpu.memory_space<vmem>>
        %dma_wait3A_157 = tpu.memref_squeeze %dma_wait3A_156 : memref<1x640xf32, #tpu.memory_space<vmem>> -> memref<640xf32, #tpu.memory_space<vmem>>
        %dma_wait3A_158 = tpu.memref_slice %arg19[%run_scoped3A_130, %mul3A_129] : memref<16x10240xf32, #tpu.memory_space<vmem_shared>> -> memref<1x640xf32, #tpu.memory_space<vmem_shared>>
        %dma_wait3A_159 = tpu.memref_squeeze %dma_wait3A_158 : memref<1x640xf32, #tpu.memory_space<vmem_shared>> -> memref<640xf32, #tpu.memory_space<vmem_shared>>
        tpu.wait_dma2 semaphore(%run_scoped3A_141 : memref<!tpu.dma_semaphore, #tpu.memory_space<semaphore_mem>>) src(%dma_wait3A_159 : memref<640xf32, #tpu.memory_space<vmem_shared>>) dst(%dma_wait3A_157 : memref<640xf32, #tpu.memory_space<vmem>>)
        tpu.yield
      }) : () -> ()
      %scan3A_132 = arith.constant 0 : i32
      %scan3A_133 = arith.constant 0 : i32
      %scan3A_134 = arith.constant 40 : i32
      %scan3A_135 = arith.addi %scan3A_133, %scan3A_134 : i32
      %scan3A_136 = arith.constant 1 : i32
      scf.for %scan3A_141 = %scan3A_133 to %scan3A_135 step %scan3A_136  : i32 {
        %mul3A_142 = arith.constant 16 : i32
        %mul3A_143 = arith.muli %scan3A_141, %mul3A_142 : i32
        %get3A = arith.constant 0 : i32
        %get3A_144 = arith.index_cast %get3A : i32 to index
        %get3A_145 = arith.index_cast %mul3A_143 : i32 to index
        %get3A_146 = tpu.vector_load %arg17[%get3A_144, %get3A_145] {strides = array<i32>} : memref<16x640xf32, #tpu.memory_space<vmem>>, vector<16xf32>,
        %get3A_147 = arith.constant 1 : i32
        %get3A_148 = arith.index_cast %get3A_147 : i32 to index
        %get3A_149 = arith.index_cast %mul3A_143 : i32 to index
        %get3A_150 = tpu.vector_load %arg17[%get3A_148, %get3A_149] {strides = array<i32>} : memref<16x640xf32, #tpu.memory_space<vmem>>, vector<16xf32>,
        %max3A = arith.maximumf %get3A_146, %get3A_150 : vector<16xf32>
        %get3A_151 = arith.constant 2 : i32
        %get3A_152 = arith.index_cast %get3A_151 : i32 to index
        %get3A_153 = arith.index_cast %mul3A_143 : i32 to index
        %get3A_154 = tpu.vector_load %arg17[%get3A_152, %get3A_153] {strides = array<i32>} : memref<16x640xf32, #tpu.memory_space<vmem>>, vector<16xf32>,
        %max3A_155 = arith.maximumf %max3A, %get3A_154 : vector<16xf32>
        %get3A_156 = arith.constant 3 : i32
        %get3A_157 = arith.index_cast %get3A_156 : i32 to index
        %get3A_158 = arith.index_cast %mul3A_143 : i32 to index
        %get3A_159 = tpu.vector_load %arg17[%get3A_157, %get3A_158] {strides = array<i32>} : memref<16x640xf32, #tpu.memory_space<vmem>>, vector<16xf32>,
        %max3A_160 = arith.maximumf %max3A_155, %get3A_159 : vector<16xf32>
        %get3A_161 = arith.constant 4 : i32
        %get3A_162 = arith.index_cast %get3A_161 : i32 to index
        %get3A_163 = arith.index_cast %mul3A_143 : i32 to index
        %get3A_164 = tpu.vector_load %arg17[%get3A_162, %get3A_163] {strides = array<i32>} : memref<16x640xf32, #tpu.memory_space<vmem>>, vector<16xf32>,
        %max3A_165 = arith.maximumf %max3A_160, %get3A_164 : vector<16xf32>
        %get3A_166 = arith.constant 5 : i32
        %get3A_167 = arith.index_cast %get3A_166 : i32 to index
        %get3A_168 = arith.index_cast %mul3A_143 : i32 to index
        %get3A_169 = tpu.vector_load %arg17[%get3A_167, %get3A_168] {strides = array<i32>} : memref<16x640xf32, #tpu.memory_space<vmem>>, vector<16xf32>,
        %max3A_170 = arith.maximumf %max3A_165, %get3A_169 : vector<16xf32>
        %get3A_171 = arith.constant 6 : i32
        %get3A_172 = arith.index_cast %get3A_171 : i32 to index
        %get3A_173 = arith.index_cast %mul3A_143 : i32 to index
        %get3A_174 = tpu.vector_load %arg17[%get3A_172, %get3A_173] {strides = array<i32>} : memref<16x640xf32, #tpu.memory_space<vmem>>, vector<16xf32>,
        %max3A_175 = arith.maximumf %max3A_170, %get3A_174 : vector<16xf32>
        %get3A_176 = arith.constant 7 : i32
        %get3A_177 = arith.index_cast %get3A_176 : i32 to index
        %get3A_178 = arith.index_cast %mul3A_143 : i32 to index
        %get3A_179 = tpu.vector_load %arg17[%get3A_177, %get3A_178] {strides = array<i32>} : memref<16x640xf32, #tpu.memory_space<vmem>>, vector<16xf32>,
        %max3A_180 = arith.maximumf %max3A_175, %get3A_179 : vector<16xf32>
        %get3A_181 = arith.constant 8 : i32
        %get3A_182 = arith.index_cast %get3A_181 : i32 to index
        %get3A_183 = arith.index_cast %mul3A_143 : i32 to index
        %get3A_184 = tpu.vector_load %arg17[%get3A_182, %get3A_183] {strides = array<i32>} : memref<16x640xf32, #tpu.memory_space<vmem>>, vector<16xf32>,
        %max3A_185 = arith.maximumf %max3A_180, %get3A_184 : vector<16xf32>
        %get3A_186 = arith.constant 9 : i32
        %get3A_187 = arith.index_cast %get3A_186 : i32 to index
        %get3A_188 = arith.index_cast %mul3A_143 : i32 to index
        %get3A_189 = tpu.vector_load %arg17[%get3A_187, %get3A_188] {strides = array<i32>} : memref<16x640xf32, #tpu.memory_space<vmem>>, vector<16xf32>,
        %max3A_190 = arith.maximumf %max3A_185, %get3A_189 : vector<16xf32>
        %get3A_191 = arith.constant 10 : i32
        %get3A_192 = arith.index_cast %get3A_191 : i32 to index
        %get3A_193 = arith.index_cast %mul3A_143 : i32 to index
        %get3A_194 = tpu.vector_load %arg17[%get3A_192, %get3A_193] {strides = array<i32>} : memref<16x640xf32, #tpu.memory_space<vmem>>, vector<16xf32>,
        %max3A_195 = arith.maximumf %max3A_190, %get3A_194 : vector<16xf32>
        %get3A_196 = arith.constant 11 : i32
        %get3A_197 = arith.index_cast %get3A_196 : i32 to index
        %get3A_198 = arith.index_cast %mul3A_143 : i32 to index
        %get3A_199 = tpu.vector_load %arg17[%get3A_197, %get3A_198] {strides = array<i32>} : memref<16x640xf32, #tpu.memory_space<vmem>>, vector<16xf32>,
        %max3A_200 = arith.maximumf %max3A_195, %get3A_199 : vector<16xf32>
        %get3A_201 = arith.constant 12 : i32
        %get3A_202 = arith.index_cast %get3A_201 : i32 to index
        %get3A_203 = arith.index_cast %mul3A_143 : i32 to index
        %get3A_204 = tpu.vector_load %arg17[%get3A_202, %get3A_203] {strides = array<i32>} : memref<16x640xf32, #tpu.memory_space<vmem>>, vector<16xf32>,
        %max3A_205 = arith.maximumf %max3A_200, %get3A_204 : vector<16xf32>
        %get3A_206 = arith.constant 13 : i32
        %get3A_207 = arith.index_cast %get3A_206 : i32 to index
        %get3A_208 = arith.index_cast %mul3A_143 : i32 to index
        %get3A_209 = tpu.vector_load %arg17[%get3A_207, %get3A_208] {strides = array<i32>} : memref<16x640xf32, #tpu.memory_space<vmem>>, vector<16xf32>,
        %max3A_210 = arith.maximumf %max3A_205, %get3A_209 : vector<16xf32>
        %get3A_211 = arith.constant 14 : i32
        %get3A_212 = arith.index_cast %get3A_211 : i32 to index
        %get3A_213 = arith.index_cast %mul3A_143 : i32 to index
        %get3A_214 = tpu.vector_load %arg17[%get3A_212, %get3A_213] {strides = array<i32>} : memref<16x640xf32, #tpu.memory_space<vmem>>, vector<16xf32>,
        %max3A_215 = arith.maximumf %max3A_210, %get3A_214 : vector<16xf32>
        %get3A_216 = arith.constant 15 : i32
        %get3A_217 = arith.index_cast %get3A_216 : i32 to index
        %get3A_218 = arith.index_cast %mul3A_143 : i32 to index
        %get3A_219 = tpu.vector_load %arg17[%get3A_217, %get3A_218] {strides = array<i32>} : memref<16x640xf32, #tpu.memory_space<vmem>>, vector<16xf32>,
        %max3A_220 = arith.maximumf %max3A_215, %get3A_219 : vector<16xf32>
        %swap3A = arith.index_cast %mul3A_143 : i32 to index
        %swap3A_221 = tpu.vector_load %arg16[%swap3A] {strides = array<i32>} : memref<640xf32, #tpu.memory_space<vmem>>, vector<16xf32>,
        tpu.vector_store %arg16[%swap3A], %max3A_220 {strides = array<i32>} : memref<640xf32, #tpu.memory_space<vmem>>, vector<16xf32>,
      }
      %scan3A_137 = arith.constant 40 : i32
      %mul3A_138 = arith.constant 640 : i32
      %mul3A_139 = arith.muli %arg1, %mul3A_138 : i32
      "tpu.region"() ({
        %run_scoped3A_141 = tpu.sem_alloc : memref<!tpu.dma_semaphore, #tpu.memory_space<semaphore_mem>>
        %dma_start3A = tpu.memref_slice %arg20[%mul3A_139] : memref<10240xf32, #tpu.memory_space<vmem_shared>> -> memref<640xf32, #tpu.memory_space<vmem_shared>>
        %dma_start3A_142 = tpu.memref_slice %arg20[%mul3A_139] : memref<10240xf32, #tpu.memory_space<vmem_shared>> -> memref<640xf32, #tpu.memory_space<vmem_shared>>
        tpu.enqueue_dma source(%arg16 : memref<640xf32, #tpu.memory_space<vmem>>) target(%dma_start3A_142 : memref<640xf32, #tpu.memory_space<vmem_shared>>) target_semaphore(%run_scoped3A_141 : memref<!tpu.dma_semaphore, #tpu.memory_space<semaphore_mem>>)
        %dma_wait3A = tpu.memref_slice %arg20[%mul3A_139] : memref<10240xf32, #tpu.memory_space<vmem_shared>> -> memref<640xf32, #tpu.memory_space<vmem_shared>>
        %dma_wait3A_143 = tpu.memref_slice %arg20[%mul3A_139] : memref<10240xf32, #tpu.memory_space<vmem_shared>> -> memref<640xf32, #tpu.memory_space<vmem_shared>>
        tpu.wait_dma2 semaphore(%run_scoped3A_141 : memref<!tpu.dma_semaphore, #tpu.memory_space<semaphore_mem>>) src(%arg16 : memref<640xf32, #tpu.memory_space<vmem>>) dst(%dma_wait3A_143 : memref<640xf32, #tpu.memory_space<vmem_shared>>)
        tpu.yield
      }) : () -> ()
      %barrier3A_140 = arith.constant 0 : index
      tpu.barrier barrier_id(%barrier3A_140)
      "tpu.region"() ({
        %run_scoped3A_141 = tpu.sem_alloc : memref<!tpu.dma_semaphore, #tpu.memory_space<semaphore_mem>>
        tpu.enqueue_dma source(%arg20 : memref<10240xf32, #tpu.memory_space<vmem_shared>>) target(%arg11 : memref<10240xf32, #tpu.memory_space<vmem>>) target_semaphore(%run_scoped3A_141 : memref<!tpu.dma_semaphore, #tpu.memory_space<semaphore_mem>>)
        tpu.wait_dma2 semaphore(%run_scoped3A_141 : memref<!tpu.dma_semaphore, #tpu.memory_space<semaphore_mem>>) src(%arg20 : memref<10240xf32, #tpu.memory_space<vmem_shared>>) dst(%arg11 : memref<10240xf32, #tpu.memory_space<vmem>>)
        tpu.yield
      }) : () -> ()
    }
    %while3A_51 = arith.constant 1 : i32
    scf.for %while3A_56 = %while3A_49 to %while3A_45 step %while3A_51  : i32 {
      %scan3A_57 = arith.constant 0 : i32
      %scan3A_58 = arith.constant 0 : i32
      %scan3A_59 = arith.constant 640 : i32
      %scan3A_60 = arith.addi %scan3A_58, %scan3A_59 : i32
      %scan3A_61 = arith.constant 1 : i32
      scf.for %scan3A_141 = %scan3A_58 to %scan3A_60 step %scan3A_61  : i32 {
        %mul3A_142 = arith.constant 16 : i32
        %mul3A_143 = arith.muli %scan3A_141, %mul3A_142 : i32
        %swap3A = arith.index_cast %mul3A_143 : i32 to index
        %swap3A_144 = tpu.vector_load %arg12[%swap3A] {strides = array<i32>} : memref<10240xf32, #tpu.memory_space<vmem>>, vector<16xf32>,
        tpu.vector_store %arg12[%swap3A], %broadcast_in_dim3A_4 {strides = array<i32>} : memref<10240xf32, #tpu.memory_space<vmem>>, vector<16xf32>,
      }
      %scan3A_62 = arith.constant 640 : i32
      %scan3A_63 = arith.constant 0 : i32
      %scan3A_64 = arith.constant 0 : i32
      %scan3A_65 = arith.constant 1250 : i32
      %scan3A_66 = arith.addi %scan3A_64, %scan3A_65 : i32
      %scan3A_67 = arith.constant 1 : i32
      scf.for %scan3A_141 = %scan3A_64 to %scan3A_66 step %scan3A_67  : i32 {
        %mul3A_142 = arith.constant 16 : i32
        %mul3A_143 = arith.muli %scan3A_141, %mul3A_142 : i32
        %get3A = arith.index_cast %mul3A_143 : i32 to index
        %get3A_144 = tpu.vector_load %arg8[%get3A] {strides = array<i32>} : memref<20000xi32, #tpu.memory_space<vmem>>, vector<16xi32>,
        %get3A_145 = arith.index_cast %mul3A_143 : i32 to index
        %get3A_146 = tpu.vector_load %arg9[%get3A_145] {strides = array<i32>} : memref<20000xi32, #tpu.memory_space<vmem>>, vector<16xi32>,
        %get3A_147 = arith.index_cast %mul3A_143 : i32 to index
        %get3A_148 = tpu.vector_load %arg10[%get3A_147] {strides = array<i32>} : memref<20000xf32, #tpu.memory_space<vmem>>, vector<16xf32>,
        %gather3A = tpu.vector_load_idx %arg11[%get3A_146] : memref<10240xf32, #tpu.memory_space<vmem>>[vector<16xi32>], vector<16xf32>,
        %add3A = arith.addf %gather3A, %get3A_148 : vector<16xf32>
        %masked_sort3A = arith.constant dense<true> : vector<16xi1>
        %masked_sort3A_149 = arith.constant -2147483648 : i32
        %masked_sort3A_150 = vector.broadcast %masked_sort3A_149 : i32 to vector<16xi32>
        %masked_sort3A_151 = arith.xori %get3A_144, %masked_sort3A_150 : vector<16xi32>
        %masked_sort3A_152, %masked_sort3A_153, %masked_sort3A_154 = tpu.sort %masked_sort3A_151, %add3A masked %masked_sort3A : (vector<16xi32>, vector<16xf32>, vector<16xi1>) -> (vector<16xi1>, vector<16xi32>, vector<16xf32>)
        %masked_sort3A_155 = arith.xori %masked_sort3A_153, %masked_sort3A_150 : vector<16xi32>
        %swap3A = arith.constant 0 : index
        %swap3A_156 = tpu.vector_load %arg18[%swap3A] {strides = array<i32>} : memref<16xi32, #tpu.memory_space<vmem>>, vector<16xi32>,
        tpu.vector_store %arg18[%swap3A], %masked_sort3A_155 {strides = array<i32>} : memref<16xi32, #tpu.memory_space<vmem>>, vector<16xi32>,
        %add3A_157 = arith.constant 1 : i32
        %add3A_158 = vector.broadcast %add3A_157 : i32 to vector<16xi32>
        %add3A_159 = arith.addi %iota3A, %add3A_158 : vector<16xi32>
        %min3A = arith.constant 15 : i32
        %min3A_160 = vector.broadcast %min3A : i32 to vector<16xi32>
        %min3A_161 = arith.minsi %add3A_159, %min3A_160 : vector<16xi32>
        %gather3A_162 = tpu.vector_load_idx %arg18[%min3A_161] : memref<16xi32, #tpu.memory_space<vmem>>[vector<16xi32>], vector<16xi32>,
        %reshape3A = vector.shape_cast %min3A_161 : vector<16xi32> to vector<16x1xi32>
        %gather3A_163 = vector.shape_cast %reshape3A : vector<16x1xi32> to vector<16xi32>
        %gather3A_164 = tpu.dynamic_gather %masked_sort3A_154[%gather3A_163] in [0] : vector<16xf32>, vector<16xi32> -> vector<16xf32>
        %eq3A = arith.cmpi eq, %gather3A_162, %masked_sort3A_155 : vector<16xi32>
        %max3A = arith.maximumf %masked_sort3A_154, %gather3A_164 : vector<16xf32>
        %select_n3A = arith.select %eq3A, %max3A, %masked_sort3A_154 : vector<16xi1>, vector<16xf32>
        %add3A_165 = arith.constant 2 : i32
        %add3A_166 = vector.broadcast %add3A_165 : i32 to vector<16xi32>
        %add3A_167 = arith.addi %iota3A, %add3A_166 : vector<16xi32>
        %min3A_168 = arith.constant 15 : i32
        %min3A_169 = vector.broadcast %min3A_168 : i32 to vector<16xi32>
        %min3A_170 = arith.minsi %add3A_167, %min3A_169 : vector<16xi32>
        %gather3A_171 = tpu.vector_load_idx %arg18[%min3A_170] : memref<16xi32, #tpu.memory_space<vmem>>[vector<16xi32>], vector<16xi32>,
        %reshape3A_172 = vector.shape_cast %min3A_170 : vector<16xi32> to vector<16x1xi32>
        %gather3A_173 = vector.shape_cast %reshape3A_172 : vector<16x1xi32> to vector<16xi32>
        %gather3A_174 = tpu.dynamic_gather %select_n3A[%gather3A_173] in [0] : vector<16xf32>, vector<16xi32> -> vector<16xf32>
        %eq3A_175 = arith.cmpi eq, %gather3A_171, %masked_sort3A_155 : vector<16xi32>
        %max3A_176 = arith.maximumf %select_n3A, %gather3A_174 : vector<16xf32>
        %select_n3A_177 = arith.select %eq3A_175, %max3A_176, %select_n3A : vector<16xi1>, vector<16xf32>
        %add3A_178 = arith.constant 4 : i32
        %add3A_179 = vector.broadcast %add3A_178 : i32 to vector<16xi32>
        %add3A_180 = arith.addi %iota3A, %add3A_179 : vector<16xi32>
        %min3A_181 = arith.constant 15 : i32
        %min3A_182 = vector.broadcast %min3A_181 : i32 to vector<16xi32>
        %min3A_183 = arith.minsi %add3A_180, %min3A_182 : vector<16xi32>
        %gather3A_184 = tpu.vector_load_idx %arg18[%min3A_183] : memref<16xi32, #tpu.memory_space<vmem>>[vector<16xi32>], vector<16xi32>,
        %reshape3A_185 = vector.shape_cast %min3A_183 : vector<16xi32> to vector<16x1xi32>
        %gather3A_186 = vector.shape_cast %reshape3A_185 : vector<16x1xi32> to vector<16xi32>
        %gather3A_187 = tpu.dynamic_gather %select_n3A_177[%gather3A_186] in [0] : vector<16xf32>, vector<16xi32> -> vector<16xf32>
        %eq3A_188 = arith.cmpi eq, %gather3A_184, %masked_sort3A_155 : vector<16xi32>
        %max3A_189 = arith.maximumf %select_n3A_177, %gather3A_187 : vector<16xf32>
        %select_n3A_190 = arith.select %eq3A_188, %max3A_189, %select_n3A_177 : vector<16xi1>, vector<16xf32>
        %add3A_191 = arith.constant 8 : i32
        %add3A_192 = vector.broadcast %add3A_191 : i32 to vector<16xi32>
        %add3A_193 = arith.addi %iota3A, %add3A_192 : vector<16xi32>
        %min3A_194 = arith.constant 15 : i32
        %min3A_195 = vector.broadcast %min3A_194 : i32 to vector<16xi32>
        %min3A_196 = arith.minsi %add3A_193, %min3A_195 : vector<16xi32>
        %gather3A_197 = tpu.vector_load_idx %arg18[%min3A_196] : memref<16xi32, #tpu.memory_space<vmem>>[vector<16xi32>], vector<16xi32>,
        %reshape3A_198 = vector.shape_cast %min3A_196 : vector<16xi32> to vector<16x1xi32>
        %gather3A_199 = vector.shape_cast %reshape3A_198 : vector<16x1xi32> to vector<16xi32>
        %gather3A_200 = tpu.dynamic_gather %select_n3A_190[%gather3A_199] in [0] : vector<16xf32>, vector<16xi32> -> vector<16xf32>
        %eq3A_201 = arith.cmpi eq, %gather3A_197, %masked_sort3A_155 : vector<16xi32>
        %max3A_202 = arith.maximumf %select_n3A_190, %gather3A_200 : vector<16xf32>
        %select_n3A_203 = arith.select %eq3A_201, %max3A_202, %select_n3A_190 : vector<16xi1>, vector<16xf32>
        %sub3A_204 = arith.constant 1 : i32
        %sub3A_205 = vector.broadcast %sub3A_204 : i32 to vector<16xi32>
        %sub3A_206 = arith.subi %iota3A, %sub3A_205 : vector<16xi32>
        %max3A_207 = arith.constant 0 : i32
        %max3A_208 = vector.broadcast %max3A_207 : i32 to vector<16xi32>
        %max3A_209 = arith.maxsi %sub3A_206, %max3A_208 : vector<16xi32>
        %gather3A_210 = tpu.vector_load_idx %arg18[%max3A_209] : memref<16xi32, #tpu.memory_space<vmem>>[vector<16xi32>], vector<16xi32>,
        %eq3A_211 = arith.constant 0 : i32
        %eq3A_212 = vector.broadcast %eq3A_211 : i32 to vector<16xi32>
        %eq3A_213 = arith.cmpi eq, %iota3A, %eq3A_212 : vector<16xi32>
        %ne3A = arith.cmpi ne, %gather3A_210, %masked_sort3A_155 : vector<16xi32>
        %or3A = arith.ori %eq3A_213, %ne3A : vector<16xi1>
        %gather3A_214 = tpu.vector_load_idx %arg12[%masked_sort3A_155] : memref<10240xf32, #tpu.memory_space<vmem>>[vector<16xi32>], vector<16xf32>,
        %max3A_215 = arith.maximumf %gather3A_214, %select_n3A_203 : vector<16xf32>
        tpu.vector_store_idx %arg12[%masked_sort3A_155], %max3A_215 masked %or3A : memref<10240xf32, #tpu.memory_space<vmem>>[vector<16xi32>], vector<16xf32>, vector<16xi1>
      }
      %scan3A_68 = arith.constant 1250 : i32
      "tpu.region"() ({
        %run_scoped3A_141 = tpu.sem_alloc : memref<!tpu.dma_semaphore, #tpu.memory_space<semaphore_mem>>
        %dma_start3A = arith.constant 0 : i32
        %dma_start3A_142 = tpu.memref_slice %arg19[%arg1, %dma_start3A] : memref<16x10240xf32, #tpu.memory_space<vmem_shared>> -> memref<1x10240xf32, #tpu.memory_space<vmem_shared>>
        %dma_start3A_143 = tpu.memref_squeeze %dma_start3A_142 : memref<1x10240xf32, #tpu.memory_space<vmem_shared>> -> memref<10240xf32, #tpu.memory_space<vmem_shared>>
        %dma_start3A_144 = arith.constant 0 : i32
        %dma_start3A_145 = tpu.memref_slice %arg19[%arg1, %dma_start3A_144] : memref<16x10240xf32, #tpu.memory_space<vmem_shared>> -> memref<1x10240xf32, #tpu.memory_space<vmem_shared>>
        %dma_start3A_146 = tpu.memref_squeeze %dma_start3A_145 : memref<1x10240xf32, #tpu.memory_space<vmem_shared>> -> memref<10240xf32, #tpu.memory_space<vmem_shared>>
        tpu.enqueue_dma source(%arg12 : memref<10240xf32, #tpu.memory_space<vmem>>) target(%dma_start3A_146 : memref<10240xf32, #tpu.memory_space<vmem_shared>>) target_semaphore(%run_scoped3A_141 : memref<!tpu.dma_semaphore, #tpu.memory_space<semaphore_mem>>)
        %dma_wait3A = arith.constant 0 : i32
        %dma_wait3A_147 = tpu.memref_slice %arg19[%arg1, %dma_wait3A] : memref<16x10240xf32, #tpu.memory_space<vmem_shared>> -> memref<1x10240xf32, #tpu.memory_space<vmem_shared>>
        %dma_wait3A_148 = tpu.memref_squeeze %dma_wait3A_147 : memref<1x10240xf32, #tpu.memory_space<vmem_shared>> -> memref<10240xf32, #tpu.memory_space<vmem_shared>>
        %dma_wait3A_149 = arith.constant 0 : i32
        %dma_wait3A_150 = tpu.memref_slice %arg19[%arg1, %dma_wait3A_149] : memref<16x10240xf32, #tpu.memory_space<vmem_shared>> -> memref<1x10240xf32, #tpu.memory_space<vmem_shared>>
        %dma_wait3A_151 = tpu.memref_squeeze %dma_wait3A_150 : memref<1x10240xf32, #tpu.memory_space<vmem_shared>> -> memref<10240xf32, #tpu.memory_space<vmem_shared>>
        tpu.wait_dma2 semaphore(%run_scoped3A_141 : memref<!tpu.dma_semaphore, #tpu.memory_space<semaphore_mem>>) src(%arg12 : memref<10240xf32, #tpu.memory_space<vmem>>) dst(%dma_wait3A_151 : memref<10240xf32, #tpu.memory_space<vmem_shared>>)
        tpu.yield
      }) : () -> ()
      %barrier3A = arith.constant 0 : index
      tpu.barrier barrier_id(%barrier3A)
      %mul3A_69 = arith.constant 640 : i32
      %mul3A_70 = arith.muli %arg1, %mul3A_69 : i32
      %run_scoped3A = arith.constant 0 : i32
      %run_scoped3A_71 = arith.constant 0 : i32
      "tpu.region"() ({
        %run_scoped3A_141 = tpu.sem_alloc : memref<!tpu.dma_semaphore, #tpu.memory_space<semaphore_mem>>
        %dma_start3A = arith.constant 0 : i32
        %dma_start3A_142 = tpu.memref_slice %arg17[%run_scoped3A_71, %dma_start3A] : memref<16x640xf32, #tpu.memory_space<vmem>> -> memref<1x640xf32, #tpu.memory_space<vmem>>
        %dma_start3A_143 = tpu.memref_squeeze %dma_start3A_142 : memref<1x640xf32, #tpu.memory_space<vmem>> -> memref<640xf32, #tpu.memory_space<vmem>>
        %dma_start3A_144 = tpu.memref_slice %arg19[%run_scoped3A, %mul3A_70] : memref<16x10240xf32, #tpu.memory_space<vmem_shared>> -> memref<1x640xf32, #tpu.memory_space<vmem_shared>>
        %dma_start3A_145 = tpu.memref_squeeze %dma_start3A_144 : memref<1x640xf32, #tpu.memory_space<vmem_shared>> -> memref<640xf32, #tpu.memory_space<vmem_shared>>
        %dma_start3A_146 = arith.constant 0 : i32
        %dma_start3A_147 = tpu.memref_slice %arg17[%run_scoped3A_71, %dma_start3A_146] : memref<16x640xf32, #tpu.memory_space<vmem>> -> memref<1x640xf32, #tpu.memory_space<vmem>>
        %dma_start3A_148 = tpu.memref_squeeze %dma_start3A_147 : memref<1x640xf32, #tpu.memory_space<vmem>> -> memref<640xf32, #tpu.memory_space<vmem>>
        %dma_start3A_149 = tpu.memref_slice %arg19[%run_scoped3A, %mul3A_70] : memref<16x10240xf32, #tpu.memory_space<vmem_shared>> -> memref<1x640xf32, #tpu.memory_space<vmem_shared>>
        %dma_start3A_150 = tpu.memref_squeeze %dma_start3A_149 : memref<1x640xf32, #tpu.memory_space<vmem_shared>> -> memref<640xf32, #tpu.memory_space<vmem_shared>>
        tpu.enqueue_dma source(%dma_start3A_150 : memref<640xf32, #tpu.memory_space<vmem_shared>>) target(%dma_start3A_148 : memref<640xf32, #tpu.memory_space<vmem>>) target_semaphore(%run_scoped3A_141 : memref<!tpu.dma_semaphore, #tpu.memory_space<semaphore_mem>>)
        %dma_wait3A = arith.constant 0 : i32
        %dma_wait3A_151 = tpu.memref_slice %arg17[%run_scoped3A_71, %dma_wait3A] : memref<16x640xf32, #tpu.memory_space<vmem>> -> memref<1x640xf32, #tpu.memory_space<vmem>>
        %dma_wait3A_152 = tpu.memref_squeeze %dma_wait3A_151 : memref<1x640xf32, #tpu.memory_space<vmem>> -> memref<640xf32, #tpu.memory_space<vmem>>
        %dma_wait3A_153 = tpu.memref_slice %arg19[%run_scoped3A, %mul3A_70] : memref<16x10240xf32, #tpu.memory_space<vmem_shared>> -> memref<1x640xf32, #tpu.memory_space<vmem_shared>>
        %dma_wait3A_154 = tpu.memref_squeeze %dma_wait3A_153 : memref<1x640xf32, #tpu.memory_space<vmem_shared>> -> memref<640xf32, #tpu.memory_space<vmem_shared>>
        %dma_wait3A_155 = arith.constant 0 : i32
        %dma_wait3A_156 = tpu.memref_slice %arg17[%run_scoped3A_71, %dma_wait3A_155] : memref<16x640xf32, #tpu.memory_space<vmem>> -> memref<1x640xf32, #tpu.memory_space<vmem>>
        %dma_wait3A_157 = tpu.memref_squeeze %dma_wait3A_156 : memref<1x640xf32, #tpu.memory_space<vmem>> -> memref<640xf32, #tpu.memory_space<vmem>>
        %dma_wait3A_158 = tpu.memref_slice %arg19[%run_scoped3A, %mul3A_70] : memref<16x10240xf32, #tpu.memory_space<vmem_shared>> -> memref<1x640xf32, #tpu.memory_space<vmem_shared>>
        %dma_wait3A_159 = tpu.memref_squeeze %dma_wait3A_158 : memref<1x640xf32, #tpu.memory_space<vmem_shared>> -> memref<640xf32, #tpu.memory_space<vmem_shared>>
        tpu.wait_dma2 semaphore(%run_scoped3A_141 : memref<!tpu.dma_semaphore, #tpu.memory_space<semaphore_mem>>) src(%dma_wait3A_159 : memref<640xf32, #tpu.memory_space<vmem_shared>>) dst(%dma_wait3A_157 : memref<640xf32, #tpu.memory_space<vmem>>)
        tpu.yield
      }) : () -> ()
      %mul3A_72 = arith.constant 640 : i32
      %mul3A_73 = arith.muli %arg1, %mul3A_72 : i32
      %run_scoped3A_74 = arith.constant 1 : i32
      %run_scoped3A_75 = arith.constant 1 : i32
      "tpu.region"() ({
        %run_scoped3A_141 = tpu.sem_alloc : memref<!tpu.dma_semaphore, #tpu.memory_space<semaphore_mem>>
        %dma_start3A = arith.constant 0 : i32
        %dma_start3A_142 = tpu.memref_slice %arg17[%run_scoped3A_75, %dma_start3A] : memref<16x640xf32, #tpu.memory_space<vmem>> -> memref<1x640xf32, #tpu.memory_space<vmem>>
        %dma_start3A_143 = tpu.memref_squeeze %dma_start3A_142 : memref<1x640xf32, #tpu.memory_space<vmem>> -> memref<640xf32, #tpu.memory_space<vmem>>
        %dma_start3A_144 = tpu.memref_slice %arg19[%run_scoped3A_74, %mul3A_73] : memref<16x10240xf32, #tpu.memory_space<vmem_shared>> -> memref<1x640xf32, #tpu.memory_space<vmem_shared>>
        %dma_start3A_145 = tpu.memref_squeeze %dma_start3A_144 : memref<1x640xf32, #tpu.memory_space<vmem_shared>> -> memref<640xf32, #tpu.memory_space<vmem_shared>>
        %dma_start3A_146 = arith.constant 0 : i32
        %dma_start3A_147 = tpu.memref_slice %arg17[%run_scoped3A_75, %dma_start3A_146] : memref<16x640xf32, #tpu.memory_space<vmem>> -> memref<1x640xf32, #tpu.memory_space<vmem>>
        %dma_start3A_148 = tpu.memref_squeeze %dma_start3A_147 : memref<1x640xf32, #tpu.memory_space<vmem>> -> memref<640xf32, #tpu.memory_space<vmem>>
        %dma_start3A_149 = tpu.memref_slice %arg19[%run_scoped3A_74, %mul3A_73] : memref<16x10240xf32, #tpu.memory_space<vmem_shared>> -> memref<1x640xf32, #tpu.memory_space<vmem_shared>>
        %dma_start3A_150 = tpu.memref_squeeze %dma_start3A_149 : memref<1x640xf32, #tpu.memory_space<vmem_shared>> -> memref<640xf32, #tpu.memory_space<vmem_shared>>
        tpu.enqueue_dma source(%dma_start3A_150 : memref<640xf32, #tpu.memory_space<vmem_shared>>) target(%dma_start3A_148 : memref<640xf32, #tpu.memory_space<vmem>>) target_semaphore(%run_scoped3A_141 : memref<!tpu.dma_semaphore, #tpu.memory_space<semaphore_mem>>)
        %dma_wait3A = arith.constant 0 : i32
        %dma_wait3A_151 = tpu.memref_slice %arg17[%run_scoped3A_75, %dma_wait3A] : memref<16x640xf32, #tpu.memory_space<vmem>> -> memref<1x640xf32, #tpu.memory_space<vmem>>
        %dma_wait3A_152 = tpu.memref_squeeze %dma_wait3A_151 : memref<1x640xf32, #tpu.memory_space<vmem>> -> memref<640xf32, #tpu.memory_space<vmem>>
        %dma_wait3A_153 = tpu.memref_slice %arg19[%run_scoped3A_74, %mul3A_73] : memref<16x10240xf32, #tpu.memory_space<vmem_shared>> -> memref<1x640xf32, #tpu.memory_space<vmem_shared>>
        %dma_wait3A_154 = tpu.memref_squeeze %dma_wait3A_153 : memref<1x640xf32, #tpu.memory_space<vmem_shared>> -> memref<640xf32, #tpu.memory_space<vmem_shared>>
        %dma_wait3A_155 = arith.constant 0 : i32
        %dma_wait3A_156 = tpu.memref_slice %arg17[%run_scoped3A_75, %dma_wait3A_155] : memref<16x640xf32, #tpu.memory_space<vmem>> -> memref<1x640xf32, #tpu.memory_space<vmem>>
        %dma_wait3A_157 = tpu.memref_squeeze %dma_wait3A_156 : memref<1x640xf32, #tpu.memory_space<vmem>> -> memref<640xf32, #tpu.memory_space<vmem>>
        %dma_wait3A_158 = tpu.memref_slice %arg19[%run_scoped3A_74, %mul3A_73] : memref<16x10240xf32, #tpu.memory_space<vmem_shared>> -> memref<1x640xf32, #tpu.memory_space<vmem_shared>>
        %dma_wait3A_159 = tpu.memref_squeeze %dma_wait3A_158 : memref<1x640xf32, #tpu.memory_space<vmem_shared>> -> memref<640xf32, #tpu.memory_space<vmem_shared>>
        tpu.wait_dma2 semaphore(%run_scoped3A_141 : memref<!tpu.dma_semaphore, #tpu.memory_space<semaphore_mem>>) src(%dma_wait3A_159 : memref<640xf32, #tpu.memory_space<vmem_shared>>) dst(%dma_wait3A_157 : memref<640xf32, #tpu.memory_space<vmem>>)
        tpu.yield
      }) : () -> ()
      %mul3A_76 = arith.constant 640 : i32
      %mul3A_77 = arith.muli %arg1, %mul3A_76 : i32
      %run_scoped3A_78 = arith.constant 2 : i32
      %run_scoped3A_79 = arith.constant 2 : i32
      "tpu.region"() ({
        %run_scoped3A_141 = tpu.sem_alloc : memref<!tpu.dma_semaphore, #tpu.memory_space<semaphore_mem>>
        %dma_start3A = arith.constant 0 : i32
        %dma_start3A_142 = tpu.memref_slice %arg17[%run_scoped3A_79, %dma_start3A] : memref<16x640xf32, #tpu.memory_space<vmem>> -> memref<1x640xf32, #tpu.memory_space<vmem>>
        %dma_start3A_143 = tpu.memref_squeeze %dma_start3A_142 : memref<1x640xf32, #tpu.memory_space<vmem>> -> memref<640xf32, #tpu.memory_space<vmem>>
        %dma_start3A_144 = tpu.memref_slice %arg19[%run_scoped3A_78, %mul3A_77] : memref<16x10240xf32, #tpu.memory_space<vmem_shared>> -> memref<1x640xf32, #tpu.memory_space<vmem_shared>>
        %dma_start3A_145 = tpu.memref_squeeze %dma_start3A_144 : memref<1x640xf32, #tpu.memory_space<vmem_shared>> -> memref<640xf32, #tpu.memory_space<vmem_shared>>
        %dma_start3A_146 = arith.constant 0 : i32
        %dma_start3A_147 = tpu.memref_slice %arg17[%run_scoped3A_79, %dma_start3A_146] : memref<16x640xf32, #tpu.memory_space<vmem>> -> memref<1x640xf32, #tpu.memory_space<vmem>>
        %dma_start3A_148 = tpu.memref_squeeze %dma_start3A_147 : memref<1x640xf32, #tpu.memory_space<vmem>> -> memref<640xf32, #tpu.memory_space<vmem>>
        %dma_start3A_149 = tpu.memref_slice %arg19[%run_scoped3A_78, %mul3A_77] : memref<16x10240xf32, #tpu.memory_space<vmem_shared>> -> memref<1x640xf32, #tpu.memory_space<vmem_shared>>
        %dma_start3A_150 = tpu.memref_squeeze %dma_start3A_149 : memref<1x640xf32, #tpu.memory_space<vmem_shared>> -> memref<640xf32, #tpu.memory_space<vmem_shared>>
        tpu.enqueue_dma source(%dma_start3A_150 : memref<640xf32, #tpu.memory_space<vmem_shared>>) target(%dma_start3A_148 : memref<640xf32, #tpu.memory_space<vmem>>) target_semaphore(%run_scoped3A_141 : memref<!tpu.dma_semaphore, #tpu.memory_space<semaphore_mem>>)
        %dma_wait3A = arith.constant 0 : i32
        %dma_wait3A_151 = tpu.memref_slice %arg17[%run_scoped3A_79, %dma_wait3A] : memref<16x640xf32, #tpu.memory_space<vmem>> -> memref<1x640xf32, #tpu.memory_space<vmem>>
        %dma_wait3A_152 = tpu.memref_squeeze %dma_wait3A_151 : memref<1x640xf32, #tpu.memory_space<vmem>> -> memref<640xf32, #tpu.memory_space<vmem>>
        %dma_wait3A_153 = tpu.memref_slice %arg19[%run_scoped3A_78, %mul3A_77] : memref<16x10240xf32, #tpu.memory_space<vmem_shared>> -> memref<1x640xf32, #tpu.memory_space<vmem_shared>>
        %dma_wait3A_154 = tpu.memref_squeeze %dma_wait3A_153 : memref<1x640xf32, #tpu.memory_space<vmem_shared>> -> memref<640xf32, #tpu.memory_space<vmem_shared>>
        %dma_wait3A_155 = arith.constant 0 : i32
        %dma_wait3A_156 = tpu.memref_slice %arg17[%run_scoped3A_79, %dma_wait3A_155] : memref<16x640xf32, #tpu.memory_space<vmem>> -> memref<1x640xf32, #tpu.memory_space<vmem>>
        %dma_wait3A_157 = tpu.memref_squeeze %dma_wait3A_156 : memref<1x640xf32, #tpu.memory_space<vmem>> -> memref<640xf32, #tpu.memory_space<vmem>>
        %dma_wait3A_158 = tpu.memref_slice %arg19[%run_scoped3A_78, %mul3A_77] : memref<16x10240xf32, #tpu.memory_space<vmem_shared>> -> memref<1x640xf32, #tpu.memory_space<vmem_shared>>
        %dma_wait3A_159 = tpu.memref_squeeze %dma_wait3A_158 : memref<1x640xf32, #tpu.memory_space<vmem_shared>> -> memref<640xf32, #tpu.memory_space<vmem_shared>>
        tpu.wait_dma2 semaphore(%run_scoped3A_141 : memref<!tpu.dma_semaphore, #tpu.memory_space<semaphore_mem>>) src(%dma_wait3A_159 : memref<640xf32, #tpu.memory_space<vmem_shared>>) dst(%dma_wait3A_157 : memref<640xf32, #tpu.memory_space<vmem>>)
        tpu.yield
      }) : () -> ()
      %mul3A_80 = arith.constant 640 : i32
      %mul3A_81 = arith.muli %arg1, %mul3A_80 : i32
      %run_scoped3A_82 = arith.constant 3 : i32
      %run_scoped3A_83 = arith.constant 3 : i32
      "tpu.region"() ({
        %run_scoped3A_141 = tpu.sem_alloc : memref<!tpu.dma_semaphore, #tpu.memory_space<semaphore_mem>>
        %dma_start3A = arith.constant 0 : i32
        %dma_start3A_142 = tpu.memref_slice %arg17[%run_scoped3A_83, %dma_start3A] : memref<16x640xf32, #tpu.memory_space<vmem>> -> memref<1x640xf32, #tpu.memory_space<vmem>>
        %dma_start3A_143 = tpu.memref_squeeze %dma_start3A_142 : memref<1x640xf32, #tpu.memory_space<vmem>> -> memref<640xf32, #tpu.memory_space<vmem>>
        %dma_start3A_144 = tpu.memref_slice %arg19[%run_scoped3A_82, %mul3A_81] : memref<16x10240xf32, #tpu.memory_space<vmem_shared>> -> memref<1x640xf32, #tpu.memory_space<vmem_shared>>
        %dma_start3A_145 = tpu.memref_squeeze %dma_start3A_144 : memref<1x640xf32, #tpu.memory_space<vmem_shared>> -> memref<640xf32, #tpu.memory_space<vmem_shared>>
        %dma_start3A_146 = arith.constant 0 : i32
        %dma_start3A_147 = tpu.memref_slice %arg17[%run_scoped3A_83, %dma_start3A_146] : memref<16x640xf32, #tpu.memory_space<vmem>> -> memref<1x640xf32, #tpu.memory_space<vmem>>
        %dma_start3A_148 = tpu.memref_squeeze %dma_start3A_147 : memref<1x640xf32, #tpu.memory_space<vmem>> -> memref<640xf32, #tpu.memory_space<vmem>>
        %dma_start3A_149 = tpu.memref_slice %arg19[%run_scoped3A_82, %mul3A_81] : memref<16x10240xf32, #tpu.memory_space<vmem_shared>> -> memref<1x640xf32, #tpu.memory_space<vmem_shared>>
        %dma_start3A_150 = tpu.memref_squeeze %dma_start3A_149 : memref<1x640xf32, #tpu.memory_space<vmem_shared>> -> memref<640xf32, #tpu.memory_space<vmem_shared>>
        tpu.enqueue_dma source(%dma_start3A_150 : memref<640xf32, #tpu.memory_space<vmem_shared>>) target(%dma_start3A_148 : memref<640xf32, #tpu.memory_space<vmem>>) target_semaphore(%run_scoped3A_141 : memref<!tpu.dma_semaphore, #tpu.memory_space<semaphore_mem>>)
        %dma_wait3A = arith.constant 0 : i32
        %dma_wait3A_151 = tpu.memref_slice %arg17[%run_scoped3A_83, %dma_wait3A] : memref<16x640xf32, #tpu.memory_space<vmem>> -> memref<1x640xf32, #tpu.memory_space<vmem>>
        %dma_wait3A_152 = tpu.memref_squeeze %dma_wait3A_151 : memref<1x640xf32, #tpu.memory_space<vmem>> -> memref<640xf32, #tpu.memory_space<vmem>>
        %dma_wait3A_153 = tpu.memref_slice %arg19[%run_scoped3A_82, %mul3A_81] : memref<16x10240xf32, #tpu.memory_space<vmem_shared>> -> memref<1x640xf32, #tpu.memory_space<vmem_shared>>
        %dma_wait3A_154 = tpu.memref_squeeze %dma_wait3A_153 : memref<1x640xf32, #tpu.memory_space<vmem_shared>> -> memref<640xf32, #tpu.memory_space<vmem_shared>>
        %dma_wait3A_155 = arith.constant 0 : i32
        %dma_wait3A_156 = tpu.memref_slice %arg17[%run_scoped3A_83, %dma_wait3A_155] : memref<16x640xf32, #tpu.memory_space<vmem>> -> memref<1x640xf32, #tpu.memory_space<vmem>>
        %dma_wait3A_157 = tpu.memref_squeeze %dma_wait3A_156 : memref<1x640xf32, #tpu.memory_space<vmem>> -> memref<640xf32, #tpu.memory_space<vmem>>
        %dma_wait3A_158 = tpu.memref_slice %arg19[%run_scoped3A_82, %mul3A_81] : memref<16x10240xf32, #tpu.memory_space<vmem_shared>> -> memref<1x640xf32, #tpu.memory_space<vmem_shared>>
        %dma_wait3A_159 = tpu.memref_squeeze %dma_wait3A_158 : memref<1x640xf32, #tpu.memory_space<vmem_shared>> -> memref<640xf32, #tpu.memory_space<vmem_shared>>
        tpu.wait_dma2 semaphore(%run_scoped3A_141 : memref<!tpu.dma_semaphore, #tpu.memory_space<semaphore_mem>>) src(%dma_wait3A_159 : memref<640xf32, #tpu.memory_space<vmem_shared>>) dst(%dma_wait3A_157 : memref<640xf32, #tpu.memory_space<vmem>>)
        tpu.yield
      }) : () -> ()
      %mul3A_84 = arith.constant 640 : i32
      %mul3A_85 = arith.muli %arg1, %mul3A_84 : i32
      %run_scoped3A_86 = arith.constant 4 : i32
      %run_scoped3A_87 = arith.constant 4 : i32
      "tpu.region"() ({
        %run_scoped3A_141 = tpu.sem_alloc : memref<!tpu.dma_semaphore, #tpu.memory_space<semaphore_mem>>
        %dma_start3A = arith.constant 0 : i32
        %dma_start3A_142 = tpu.memref_slice %arg17[%run_scoped3A_87, %dma_start3A] : memref<16x640xf32, #tpu.memory_space<vmem>> -> memref<1x640xf32, #tpu.memory_space<vmem>>
        %dma_start3A_143 = tpu.memref_squeeze %dma_start3A_142 : memref<1x640xf32, #tpu.memory_space<vmem>> -> memref<640xf32, #tpu.memory_space<vmem>>
        %dma_start3A_144 = tpu.memref_slice %arg19[%run_scoped3A_86, %mul3A_85] : memref<16x10240xf32, #tpu.memory_space<vmem_shared>> -> memref<1x640xf32, #tpu.memory_space<vmem_shared>>
        %dma_start3A_145 = tpu.memref_squeeze %dma_start3A_144 : memref<1x640xf32, #tpu.memory_space<vmem_shared>> -> memref<640xf32, #tpu.memory_space<vmem_shared>>
        %dma_start3A_146 = arith.constant 0 : i32
        %dma_start3A_147 = tpu.memref_slice %arg17[%run_scoped3A_87, %dma_start3A_146] : memref<16x640xf32, #tpu.memory_space<vmem>> -> memref<1x640xf32, #tpu.memory_space<vmem>>
        %dma_start3A_148 = tpu.memref_squeeze %dma_start3A_147 : memref<1x640xf32, #tpu.memory_space<vmem>> -> memref<640xf32, #tpu.memory_space<vmem>>
        %dma_start3A_149 = tpu.memref_slice %arg19[%run_scoped3A_86, %mul3A_85] : memref<16x10240xf32, #tpu.memory_space<vmem_shared>> -> memref<1x640xf32, #tpu.memory_space<vmem_shared>>
        %dma_start3A_150 = tpu.memref_squeeze %dma_start3A_149 : memref<1x640xf32, #tpu.memory_space<vmem_shared>> -> memref<640xf32, #tpu.memory_space<vmem_shared>>
        tpu.enqueue_dma source(%dma_start3A_150 : memref<640xf32, #tpu.memory_space<vmem_shared>>) target(%dma_start3A_148 : memref<640xf32, #tpu.memory_space<vmem>>) target_semaphore(%run_scoped3A_141 : memref<!tpu.dma_semaphore, #tpu.memory_space<semaphore_mem>>)
        %dma_wait3A = arith.constant 0 : i32
        %dma_wait3A_151 = tpu.memref_slice %arg17[%run_scoped3A_87, %dma_wait3A] : memref<16x640xf32, #tpu.memory_space<vmem>> -> memref<1x640xf32, #tpu.memory_space<vmem>>
        %dma_wait3A_152 = tpu.memref_squeeze %dma_wait3A_151 : memref<1x640xf32, #tpu.memory_space<vmem>> -> memref<640xf32, #tpu.memory_space<vmem>>
        %dma_wait3A_153 = tpu.memref_slice %arg19[%run_scoped3A_86, %mul3A_85] : memref<16x10240xf32, #tpu.memory_space<vmem_shared>> -> memref<1x640xf32, #tpu.memory_space<vmem_shared>>
        %dma_wait3A_154 = tpu.memref_squeeze %dma_wait3A_153 : memref<1x640xf32, #tpu.memory_space<vmem_shared>> -> memref<640xf32, #tpu.memory_space<vmem_shared>>
        %dma_wait3A_155 = arith.constant 0 : i32
        %dma_wait3A_156 = tpu.memref_slice %arg17[%run_scoped3A_87, %dma_wait3A_155] : memref<16x640xf32, #tpu.memory_space<vmem>> -> memref<1x640xf32, #tpu.memory_space<vmem>>
        %dma_wait3A_157 = tpu.memref_squeeze %dma_wait3A_156 : memref<1x640xf32, #tpu.memory_space<vmem>> -> memref<640xf32, #tpu.memory_space<vmem>>
        %dma_wait3A_158 = tpu.memref_slice %arg19[%run_scoped3A_86, %mul3A_85] : memref<16x10240xf32, #tpu.memory_space<vmem_shared>> -> memref<1x640xf32, #tpu.memory_space<vmem_shared>>
        %dma_wait3A_159 = tpu.memref_squeeze %dma_wait3A_158 : memref<1x640xf32, #tpu.memory_space<vmem_shared>> -> memref<640xf32, #tpu.memory_space<vmem_shared>>
        tpu.wait_dma2 semaphore(%run_scoped3A_141 : memref<!tpu.dma_semaphore, #tpu.memory_space<semaphore_mem>>) src(%dma_wait3A_159 : memref<640xf32, #tpu.memory_space<vmem_shared>>) dst(%dma_wait3A_157 : memref<640xf32, #tpu.memory_space<vmem>>)
        tpu.yield
      }) : () -> ()
      %mul3A_88 = arith.constant 640 : i32
      %mul3A_89 = arith.muli %arg1, %mul3A_88 : i32
      %run_scoped3A_90 = arith.constant 5 : i32
      %run_scoped3A_91 = arith.constant 5 : i32
      "tpu.region"() ({
        %run_scoped3A_141 = tpu.sem_alloc : memref<!tpu.dma_semaphore, #tpu.memory_space<semaphore_mem>>
        %dma_start3A = arith.constant 0 : i32
        %dma_start3A_142 = tpu.memref_slice %arg17[%run_scoped3A_91, %dma_start3A] : memref<16x640xf32, #tpu.memory_space<vmem>> -> memref<1x640xf32, #tpu.memory_space<vmem>>
        %dma_start3A_143 = tpu.memref_squeeze %dma_start3A_142 : memref<1x640xf32, #tpu.memory_space<vmem>> -> memref<640xf32, #tpu.memory_space<vmem>>
        %dma_start3A_144 = tpu.memref_slice %arg19[%run_scoped3A_90, %mul3A_89] : memref<16x10240xf32, #tpu.memory_space<vmem_shared>> -> memref<1x640xf32, #tpu.memory_space<vmem_shared>>
        %dma_start3A_145 = tpu.memref_squeeze %dma_start3A_144 : memref<1x640xf32, #tpu.memory_space<vmem_shared>> -> memref<640xf32, #tpu.memory_space<vmem_shared>>
        %dma_start3A_146 = arith.constant 0 : i32
        %dma_start3A_147 = tpu.memref_slice %arg17[%run_scoped3A_91, %dma_start3A_146] : memref<16x640xf32, #tpu.memory_space<vmem>> -> memref<1x640xf32, #tpu.memory_space<vmem>>
        %dma_start3A_148 = tpu.memref_squeeze %dma_start3A_147 : memref<1x640xf32, #tpu.memory_space<vmem>> -> memref<640xf32, #tpu.memory_space<vmem>>
        %dma_start3A_149 = tpu.memref_slice %arg19[%run_scoped3A_90, %mul3A_89] : memref<16x10240xf32, #tpu.memory_space<vmem_shared>> -> memref<1x640xf32, #tpu.memory_space<vmem_shared>>
        %dma_start3A_150 = tpu.memref_squeeze %dma_start3A_149 : memref<1x640xf32, #tpu.memory_space<vmem_shared>> -> memref<640xf32, #tpu.memory_space<vmem_shared>>
        tpu.enqueue_dma source(%dma_start3A_150 : memref<640xf32, #tpu.memory_space<vmem_shared>>) target(%dma_start3A_148 : memref<640xf32, #tpu.memory_space<vmem>>) target_semaphore(%run_scoped3A_141 : memref<!tpu.dma_semaphore, #tpu.memory_space<semaphore_mem>>)
        %dma_wait3A = arith.constant 0 : i32
        %dma_wait3A_151 = tpu.memref_slice %arg17[%run_scoped3A_91, %dma_wait3A] : memref<16x640xf32, #tpu.memory_space<vmem>> -> memref<1x640xf32, #tpu.memory_space<vmem>>
        %dma_wait3A_152 = tpu.memref_squeeze %dma_wait3A_151 : memref<1x640xf32, #tpu.memory_space<vmem>> -> memref<640xf32, #tpu.memory_space<vmem>>
        %dma_wait3A_153 = tpu.memref_slice %arg19[%run_scoped3A_90, %mul3A_89] : memref<16x10240xf32, #tpu.memory_space<vmem_shared>> -> memref<1x640xf32, #tpu.memory_space<vmem_shared>>
        %dma_wait3A_154 = tpu.memref_squeeze %dma_wait3A_153 : memref<1x640xf32, #tpu.memory_space<vmem_shared>> -> memref<640xf32, #tpu.memory_space<vmem_shared>>
        %dma_wait3A_155 = arith.constant 0 : i32
        %dma_wait3A_156 = tpu.memref_slice %arg17[%run_scoped3A_91, %dma_wait3A_155] : memref<16x640xf32, #tpu.memory_space<vmem>> -> memref<1x640xf32, #tpu.memory_space<vmem>>
        %dma_wait3A_157 = tpu.memref_squeeze %dma_wait3A_156 : memref<1x640xf32, #tpu.memory_space<vmem>> -> memref<640xf32, #tpu.memory_space<vmem>>
        %dma_wait3A_158 = tpu.memref_slice %arg19[%run_scoped3A_90, %mul3A_89] : memref<16x10240xf32, #tpu.memory_space<vmem_shared>> -> memref<1x640xf32, #tpu.memory_space<vmem_shared>>
        %dma_wait3A_159 = tpu.memref_squeeze %dma_wait3A_158 : memref<1x640xf32, #tpu.memory_space<vmem_shared>> -> memref<640xf32, #tpu.memory_space<vmem_shared>>
        tpu.wait_dma2 semaphore(%run_scoped3A_141 : memref<!tpu.dma_semaphore, #tpu.memory_space<semaphore_mem>>) src(%dma_wait3A_159 : memref<640xf32, #tpu.memory_space<vmem_shared>>) dst(%dma_wait3A_157 : memref<640xf32, #tpu.memory_space<vmem>>)
        tpu.yield
      }) : () -> ()
      %mul3A_92 = arith.constant 640 : i32
      %mul3A_93 = arith.muli %arg1, %mul3A_92 : i32
      %run_scoped3A_94 = arith.constant 6 : i32
      %run_scoped3A_95 = arith.constant 6 : i32
      "tpu.region"() ({
        %run_scoped3A_141 = tpu.sem_alloc : memref<!tpu.dma_semaphore, #tpu.memory_space<semaphore_mem>>
        %dma_start3A = arith.constant 0 : i32
        %dma_start3A_142 = tpu.memref_slice %arg17[%run_scoped3A_95, %dma_start3A] : memref<16x640xf32, #tpu.memory_space<vmem>> -> memref<1x640xf32, #tpu.memory_space<vmem>>
        %dma_start3A_143 = tpu.memref_squeeze %dma_start3A_142 : memref<1x640xf32, #tpu.memory_space<vmem>> -> memref<640xf32, #tpu.memory_space<vmem>>
        %dma_start3A_144 = tpu.memref_slice %arg19[%run_scoped3A_94, %mul3A_93] : memref<16x10240xf32, #tpu.memory_space<vmem_shared>> -> memref<1x640xf32, #tpu.memory_space<vmem_shared>>
        %dma_start3A_145 = tpu.memref_squeeze %dma_start3A_144 : memref<1x640xf32, #tpu.memory_space<vmem_shared>> -> memref<640xf32, #tpu.memory_space<vmem_shared>>
        %dma_start3A_146 = arith.constant 0 : i32
        %dma_start3A_147 = tpu.memref_slice %arg17[%run_scoped3A_95, %dma_start3A_146] : memref<16x640xf32, #tpu.memory_space<vmem>> -> memref<1x640xf32, #tpu.memory_space<vmem>>
        %dma_start3A_148 = tpu.memref_squeeze %dma_start3A_147 : memref<1x640xf32, #tpu.memory_space<vmem>> -> memref<640xf32, #tpu.memory_space<vmem>>
        %dma_start3A_149 = tpu.memref_slice %arg19[%run_scoped3A_94, %mul3A_93] : memref<16x10240xf32, #tpu.memory_space<vmem_shared>> -> memref<1x640xf32, #tpu.memory_space<vmem_shared>>
        %dma_start3A_150 = tpu.memref_squeeze %dma_start3A_149 : memref<1x640xf32, #tpu.memory_space<vmem_shared>> -> memref<640xf32, #tpu.memory_space<vmem_shared>>
        tpu.enqueue_dma source(%dma_start3A_150 : memref<640xf32, #tpu.memory_space<vmem_shared>>) target(%dma_start3A_148 : memref<640xf32, #tpu.memory_space<vmem>>) target_semaphore(%run_scoped3A_141 : memref<!tpu.dma_semaphore, #tpu.memory_space<semaphore_mem>>)
        %dma_wait3A = arith.constant 0 : i32
        %dma_wait3A_151 = tpu.memref_slice %arg17[%run_scoped3A_95, %dma_wait3A] : memref<16x640xf32, #tpu.memory_space<vmem>> -> memref<1x640xf32, #tpu.memory_space<vmem>>
        %dma_wait3A_152 = tpu.memref_squeeze %dma_wait3A_151 : memref<1x640xf32, #tpu.memory_space<vmem>> -> memref<640xf32, #tpu.memory_space<vmem>>
        %dma_wait3A_153 = tpu.memref_slice %arg19[%run_scoped3A_94, %mul3A_93] : memref<16x10240xf32, #tpu.memory_space<vmem_shared>> -> memref<1x640xf32, #tpu.memory_space<vmem_shared>>
        %dma_wait3A_154 = tpu.memref_squeeze %dma_wait3A_153 : memref<1x640xf32, #tpu.memory_space<vmem_shared>> -> memref<640xf32, #tpu.memory_space<vmem_shared>>
        %dma_wait3A_155 = arith.constant 0 : i32
        %dma_wait3A_156 = tpu.memref_slice %arg17[%run_scoped3A_95, %dma_wait3A_155] : memref<16x640xf32, #tpu.memory_space<vmem>> -> memref<1x640xf32, #tpu.memory_space<vmem>>
        %dma_wait3A_157 = tpu.memref_squeeze %dma_wait3A_156 : memref<1x640xf32, #tpu.memory_space<vmem>> -> memref<640xf32, #tpu.memory_space<vmem>>
        %dma_wait3A_158 = tpu.memref_slice %arg19[%run_scoped3A_94, %mul3A_93] : memref<16x10240xf32, #tpu.memory_space<vmem_shared>> -> memref<1x640xf32, #tpu.memory_space<vmem_shared>>
        %dma_wait3A_159 = tpu.memref_squeeze %dma_wait3A_158 : memref<1x640xf32, #tpu.memory_space<vmem_shared>> -> memref<640xf32, #tpu.memory_space<vmem_shared>>
        tpu.wait_dma2 semaphore(%run_scoped3A_141 : memref<!tpu.dma_semaphore, #tpu.memory_space<semaphore_mem>>) src(%dma_wait3A_159 : memref<640xf32, #tpu.memory_space<vmem_shared>>) dst(%dma_wait3A_157 : memref<640xf32, #tpu.memory_space<vmem>>)
        tpu.yield
      }) : () -> ()
      %mul3A_96 = arith.constant 640 : i32
      %mul3A_97 = arith.muli %arg1, %mul3A_96 : i32
      %run_scoped3A_98 = arith.constant 7 : i32
      %run_scoped3A_99 = arith.constant 7 : i32
      "tpu.region"() ({
        %run_scoped3A_141 = tpu.sem_alloc : memref<!tpu.dma_semaphore, #tpu.memory_space<semaphore_mem>>
        %dma_start3A = arith.constant 0 : i32
        %dma_start3A_142 = tpu.memref_slice %arg17[%run_scoped3A_99, %dma_start3A] : memref<16x640xf32, #tpu.memory_space<vmem>> -> memref<1x640xf32, #tpu.memory_space<vmem>>
        %dma_start3A_143 = tpu.memref_squeeze %dma_start3A_142 : memref<1x640xf32, #tpu.memory_space<vmem>> -> memref<640xf32, #tpu.memory_space<vmem>>
        %dma_start3A_144 = tpu.memref_slice %arg19[%run_scoped3A_98, %mul3A_97] : memref<16x10240xf32, #tpu.memory_space<vmem_shared>> -> memref<1x640xf32, #tpu.memory_space<vmem_shared>>
        %dma_start3A_145 = tpu.memref_squeeze %dma_start3A_144 : memref<1x640xf32, #tpu.memory_space<vmem_shared>> -> memref<640xf32, #tpu.memory_space<vmem_shared>>
        %dma_start3A_146 = arith.constant 0 : i32
        %dma_start3A_147 = tpu.memref_slice %arg17[%run_scoped3A_99, %dma_start3A_146] : memref<16x640xf32, #tpu.memory_space<vmem>> -> memref<1x640xf32, #tpu.memory_space<vmem>>
        %dma_start3A_148 = tpu.memref_squeeze %dma_start3A_147 : memref<1x640xf32, #tpu.memory_space<vmem>> -> memref<640xf32, #tpu.memory_space<vmem>>
        %dma_start3A_149 = tpu.memref_slice %arg19[%run_scoped3A_98, %mul3A_97] : memref<16x10240xf32, #tpu.memory_space<vmem_shared>> -> memref<1x640xf32, #tpu.memory_space<vmem_shared>>
        %dma_start3A_150 = tpu.memref_squeeze %dma_start3A_149 : memref<1x640xf32, #tpu.memory_space<vmem_shared>> -> memref<640xf32, #tpu.memory_space<vmem_shared>>
        tpu.enqueue_dma source(%dma_start3A_150 : memref<640xf32, #tpu.memory_space<vmem_shared>>) target(%dma_start3A_148 : memref<640xf32, #tpu.memory_space<vmem>>) target_semaphore(%run_scoped3A_141 : memref<!tpu.dma_semaphore, #tpu.memory_space<semaphore_mem>>)
        %dma_wait3A = arith.constant 0 : i32
        %dma_wait3A_151 = tpu.memref_slice %arg17[%run_scoped3A_99, %dma_wait3A] : memref<16x640xf32, #tpu.memory_space<vmem>> -> memref<1x640xf32, #tpu.memory_space<vmem>>
        %dma_wait3A_152 = tpu.memref_squeeze %dma_wait3A_151 : memref<1x640xf32, #tpu.memory_space<vmem>> -> memref<640xf32, #tpu.memory_space<vmem>>
        %dma_wait3A_153 = tpu.memref_slice %arg19[%run_scoped3A_98, %mul3A_97] : memref<16x10240xf32, #tpu.memory_space<vmem_shared>> -> memref<1x640xf32, #tpu.memory_space<vmem_shared>>
        %dma_wait3A_154 = tpu.memref_squeeze %dma_wait3A_153 : memref<1x640xf32, #tpu.memory_space<vmem_shared>> -> memref<640xf32, #tpu.memory_space<vmem_shared>>
        %dma_wait3A_155 = arith.constant 0 : i32
        %dma_wait3A_156 = tpu.memref_slice %arg17[%run_scoped3A_99, %dma_wait3A_155] : memref<16x640xf32, #tpu.memory_space<vmem>> -> memref<1x640xf32, #tpu.memory_space<vmem>>
        %dma_wait3A_157 = tpu.memref_squeeze %dma_wait3A_156 : memref<1x640xf32, #tpu.memory_space<vmem>> -> memref<640xf32, #tpu.memory_space<vmem>>
        %dma_wait3A_158 = tpu.memref_slice %arg19[%run_scoped3A_98, %mul3A_97] : memref<16x10240xf32, #tpu.memory_space<vmem_shared>> -> memref<1x640xf32, #tpu.memory_space<vmem_shared>>
        %dma_wait3A_159 = tpu.memref_squeeze %dma_wait3A_158 : memref<1x640xf32, #tpu.memory_space<vmem_shared>> -> memref<640xf32, #tpu.memory_space<vmem_shared>>
        tpu.wait_dma2 semaphore(%run_scoped3A_141 : memref<!tpu.dma_semaphore, #tpu.memory_space<semaphore_mem>>) src(%dma_wait3A_159 : memref<640xf32, #tpu.memory_space<vmem_shared>>) dst(%dma_wait3A_157 : memref<640xf32, #tpu.memory_space<vmem>>)
        tpu.yield
      }) : () -> ()
      %mul3A_100 = arith.constant 640 : i32
      %mul3A_101 = arith.muli %arg1, %mul3A_100 : i32
      %run_scoped3A_102 = arith.constant 8 : i32
      %run_scoped3A_103 = arith.constant 8 : i32
      "tpu.region"() ({
        %run_scoped3A_141 = tpu.sem_alloc : memref<!tpu.dma_semaphore, #tpu.memory_space<semaphore_mem>>
        %dma_start3A = arith.constant 0 : i32
        %dma_start3A_142 = tpu.memref_slice %arg17[%run_scoped3A_103, %dma_start3A] : memref<16x640xf32, #tpu.memory_space<vmem>> -> memref<1x640xf32, #tpu.memory_space<vmem>>
        %dma_start3A_143 = tpu.memref_squeeze %dma_start3A_142 : memref<1x640xf32, #tpu.memory_space<vmem>> -> memref<640xf32, #tpu.memory_space<vmem>>
        %dma_start3A_144 = tpu.memref_slice %arg19[%run_scoped3A_102, %mul3A_101] : memref<16x10240xf32, #tpu.memory_space<vmem_shared>> -> memref<1x640xf32, #tpu.memory_space<vmem_shared>>
        %dma_start3A_145 = tpu.memref_squeeze %dma_start3A_144 : memref<1x640xf32, #tpu.memory_space<vmem_shared>> -> memref<640xf32, #tpu.memory_space<vmem_shared>>
        %dma_start3A_146 = arith.constant 0 : i32
        %dma_start3A_147 = tpu.memref_slice %arg17[%run_scoped3A_103, %dma_start3A_146] : memref<16x640xf32, #tpu.memory_space<vmem>> -> memref<1x640xf32, #tpu.memory_space<vmem>>
        %dma_start3A_148 = tpu.memref_squeeze %dma_start3A_147 : memref<1x640xf32, #tpu.memory_space<vmem>> -> memref<640xf32, #tpu.memory_space<vmem>>
        %dma_start3A_149 = tpu.memref_slice %arg19[%run_scoped3A_102, %mul3A_101] : memref<16x10240xf32, #tpu.memory_space<vmem_shared>> -> memref<1x640xf32, #tpu.memory_space<vmem_shared>>
        %dma_start3A_150 = tpu.memref_squeeze %dma_start3A_149 : memref<1x640xf32, #tpu.memory_space<vmem_shared>> -> memref<640xf32, #tpu.memory_space<vmem_shared>>
        tpu.enqueue_dma source(%dma_start3A_150 : memref<640xf32, #tpu.memory_space<vmem_shared>>) target(%dma_start3A_148 : memref<640xf32, #tpu.memory_space<vmem>>) target_semaphore(%run_scoped3A_141 : memref<!tpu.dma_semaphore, #tpu.memory_space<semaphore_mem>>)
        %dma_wait3A = arith.constant 0 : i32
        %dma_wait3A_151 = tpu.memref_slice %arg17[%run_scoped3A_103, %dma_wait3A] : memref<16x640xf32, #tpu.memory_space<vmem>> -> memref<1x640xf32, #tpu.memory_space<vmem>>
        %dma_wait3A_152 = tpu.memref_squeeze %dma_wait3A_151 : memref<1x640xf32, #tpu.memory_space<vmem>> -> memref<640xf32, #tpu.memory_space<vmem>>
        %dma_wait3A_153 = tpu.memref_slice %arg19[%run_scoped3A_102, %mul3A_101] : memref<16x10240xf32, #tpu.memory_space<vmem_shared>> -> memref<1x640xf32, #tpu.memory_space<vmem_shared>>
        %dma_wait3A_154 = tpu.memref_squeeze %dma_wait3A_153 : memref<1x640xf32, #tpu.memory_space<vmem_shared>> -> memref<640xf32, #tpu.memory_space<vmem_shared>>
        %dma_wait3A_155 = arith.constant 0 : i32
        %dma_wait3A_156 = tpu.memref_slice %arg17[%run_scoped3A_103, %dma_wait3A_155] : memref<16x640xf32, #tpu.memory_space<vmem>> -> memref<1x640xf32, #tpu.memory_space<vmem>>
        %dma_wait3A_157 = tpu.memref_squeeze %dma_wait3A_156 : memref<1x640xf32, #tpu.memory_space<vmem>> -> memref<640xf32, #tpu.memory_space<vmem>>
        %dma_wait3A_158 = tpu.memref_slice %arg19[%run_scoped3A_102, %mul3A_101] : memref<16x10240xf32, #tpu.memory_space<vmem_shared>> -> memref<1x640xf32, #tpu.memory_space<vmem_shared>>
        %dma_wait3A_159 = tpu.memref_squeeze %dma_wait3A_158 : memref<1x640xf32, #tpu.memory_space<vmem_shared>> -> memref<640xf32, #tpu.memory_space<vmem_shared>>
        tpu.wait_dma2 semaphore(%run_scoped3A_141 : memref<!tpu.dma_semaphore, #tpu.memory_space<semaphore_mem>>) src(%dma_wait3A_159 : memref<640xf32, #tpu.memory_space<vmem_shared>>) dst(%dma_wait3A_157 : memref<640xf32, #tpu.memory_space<vmem>>)
        tpu.yield
      }) : () -> ()
      %mul3A_104 = arith.constant 640 : i32
      %mul3A_105 = arith.muli %arg1, %mul3A_104 : i32
      %run_scoped3A_106 = arith.constant 9 : i32
      %run_scoped3A_107 = arith.constant 9 : i32
      "tpu.region"() ({
        %run_scoped3A_141 = tpu.sem_alloc : memref<!tpu.dma_semaphore, #tpu.memory_space<semaphore_mem>>
        %dma_start3A = arith.constant 0 : i32
        %dma_start3A_142 = tpu.memref_slice %arg17[%run_scoped3A_107, %dma_start3A] : memref<16x640xf32, #tpu.memory_space<vmem>> -> memref<1x640xf32, #tpu.memory_space<vmem>>
        %dma_start3A_143 = tpu.memref_squeeze %dma_start3A_142 : memref<1x640xf32, #tpu.memory_space<vmem>> -> memref<640xf32, #tpu.memory_space<vmem>>
        %dma_start3A_144 = tpu.memref_slice %arg19[%run_scoped3A_106, %mul3A_105] : memref<16x10240xf32, #tpu.memory_space<vmem_shared>> -> memref<1x640xf32, #tpu.memory_space<vmem_shared>>
        %dma_start3A_145 = tpu.memref_squeeze %dma_start3A_144 : memref<1x640xf32, #tpu.memory_space<vmem_shared>> -> memref<640xf32, #tpu.memory_space<vmem_shared>>
        %dma_start3A_146 = arith.constant 0 : i32
        %dma_start3A_147 = tpu.memref_slice %arg17[%run_scoped3A_107, %dma_start3A_146] : memref<16x640xf32, #tpu.memory_space<vmem>> -> memref<1x640xf32, #tpu.memory_space<vmem>>
        %dma_start3A_148 = tpu.memref_squeeze %dma_start3A_147 : memref<1x640xf32, #tpu.memory_space<vmem>> -> memref<640xf32, #tpu.memory_space<vmem>>
        %dma_start3A_149 = tpu.memref_slice %arg19[%run_scoped3A_106, %mul3A_105] : memref<16x10240xf32, #tpu.memory_space<vmem_shared>> -> memref<1x640xf32, #tpu.memory_space<vmem_shared>>
        %dma_start3A_150 = tpu.memref_squeeze %dma_start3A_149 : memref<1x640xf32, #tpu.memory_space<vmem_shared>> -> memref<640xf32, #tpu.memory_space<vmem_shared>>
        tpu.enqueue_dma source(%dma_start3A_150 : memref<640xf32, #tpu.memory_space<vmem_shared>>) target(%dma_start3A_148 : memref<640xf32, #tpu.memory_space<vmem>>) target_semaphore(%run_scoped3A_141 : memref<!tpu.dma_semaphore, #tpu.memory_space<semaphore_mem>>)
        %dma_wait3A = arith.constant 0 : i32
        %dma_wait3A_151 = tpu.memref_slice %arg17[%run_scoped3A_107, %dma_wait3A] : memref<16x640xf32, #tpu.memory_space<vmem>> -> memref<1x640xf32, #tpu.memory_space<vmem>>
        %dma_wait3A_152 = tpu.memref_squeeze %dma_wait3A_151 : memref<1x640xf32, #tpu.memory_space<vmem>> -> memref<640xf32, #tpu.memory_space<vmem>>
        %dma_wait3A_153 = tpu.memref_slice %arg19[%run_scoped3A_106, %mul3A_105] : memref<16x10240xf32, #tpu.memory_space<vmem_shared>> -> memref<1x640xf32, #tpu.memory_space<vmem_shared>>
        %dma_wait3A_154 = tpu.memref_squeeze %dma_wait3A_153 : memref<1x640xf32, #tpu.memory_space<vmem_shared>> -> memref<640xf32, #tpu.memory_space<vmem_shared>>
        %dma_wait3A_155 = arith.constant 0 : i32
        %dma_wait3A_156 = tpu.memref_slice %arg17[%run_scoped3A_107, %dma_wait3A_155] : memref<16x640xf32, #tpu.memory_space<vmem>> -> memref<1x640xf32, #tpu.memory_space<vmem>>
        %dma_wait3A_157 = tpu.memref_squeeze %dma_wait3A_156 : memref<1x640xf32, #tpu.memory_space<vmem>> -> memref<640xf32, #tpu.memory_space<vmem>>
        %dma_wait3A_158 = tpu.memref_slice %arg19[%run_scoped3A_106, %mul3A_105] : memref<16x10240xf32, #tpu.memory_space<vmem_shared>> -> memref<1x640xf32, #tpu.memory_space<vmem_shared>>
        %dma_wait3A_159 = tpu.memref_squeeze %dma_wait3A_158 : memref<1x640xf32, #tpu.memory_space<vmem_shared>> -> memref<640xf32, #tpu.memory_space<vmem_shared>>
        tpu.wait_dma2 semaphore(%run_scoped3A_141 : memref<!tpu.dma_semaphore, #tpu.memory_space<semaphore_mem>>) src(%dma_wait3A_159 : memref<640xf32, #tpu.memory_space<vmem_shared>>) dst(%dma_wait3A_157 : memref<640xf32, #tpu.memory_space<vmem>>)
        tpu.yield
      }) : () -> ()
      %mul3A_108 = arith.constant 640 : i32
      %mul3A_109 = arith.muli %arg1, %mul3A_108 : i32
      %run_scoped3A_110 = arith.constant 10 : i32
      %run_scoped3A_111 = arith.constant 10 : i32
      "tpu.region"() ({
        %run_scoped3A_141 = tpu.sem_alloc : memref<!tpu.dma_semaphore, #tpu.memory_space<semaphore_mem>>
        %dma_start3A = arith.constant 0 : i32
        %dma_start3A_142 = tpu.memref_slice %arg17[%run_scoped3A_111, %dma_start3A] : memref<16x640xf32, #tpu.memory_space<vmem>> -> memref<1x640xf32, #tpu.memory_space<vmem>>
        %dma_start3A_143 = tpu.memref_squeeze %dma_start3A_142 : memref<1x640xf32, #tpu.memory_space<vmem>> -> memref<640xf32, #tpu.memory_space<vmem>>
        %dma_start3A_144 = tpu.memref_slice %arg19[%run_scoped3A_110, %mul3A_109] : memref<16x10240xf32, #tpu.memory_space<vmem_shared>> -> memref<1x640xf32, #tpu.memory_space<vmem_shared>>
        %dma_start3A_145 = tpu.memref_squeeze %dma_start3A_144 : memref<1x640xf32, #tpu.memory_space<vmem_shared>> -> memref<640xf32, #tpu.memory_space<vmem_shared>>
        %dma_start3A_146 = arith.constant 0 : i32
        %dma_start3A_147 = tpu.memref_slice %arg17[%run_scoped3A_111, %dma_start3A_146] : memref<16x640xf32, #tpu.memory_space<vmem>> -> memref<1x640xf32, #tpu.memory_space<vmem>>
        %dma_start3A_148 = tpu.memref_squeeze %dma_start3A_147 : memref<1x640xf32, #tpu.memory_space<vmem>> -> memref<640xf32, #tpu.memory_space<vmem>>
        %dma_start3A_149 = tpu.memref_slice %arg19[%run_scoped3A_110, %mul3A_109] : memref<16x10240xf32, #tpu.memory_space<vmem_shared>> -> memref<1x640xf32, #tpu.memory_space<vmem_shared>>
        %dma_start3A_150 = tpu.memref_squeeze %dma_start3A_149 : memref<1x640xf32, #tpu.memory_space<vmem_shared>> -> memref<640xf32, #tpu.memory_space<vmem_shared>>
        tpu.enqueue_dma source(%dma_start3A_150 : memref<640xf32, #tpu.memory_space<vmem_shared>>) target(%dma_start3A_148 : memref<640xf32, #tpu.memory_space<vmem>>) target_semaphore(%run_scoped3A_141 : memref<!tpu.dma_semaphore, #tpu.memory_space<semaphore_mem>>)
        %dma_wait3A = arith.constant 0 : i32
        %dma_wait3A_151 = tpu.memref_slice %arg17[%run_scoped3A_111, %dma_wait3A] : memref<16x640xf32, #tpu.memory_space<vmem>> -> memref<1x640xf32, #tpu.memory_space<vmem>>
        %dma_wait3A_152 = tpu.memref_squeeze %dma_wait3A_151 : memref<1x640xf32, #tpu.memory_space<vmem>> -> memref<640xf32, #tpu.memory_space<vmem>>
        %dma_wait3A_153 = tpu.memref_slice %arg19[%run_scoped3A_110, %mul3A_109] : memref<16x10240xf32, #tpu.memory_space<vmem_shared>> -> memref<1x640xf32, #tpu.memory_space<vmem_shared>>
        %dma_wait3A_154 = tpu.memref_squeeze %dma_wait3A_153 : memref<1x640xf32, #tpu.memory_space<vmem_shared>> -> memref<640xf32, #tpu.memory_space<vmem_shared>>
        %dma_wait3A_155 = arith.constant 0 : i32
        %dma_wait3A_156 = tpu.memref_slice %arg17[%run_scoped3A_111, %dma_wait3A_155] : memref<16x640xf32, #tpu.memory_space<vmem>> -> memref<1x640xf32, #tpu.memory_space<vmem>>
        %dma_wait3A_157 = tpu.memref_squeeze %dma_wait3A_156 : memref<1x640xf32, #tpu.memory_space<vmem>> -> memref<640xf32, #tpu.memory_space<vmem>>
        %dma_wait3A_158 = tpu.memref_slice %arg19[%run_scoped3A_110, %mul3A_109] : memref<16x10240xf32, #tpu.memory_space<vmem_shared>> -> memref<1x640xf32, #tpu.memory_space<vmem_shared>>
        %dma_wait3A_159 = tpu.memref_squeeze %dma_wait3A_158 : memref<1x640xf32, #tpu.memory_space<vmem_shared>> -> memref<640xf32, #tpu.memory_space<vmem_shared>>
        tpu.wait_dma2 semaphore(%run_scoped3A_141 : memref<!tpu.dma_semaphore, #tpu.memory_space<semaphore_mem>>) src(%dma_wait3A_159 : memref<640xf32, #tpu.memory_space<vmem_shared>>) dst(%dma_wait3A_157 : memref<640xf32, #tpu.memory_space<vmem>>)
        tpu.yield
      }) : () -> ()
      %mul3A_112 = arith.constant 640 : i32
      %mul3A_113 = arith.muli %arg1, %mul3A_112 : i32
      %run_scoped3A_114 = arith.constant 11 : i32
      %run_scoped3A_115 = arith.constant 11 : i32
      "tpu.region"() ({
        %run_scoped3A_141 = tpu.sem_alloc : memref<!tpu.dma_semaphore, #tpu.memory_space<semaphore_mem>>
        %dma_start3A = arith.constant 0 : i32
        %dma_start3A_142 = tpu.memref_slice %arg17[%run_scoped3A_115, %dma_start3A] : memref<16x640xf32, #tpu.memory_space<vmem>> -> memref<1x640xf32, #tpu.memory_space<vmem>>
        %dma_start3A_143 = tpu.memref_squeeze %dma_start3A_142 : memref<1x640xf32, #tpu.memory_space<vmem>> -> memref<640xf32, #tpu.memory_space<vmem>>
        %dma_start3A_144 = tpu.memref_slice %arg19[%run_scoped3A_114, %mul3A_113] : memref<16x10240xf32, #tpu.memory_space<vmem_shared>> -> memref<1x640xf32, #tpu.memory_space<vmem_shared>>
        %dma_start3A_145 = tpu.memref_squeeze %dma_start3A_144 : memref<1x640xf32, #tpu.memory_space<vmem_shared>> -> memref<640xf32, #tpu.memory_space<vmem_shared>>
        %dma_start3A_146 = arith.constant 0 : i32
        %dma_start3A_147 = tpu.memref_slice %arg17[%run_scoped3A_115, %dma_start3A_146] : memref<16x640xf32, #tpu.memory_space<vmem>> -> memref<1x640xf32, #tpu.memory_space<vmem>>
        %dma_start3A_148 = tpu.memref_squeeze %dma_start3A_147 : memref<1x640xf32, #tpu.memory_space<vmem>> -> memref<640xf32, #tpu.memory_space<vmem>>
        %dma_start3A_149 = tpu.memref_slice %arg19[%run_scoped3A_114, %mul3A_113] : memref<16x10240xf32, #tpu.memory_space<vmem_shared>> -> memref<1x640xf32, #tpu.memory_space<vmem_shared>>
        %dma_start3A_150 = tpu.memref_squeeze %dma_start3A_149 : memref<1x640xf32, #tpu.memory_space<vmem_shared>> -> memref<640xf32, #tpu.memory_space<vmem_shared>>
        tpu.enqueue_dma source(%dma_start3A_150 : memref<640xf32, #tpu.memory_space<vmem_shared>>) target(%dma_start3A_148 : memref<640xf32, #tpu.memory_space<vmem>>) target_semaphore(%run_scoped3A_141 : memref<!tpu.dma_semaphore, #tpu.memory_space<semaphore_mem>>)
        %dma_wait3A = arith.constant 0 : i32
        %dma_wait3A_151 = tpu.memref_slice %arg17[%run_scoped3A_115, %dma_wait3A] : memref<16x640xf32, #tpu.memory_space<vmem>> -> memref<1x640xf32, #tpu.memory_space<vmem>>
        %dma_wait3A_152 = tpu.memref_squeeze %dma_wait3A_151 : memref<1x640xf32, #tpu.memory_space<vmem>> -> memref<640xf32, #tpu.memory_space<vmem>>
        %dma_wait3A_153 = tpu.memref_slice %arg19[%run_scoped3A_114, %mul3A_113] : memref<16x10240xf32, #tpu.memory_space<vmem_shared>> -> memref<1x640xf32, #tpu.memory_space<vmem_shared>>
        %dma_wait3A_154 = tpu.memref_squeeze %dma_wait3A_153 : memref<1x640xf32, #tpu.memory_space<vmem_shared>> -> memref<640xf32, #tpu.memory_space<vmem_shared>>
        %dma_wait3A_155 = arith.constant 0 : i32
        %dma_wait3A_156 = tpu.memref_slice %arg17[%run_scoped3A_115, %dma_wait3A_155] : memref<16x640xf32, #tpu.memory_space<vmem>> -> memref<1x640xf32, #tpu.memory_space<vmem>>
        %dma_wait3A_157 = tpu.memref_squeeze %dma_wait3A_156 : memref<1x640xf32, #tpu.memory_space<vmem>> -> memref<640xf32, #tpu.memory_space<vmem>>
        %dma_wait3A_158 = tpu.memref_slice %arg19[%run_scoped3A_114, %mul3A_113] : memref<16x10240xf32, #tpu.memory_space<vmem_shared>> -> memref<1x640xf32, #tpu.memory_space<vmem_shared>>
        %dma_wait3A_159 = tpu.memref_squeeze %dma_wait3A_158 : memref<1x640xf32, #tpu.memory_space<vmem_shared>> -> memref<640xf32, #tpu.memory_space<vmem_shared>>
        tpu.wait_dma2 semaphore(%run_scoped3A_141 : memref<!tpu.dma_semaphore, #tpu.memory_space<semaphore_mem>>) src(%dma_wait3A_159 : memref<640xf32, #tpu.memory_space<vmem_shared>>) dst(%dma_wait3A_157 : memref<640xf32, #tpu.memory_space<vmem>>)
        tpu.yield
      }) : () -> ()
      %mul3A_116 = arith.constant 640 : i32
      %mul3A_117 = arith.muli %arg1, %mul3A_116 : i32
      %run_scoped3A_118 = arith.constant 12 : i32
      %run_scoped3A_119 = arith.constant 12 : i32
      "tpu.region"() ({
        %run_scoped3A_141 = tpu.sem_alloc : memref<!tpu.dma_semaphore, #tpu.memory_space<semaphore_mem>>
        %dma_start3A = arith.constant 0 : i32
        %dma_start3A_142 = tpu.memref_slice %arg17[%run_scoped3A_119, %dma_start3A] : memref<16x640xf32, #tpu.memory_space<vmem>> -> memref<1x640xf32, #tpu.memory_space<vmem>>
        %dma_start3A_143 = tpu.memref_squeeze %dma_start3A_142 : memref<1x640xf32, #tpu.memory_space<vmem>> -> memref<640xf32, #tpu.memory_space<vmem>>
        %dma_start3A_144 = tpu.memref_slice %arg19[%run_scoped3A_118, %mul3A_117] : memref<16x10240xf32, #tpu.memory_space<vmem_shared>> -> memref<1x640xf32, #tpu.memory_space<vmem_shared>>
        %dma_start3A_145 = tpu.memref_squeeze %dma_start3A_144 : memref<1x640xf32, #tpu.memory_space<vmem_shared>> -> memref<640xf32, #tpu.memory_space<vmem_shared>>
        %dma_start3A_146 = arith.constant 0 : i32
        %dma_start3A_147 = tpu.memref_slice %arg17[%run_scoped3A_119, %dma_start3A_146] : memref<16x640xf32, #tpu.memory_space<vmem>> -> memref<1x640xf32, #tpu.memory_space<vmem>>
        %dma_start3A_148 = tpu.memref_squeeze %dma_start3A_147 : memref<1x640xf32, #tpu.memory_space<vmem>> -> memref<640xf32, #tpu.memory_space<vmem>>
        %dma_start3A_149 = tpu.memref_slice %arg19[%run_scoped3A_118, %mul3A_117] : memref<16x10240xf32, #tpu.memory_space<vmem_shared>> -> memref<1x640xf32, #tpu.memory_space<vmem_shared>>
        %dma_start3A_150 = tpu.memref_squeeze %dma_start3A_149 : memref<1x640xf32, #tpu.memory_space<vmem_shared>> -> memref<640xf32, #tpu.memory_space<vmem_shared>>
        tpu.enqueue_dma source(%dma_start3A_150 : memref<640xf32, #tpu.memory_space<vmem_shared>>) target(%dma_start3A_148 : memref<640xf32, #tpu.memory_space<vmem>>) target_semaphore(%run_scoped3A_141 : memref<!tpu.dma_semaphore, #tpu.memory_space<semaphore_mem>>)
        %dma_wait3A = arith.constant 0 : i32
        %dma_wait3A_151 = tpu.memref_slice %arg17[%run_scoped3A_119, %dma_wait3A] : memref<16x640xf32, #tpu.memory_space<vmem>> -> memref<1x640xf32, #tpu.memory_space<vmem>>
        %dma_wait3A_152 = tpu.memref_squeeze %dma_wait3A_151 : memref<1x640xf32, #tpu.memory_space<vmem>> -> memref<640xf32, #tpu.memory_space<vmem>>
        %dma_wait3A_153 = tpu.memref_slice %arg19[%run_scoped3A_118, %mul3A_117] : memref<16x10240xf32, #tpu.memory_space<vmem_shared>> -> memref<1x640xf32, #tpu.memory_space<vmem_shared>>
        %dma_wait3A_154 = tpu.memref_squeeze %dma_wait3A_153 : memref<1x640xf32, #tpu.memory_space<vmem_shared>> -> memref<640xf32, #tpu.memory_space<vmem_shared>>
        %dma_wait3A_155 = arith.constant 0 : i32
        %dma_wait3A_156 = tpu.memref_slice %arg17[%run_scoped3A_119, %dma_wait3A_155] : memref<16x640xf32, #tpu.memory_space<vmem>> -> memref<1x640xf32, #tpu.memory_space<vmem>>
        %dma_wait3A_157 = tpu.memref_squeeze %dma_wait3A_156 : memref<1x640xf32, #tpu.memory_space<vmem>> -> memref<640xf32, #tpu.memory_space<vmem>>
        %dma_wait3A_158 = tpu.memref_slice %arg19[%run_scoped3A_118, %mul3A_117] : memref<16x10240xf32, #tpu.memory_space<vmem_shared>> -> memref<1x640xf32, #tpu.memory_space<vmem_shared>>
        %dma_wait3A_159 = tpu.memref_squeeze %dma_wait3A_158 : memref<1x640xf32, #tpu.memory_space<vmem_shared>> -> memref<640xf32, #tpu.memory_space<vmem_shared>>
        tpu.wait_dma2 semaphore(%run_scoped3A_141 : memref<!tpu.dma_semaphore, #tpu.memory_space<semaphore_mem>>) src(%dma_wait3A_159 : memref<640xf32, #tpu.memory_space<vmem_shared>>) dst(%dma_wait3A_157 : memref<640xf32, #tpu.memory_space<vmem>>)
        tpu.yield
      }) : () -> ()
      %mul3A_120 = arith.constant 640 : i32
      %mul3A_121 = arith.muli %arg1, %mul3A_120 : i32
      %run_scoped3A_122 = arith.constant 13 : i32
      %run_scoped3A_123 = arith.constant 13 : i32
      "tpu.region"() ({
        %run_scoped3A_141 = tpu.sem_alloc : memref<!tpu.dma_semaphore, #tpu.memory_space<semaphore_mem>>
        %dma_start3A = arith.constant 0 : i32
        %dma_start3A_142 = tpu.memref_slice %arg17[%run_scoped3A_123, %dma_start3A] : memref<16x640xf32, #tpu.memory_space<vmem>> -> memref<1x640xf32, #tpu.memory_space<vmem>>
        %dma_start3A_143 = tpu.memref_squeeze %dma_start3A_142 : memref<1x640xf32, #tpu.memory_space<vmem>> -> memref<640xf32, #tpu.memory_space<vmem>>
        %dma_start3A_144 = tpu.memref_slice %arg19[%run_scoped3A_122, %mul3A_121] : memref<16x10240xf32, #tpu.memory_space<vmem_shared>> -> memref<1x640xf32, #tpu.memory_space<vmem_shared>>
        %dma_start3A_145 = tpu.memref_squeeze %dma_start3A_144 : memref<1x640xf32, #tpu.memory_space<vmem_shared>> -> memref<640xf32, #tpu.memory_space<vmem_shared>>
        %dma_start3A_146 = arith.constant 0 : i32
        %dma_start3A_147 = tpu.memref_slice %arg17[%run_scoped3A_123, %dma_start3A_146] : memref<16x640xf32, #tpu.memory_space<vmem>> -> memref<1x640xf32, #tpu.memory_space<vmem>>
        %dma_start3A_148 = tpu.memref_squeeze %dma_start3A_147 : memref<1x640xf32, #tpu.memory_space<vmem>> -> memref<640xf32, #tpu.memory_space<vmem>>
        %dma_start3A_149 = tpu.memref_slice %arg19[%run_scoped3A_122, %mul3A_121] : memref<16x10240xf32, #tpu.memory_space<vmem_shared>> -> memref<1x640xf32, #tpu.memory_space<vmem_shared>>
        %dma_start3A_150 = tpu.memref_squeeze %dma_start3A_149 : memref<1x640xf32, #tpu.memory_space<vmem_shared>> -> memref<640xf32, #tpu.memory_space<vmem_shared>>
        tpu.enqueue_dma source(%dma_start3A_150 : memref<640xf32, #tpu.memory_space<vmem_shared>>) target(%dma_start3A_148 : memref<640xf32, #tpu.memory_space<vmem>>) target_semaphore(%run_scoped3A_141 : memref<!tpu.dma_semaphore, #tpu.memory_space<semaphore_mem>>)
        %dma_wait3A = arith.constant 0 : i32
        %dma_wait3A_151 = tpu.memref_slice %arg17[%run_scoped3A_123, %dma_wait3A] : memref<16x640xf32, #tpu.memory_space<vmem>> -> memref<1x640xf32, #tpu.memory_space<vmem>>
        %dma_wait3A_152 = tpu.memref_squeeze %dma_wait3A_151 : memref<1x640xf32, #tpu.memory_space<vmem>> -> memref<640xf32, #tpu.memory_space<vmem>>
        %dma_wait3A_153 = tpu.memref_slice %arg19[%run_scoped3A_122, %mul3A_121] : memref<16x10240xf32, #tpu.memory_space<vmem_shared>> -> memref<1x640xf32, #tpu.memory_space<vmem_shared>>
        %dma_wait3A_154 = tpu.memref_squeeze %dma_wait3A_153 : memref<1x640xf32, #tpu.memory_space<vmem_shared>> -> memref<640xf32, #tpu.memory_space<vmem_shared>>
        %dma_wait3A_155 = arith.constant 0 : i32
        %dma_wait3A_156 = tpu.memref_slice %arg17[%run_scoped3A_123, %dma_wait3A_155] : memref<16x640xf32, #tpu.memory_space<vmem>> -> memref<1x640xf32, #tpu.memory_space<vmem>>
        %dma_wait3A_157 = tpu.memref_squeeze %dma_wait3A_156 : memref<1x640xf32, #tpu.memory_space<vmem>> -> memref<640xf32, #tpu.memory_space<vmem>>
        %dma_wait3A_158 = tpu.memref_slice %arg19[%run_scoped3A_122, %mul3A_121] : memref<16x10240xf32, #tpu.memory_space<vmem_shared>> -> memref<1x640xf32, #tpu.memory_space<vmem_shared>>
        %dma_wait3A_159 = tpu.memref_squeeze %dma_wait3A_158 : memref<1x640xf32, #tpu.memory_space<vmem_shared>> -> memref<640xf32, #tpu.memory_space<vmem_shared>>
        tpu.wait_dma2 semaphore(%run_scoped3A_141 : memref<!tpu.dma_semaphore, #tpu.memory_space<semaphore_mem>>) src(%dma_wait3A_159 : memref<640xf32, #tpu.memory_space<vmem_shared>>) dst(%dma_wait3A_157 : memref<640xf32, #tpu.memory_space<vmem>>)
        tpu.yield
      }) : () -> ()
      %mul3A_124 = arith.constant 640 : i32
      %mul3A_125 = arith.muli %arg1, %mul3A_124 : i32
      %run_scoped3A_126 = arith.constant 14 : i32
      %run_scoped3A_127 = arith.constant 14 : i32
      "tpu.region"() ({
        %run_scoped3A_141 = tpu.sem_alloc : memref<!tpu.dma_semaphore, #tpu.memory_space<semaphore_mem>>
        %dma_start3A = arith.constant 0 : i32
        %dma_start3A_142 = tpu.memref_slice %arg17[%run_scoped3A_127, %dma_start3A] : memref<16x640xf32, #tpu.memory_space<vmem>> -> memref<1x640xf32, #tpu.memory_space<vmem>>
        %dma_start3A_143 = tpu.memref_squeeze %dma_start3A_142 : memref<1x640xf32, #tpu.memory_space<vmem>> -> memref<640xf32, #tpu.memory_space<vmem>>
        %dma_start3A_144 = tpu.memref_slice %arg19[%run_scoped3A_126, %mul3A_125] : memref<16x10240xf32, #tpu.memory_space<vmem_shared>> -> memref<1x640xf32, #tpu.memory_space<vmem_shared>>
        %dma_start3A_145 = tpu.memref_squeeze %dma_start3A_144 : memref<1x640xf32, #tpu.memory_space<vmem_shared>> -> memref<640xf32, #tpu.memory_space<vmem_shared>>
        %dma_start3A_146 = arith.constant 0 : i32
        %dma_start3A_147 = tpu.memref_slice %arg17[%run_scoped3A_127, %dma_start3A_146] : memref<16x640xf32, #tpu.memory_space<vmem>> -> memref<1x640xf32, #tpu.memory_space<vmem>>
        %dma_start3A_148 = tpu.memref_squeeze %dma_start3A_147 : memref<1x640xf32, #tpu.memory_space<vmem>> -> memref<640xf32, #tpu.memory_space<vmem>>
        %dma_start3A_149 = tpu.memref_slice %arg19[%run_scoped3A_126, %mul3A_125] : memref<16x10240xf32, #tpu.memory_space<vmem_shared>> -> memref<1x640xf32, #tpu.memory_space<vmem_shared>>
        %dma_start3A_150 = tpu.memref_squeeze %dma_start3A_149 : memref<1x640xf32, #tpu.memory_space<vmem_shared>> -> memref<640xf32, #tpu.memory_space<vmem_shared>>
        tpu.enqueue_dma source(%dma_start3A_150 : memref<640xf32, #tpu.memory_space<vmem_shared>>) target(%dma_start3A_148 : memref<640xf32, #tpu.memory_space<vmem>>) target_semaphore(%run_scoped3A_141 : memref<!tpu.dma_semaphore, #tpu.memory_space<semaphore_mem>>)
        %dma_wait3A = arith.constant 0 : i32
        %dma_wait3A_151 = tpu.memref_slice %arg17[%run_scoped3A_127, %dma_wait3A] : memref<16x640xf32, #tpu.memory_space<vmem>> -> memref<1x640xf32, #tpu.memory_space<vmem>>
        %dma_wait3A_152 = tpu.memref_squeeze %dma_wait3A_151 : memref<1x640xf32, #tpu.memory_space<vmem>> -> memref<640xf32, #tpu.memory_space<vmem>>
        %dma_wait3A_153 = tpu.memref_slice %arg19[%run_scoped3A_126, %mul3A_125] : memref<16x10240xf32, #tpu.memory_space<vmem_shared>> -> memref<1x640xf32, #tpu.memory_space<vmem_shared>>
        %dma_wait3A_154 = tpu.memref_squeeze %dma_wait3A_153 : memref<1x640xf32, #tpu.memory_space<vmem_shared>> -> memref<640xf32, #tpu.memory_space<vmem_shared>>
        %dma_wait3A_155 = arith.constant 0 : i32
        %dma_wait3A_156 = tpu.memref_slice %arg17[%run_scoped3A_127, %dma_wait3A_155] : memref<16x640xf32, #tpu.memory_space<vmem>> -> memref<1x640xf32, #tpu.memory_space<vmem>>
        %dma_wait3A_157 = tpu.memref_squeeze %dma_wait3A_156 : memref<1x640xf32, #tpu.memory_space<vmem>> -> memref<640xf32, #tpu.memory_space<vmem>>
        %dma_wait3A_158 = tpu.memref_slice %arg19[%run_scoped3A_126, %mul3A_125] : memref<16x10240xf32, #tpu.memory_space<vmem_shared>> -> memref<1x640xf32, #tpu.memory_space<vmem_shared>>
        %dma_wait3A_159 = tpu.memref_squeeze %dma_wait3A_158 : memref<1x640xf32, #tpu.memory_space<vmem_shared>> -> memref<640xf32, #tpu.memory_space<vmem_shared>>
        tpu.wait_dma2 semaphore(%run_scoped3A_141 : memref<!tpu.dma_semaphore, #tpu.memory_space<semaphore_mem>>) src(%dma_wait3A_159 : memref<640xf32, #tpu.memory_space<vmem_shared>>) dst(%dma_wait3A_157 : memref<640xf32, #tpu.memory_space<vmem>>)
        tpu.yield
      }) : () -> ()
      %mul3A_128 = arith.constant 640 : i32
      %mul3A_129 = arith.muli %arg1, %mul3A_128 : i32
      %run_scoped3A_130 = arith.constant 15 : i32
      %run_scoped3A_131 = arith.constant 15 : i32
      "tpu.region"() ({
        %run_scoped3A_141 = tpu.sem_alloc : memref<!tpu.dma_semaphore, #tpu.memory_space<semaphore_mem>>
        %dma_start3A = arith.constant 0 : i32
        %dma_start3A_142 = tpu.memref_slice %arg17[%run_scoped3A_131, %dma_start3A] : memref<16x640xf32, #tpu.memory_space<vmem>> -> memref<1x640xf32, #tpu.memory_space<vmem>>
        %dma_start3A_143 = tpu.memref_squeeze %dma_start3A_142 : memref<1x640xf32, #tpu.memory_space<vmem>> -> memref<640xf32, #tpu.memory_space<vmem>>
        %dma_start3A_144 = tpu.memref_slice %arg19[%run_scoped3A_130, %mul3A_129] : memref<16x10240xf32, #tpu.memory_space<vmem_shared>> -> memref<1x640xf32, #tpu.memory_space<vmem_shared>>
        %dma_start3A_145 = tpu.memref_squeeze %dma_start3A_144 : memref<1x640xf32, #tpu.memory_space<vmem_shared>> -> memref<640xf32, #tpu.memory_space<vmem_shared>>
        %dma_start3A_146 = arith.constant 0 : i32
        %dma_start3A_147 = tpu.memref_slice %arg17[%run_scoped3A_131, %dma_start3A_146] : memref<16x640xf32, #tpu.memory_space<vmem>> -> memref<1x640xf32, #tpu.memory_space<vmem>>
        %dma_start3A_148 = tpu.memref_squeeze %dma_start3A_147 : memref<1x640xf32, #tpu.memory_space<vmem>> -> memref<640xf32, #tpu.memory_space<vmem>>
        %dma_start3A_149 = tpu.memref_slice %arg19[%run_scoped3A_130, %mul3A_129] : memref<16x10240xf32, #tpu.memory_space<vmem_shared>> -> memref<1x640xf32, #tpu.memory_space<vmem_shared>>
        %dma_start3A_150 = tpu.memref_squeeze %dma_start3A_149 : memref<1x640xf32, #tpu.memory_space<vmem_shared>> -> memref<640xf32, #tpu.memory_space<vmem_shared>>
        tpu.enqueue_dma source(%dma_start3A_150 : memref<640xf32, #tpu.memory_space<vmem_shared>>) target(%dma_start3A_148 : memref<640xf32, #tpu.memory_space<vmem>>) target_semaphore(%run_scoped3A_141 : memref<!tpu.dma_semaphore, #tpu.memory_space<semaphore_mem>>)
        %dma_wait3A = arith.constant 0 : i32
        %dma_wait3A_151 = tpu.memref_slice %arg17[%run_scoped3A_131, %dma_wait3A] : memref<16x640xf32, #tpu.memory_space<vmem>> -> memref<1x640xf32, #tpu.memory_space<vmem>>
        %dma_wait3A_152 = tpu.memref_squeeze %dma_wait3A_151 : memref<1x640xf32, #tpu.memory_space<vmem>> -> memref<640xf32, #tpu.memory_space<vmem>>
        %dma_wait3A_153 = tpu.memref_slice %arg19[%run_scoped3A_130, %mul3A_129] : memref<16x10240xf32, #tpu.memory_space<vmem_shared>> -> memref<1x640xf32, #tpu.memory_space<vmem_shared>>
        %dma_wait3A_154 = tpu.memref_squeeze %dma_wait3A_153 : memref<1x640xf32, #tpu.memory_space<vmem_shared>> -> memref<640xf32, #tpu.memory_space<vmem_shared>>
        %dma_wait3A_155 = arith.constant 0 : i32
        %dma_wait3A_156 = tpu.memref_slice %arg17[%run_scoped3A_131, %dma_wait3A_155] : memref<16x640xf32, #tpu.memory_space<vmem>> -> memref<1x640xf32, #tpu.memory_space<vmem>>
        %dma_wait3A_157 = tpu.memref_squeeze %dma_wait3A_156 : memref<1x640xf32, #tpu.memory_space<vmem>> -> memref<640xf32, #tpu.memory_space<vmem>>
        %dma_wait3A_158 = tpu.memref_slice %arg19[%run_scoped3A_130, %mul3A_129] : memref<16x10240xf32, #tpu.memory_space<vmem_shared>> -> memref<1x640xf32, #tpu.memory_space<vmem_shared>>
        %dma_wait3A_159 = tpu.memref_squeeze %dma_wait3A_158 : memref<1x640xf32, #tpu.memory_space<vmem_shared>> -> memref<640xf32, #tpu.memory_space<vmem_shared>>
        tpu.wait_dma2 semaphore(%run_scoped3A_141 : memref<!tpu.dma_semaphore, #tpu.memory_space<semaphore_mem>>) src(%dma_wait3A_159 : memref<640xf32, #tpu.memory_space<vmem_shared>>) dst(%dma_wait3A_157 : memref<640xf32, #tpu.memory_space<vmem>>)
        tpu.yield
      }) : () -> ()
      %scan3A_132 = arith.constant 0 : i32
      %scan3A_133 = arith.constant 0 : i32
      %scan3A_134 = arith.constant 40 : i32
      %scan3A_135 = arith.addi %scan3A_133, %scan3A_134 : i32
      %scan3A_136 = arith.constant 1 : i32
      scf.for %scan3A_141 = %scan3A_133 to %scan3A_135 step %scan3A_136  : i32 {
        %mul3A_142 = arith.constant 16 : i32
        %mul3A_143 = arith.muli %scan3A_141, %mul3A_142 : i32
        %get3A = arith.constant 0 : i32
        %get3A_144 = arith.index_cast %get3A : i32 to index
        %get3A_145 = arith.index_cast %mul3A_143 : i32 to index
        %get3A_146 = tpu.vector_load %arg17[%get3A_144, %get3A_145] {strides = array<i32>} : memref<16x640xf32, #tpu.memory_space<vmem>>, vector<16xf32>,
        %get3A_147 = arith.constant 1 : i32
        %get3A_148 = arith.index_cast %get3A_147 : i32 to index
        %get3A_149 = arith.index_cast %mul3A_143 : i32 to index
        %get3A_150 = tpu.vector_load %arg17[%get3A_148, %get3A_149] {strides = array<i32>} : memref<16x640xf32, #tpu.memory_space<vmem>>, vector<16xf32>,
        %max3A = arith.maximumf %get3A_146, %get3A_150 : vector<16xf32>
        %get3A_151 = arith.constant 2 : i32
        %get3A_152 = arith.index_cast %get3A_151 : i32 to index
        %get3A_153 = arith.index_cast %mul3A_143 : i32 to index
        %get3A_154 = tpu.vector_load %arg17[%get3A_152, %get3A_153] {strides = array<i32>} : memref<16x640xf32, #tpu.memory_space<vmem>>, vector<16xf32>,
        %max3A_155 = arith.maximumf %max3A, %get3A_154 : vector<16xf32>
        %get3A_156 = arith.constant 3 : i32
        %get3A_157 = arith.index_cast %get3A_156 : i32 to index
        %get3A_158 = arith.index_cast %mul3A_143 : i32 to index
        %get3A_159 = tpu.vector_load %arg17[%get3A_157, %get3A_158] {strides = array<i32>} : memref<16x640xf32, #tpu.memory_space<vmem>>, vector<16xf32>,
        %max3A_160 = arith.maximumf %max3A_155, %get3A_159 : vector<16xf32>
        %get3A_161 = arith.constant 4 : i32
        %get3A_162 = arith.index_cast %get3A_161 : i32 to index
        %get3A_163 = arith.index_cast %mul3A_143 : i32 to index
        %get3A_164 = tpu.vector_load %arg17[%get3A_162, %get3A_163] {strides = array<i32>} : memref<16x640xf32, #tpu.memory_space<vmem>>, vector<16xf32>,
        %max3A_165 = arith.maximumf %max3A_160, %get3A_164 : vector<16xf32>
        %get3A_166 = arith.constant 5 : i32
        %get3A_167 = arith.index_cast %get3A_166 : i32 to index
        %get3A_168 = arith.index_cast %mul3A_143 : i32 to index
        %get3A_169 = tpu.vector_load %arg17[%get3A_167, %get3A_168] {strides = array<i32>} : memref<16x640xf32, #tpu.memory_space<vmem>>, vector<16xf32>,
        %max3A_170 = arith.maximumf %max3A_165, %get3A_169 : vector<16xf32>
        %get3A_171 = arith.constant 6 : i32
        %get3A_172 = arith.index_cast %get3A_171 : i32 to index
        %get3A_173 = arith.index_cast %mul3A_143 : i32 to index
        %get3A_174 = tpu.vector_load %arg17[%get3A_172, %get3A_173] {strides = array<i32>} : memref<16x640xf32, #tpu.memory_space<vmem>>, vector<16xf32>,
        %max3A_175 = arith.maximumf %max3A_170, %get3A_174 : vector<16xf32>
        %get3A_176 = arith.constant 7 : i32
        %get3A_177 = arith.index_cast %get3A_176 : i32 to index
        %get3A_178 = arith.index_cast %mul3A_143 : i32 to index
        %get3A_179 = tpu.vector_load %arg17[%get3A_177, %get3A_178] {strides = array<i32>} : memref<16x640xf32, #tpu.memory_space<vmem>>, vector<16xf32>,
        %max3A_180 = arith.maximumf %max3A_175, %get3A_179 : vector<16xf32>
        %get3A_181 = arith.constant 8 : i32
        %get3A_182 = arith.index_cast %get3A_181 : i32 to index
        %get3A_183 = arith.index_cast %mul3A_143 : i32 to index
        %get3A_184 = tpu.vector_load %arg17[%get3A_182, %get3A_183] {strides = array<i32>} : memref<16x640xf32, #tpu.memory_space<vmem>>, vector<16xf32>,
        %max3A_185 = arith.maximumf %max3A_180, %get3A_184 : vector<16xf32>
        %get3A_186 = arith.constant 9 : i32
        %get3A_187 = arith.index_cast %get3A_186 : i32 to index
        %get3A_188 = arith.index_cast %mul3A_143 : i32 to index
        %get3A_189 = tpu.vector_load %arg17[%get3A_187, %get3A_188] {strides = array<i32>} : memref<16x640xf32, #tpu.memory_space<vmem>>, vector<16xf32>,
        %max3A_190 = arith.maximumf %max3A_185, %get3A_189 : vector<16xf32>
        %get3A_191 = arith.constant 10 : i32
        %get3A_192 = arith.index_cast %get3A_191 : i32 to index
        %get3A_193 = arith.index_cast %mul3A_143 : i32 to index
        %get3A_194 = tpu.vector_load %arg17[%get3A_192, %get3A_193] {strides = array<i32>} : memref<16x640xf32, #tpu.memory_space<vmem>>, vector<16xf32>,
        %max3A_195 = arith.maximumf %max3A_190, %get3A_194 : vector<16xf32>
        %get3A_196 = arith.constant 11 : i32
        %get3A_197 = arith.index_cast %get3A_196 : i32 to index
        %get3A_198 = arith.index_cast %mul3A_143 : i32 to index
        %get3A_199 = tpu.vector_load %arg17[%get3A_197, %get3A_198] {strides = array<i32>} : memref<16x640xf32, #tpu.memory_space<vmem>>, vector<16xf32>,
        %max3A_200 = arith.maximumf %max3A_195, %get3A_199 : vector<16xf32>
        %get3A_201 = arith.constant 12 : i32
        %get3A_202 = arith.index_cast %get3A_201 : i32 to index
        %get3A_203 = arith.index_cast %mul3A_143 : i32 to index
        %get3A_204 = tpu.vector_load %arg17[%get3A_202, %get3A_203] {strides = array<i32>} : memref<16x640xf32, #tpu.memory_space<vmem>>, vector<16xf32>,
        %max3A_205 = arith.maximumf %max3A_200, %get3A_204 : vector<16xf32>
        %get3A_206 = arith.constant 13 : i32
        %get3A_207 = arith.index_cast %get3A_206 : i32 to index
        %get3A_208 = arith.index_cast %mul3A_143 : i32 to index
        %get3A_209 = tpu.vector_load %arg17[%get3A_207, %get3A_208] {strides = array<i32>} : memref<16x640xf32, #tpu.memory_space<vmem>>, vector<16xf32>,
        %max3A_210 = arith.maximumf %max3A_205, %get3A_209 : vector<16xf32>
        %get3A_211 = arith.constant 14 : i32
        %get3A_212 = arith.index_cast %get3A_211 : i32 to index
        %get3A_213 = arith.index_cast %mul3A_143 : i32 to index
        %get3A_214 = tpu.vector_load %arg17[%get3A_212, %get3A_213] {strides = array<i32>} : memref<16x640xf32, #tpu.memory_space<vmem>>, vector<16xf32>,
        %max3A_215 = arith.maximumf %max3A_210, %get3A_214 : vector<16xf32>
        %get3A_216 = arith.constant 15 : i32
        %get3A_217 = arith.index_cast %get3A_216 : i32 to index
        %get3A_218 = arith.index_cast %mul3A_143 : i32 to index
        %get3A_219 = tpu.vector_load %arg17[%get3A_217, %get3A_218] {strides = array<i32>} : memref<16x640xf32, #tpu.memory_space<vmem>>, vector<16xf32>,
        %max3A_220 = arith.maximumf %max3A_215, %get3A_219 : vector<16xf32>
        %swap3A = arith.index_cast %mul3A_143 : i32 to index
        %swap3A_221 = tpu.vector_load %arg16[%swap3A] {strides = array<i32>} : memref<640xf32, #tpu.memory_space<vmem>>, vector<16xf32>,
        tpu.vector_store %arg16[%swap3A], %max3A_220 {strides = array<i32>} : memref<640xf32, #tpu.memory_space<vmem>>, vector<16xf32>,
      }
      %scan3A_137 = arith.constant 40 : i32
      %mul3A_138 = arith.constant 640 : i32
      %mul3A_139 = arith.muli %arg1, %mul3A_138 : i32
      "tpu.region"() ({
        %run_scoped3A_141 = tpu.sem_alloc : memref<!tpu.dma_semaphore, #tpu.memory_space<semaphore_mem>>
        %dma_start3A = tpu.memref_slice %arg20[%mul3A_139] : memref<10240xf32, #tpu.memory_space<vmem_shared>> -> memref<640xf32, #tpu.memory_space<vmem_shared>>
        %dma_start3A_142 = tpu.memref_slice %arg20[%mul3A_139] : memref<10240xf32, #tpu.memory_space<vmem_shared>> -> memref<640xf32, #tpu.memory_space<vmem_shared>>
        tpu.enqueue_dma source(%arg16 : memref<640xf32, #tpu.memory_space<vmem>>) target(%dma_start3A_142 : memref<640xf32, #tpu.memory_space<vmem_shared>>) target_semaphore(%run_scoped3A_141 : memref<!tpu.dma_semaphore, #tpu.memory_space<semaphore_mem>>)
        %dma_wait3A = tpu.memref_slice %arg20[%mul3A_139] : memref<10240xf32, #tpu.memory_space<vmem_shared>> -> memref<640xf32, #tpu.memory_space<vmem_shared>>
        %dma_wait3A_143 = tpu.memref_slice %arg20[%mul3A_139] : memref<10240xf32, #tpu.memory_space<vmem_shared>> -> memref<640xf32, #tpu.memory_space<vmem_shared>>
        tpu.wait_dma2 semaphore(%run_scoped3A_141 : memref<!tpu.dma_semaphore, #tpu.memory_space<semaphore_mem>>) src(%arg16 : memref<640xf32, #tpu.memory_space<vmem>>) dst(%dma_wait3A_143 : memref<640xf32, #tpu.memory_space<vmem_shared>>)
        tpu.yield
      }) : () -> ()
      %barrier3A_140 = arith.constant 0 : index
      tpu.barrier barrier_id(%barrier3A_140)
      "tpu.region"() ({
        %run_scoped3A_141 = tpu.sem_alloc : memref<!tpu.dma_semaphore, #tpu.memory_space<semaphore_mem>>
        tpu.enqueue_dma source(%arg20 : memref<10240xf32, #tpu.memory_space<vmem_shared>>) target(%arg11 : memref<10240xf32, #tpu.memory_space<vmem>>) target_semaphore(%run_scoped3A_141 : memref<!tpu.dma_semaphore, #tpu.memory_space<semaphore_mem>>)
        tpu.wait_dma2 semaphore(%run_scoped3A_141 : memref<!tpu.dma_semaphore, #tpu.memory_space<semaphore_mem>>) src(%arg20 : memref<10240xf32, #tpu.memory_space<vmem_shared>>) dst(%arg11 : memref<10240xf32, #tpu.memory_space<vmem>>)
        tpu.yield
      }) : () -> ()
    }
    %mul3A_52 = arith.constant 640 : i32
    %mul3A_53 = arith.muli %arg1, %mul3A_52 : i32
    %mul3A_54 = arith.constant 640 : i32
    %mul3A_55 = arith.muli %arg1, %mul3A_54 : i32
    "tpu.region"() ({
      %run_scoped3A = tpu.sem_alloc : memref<!tpu.dma_semaphore, #tpu.memory_space<semaphore_mem>>
      %dma_start3A = tpu.memref_slice %arg11[%mul3A_53] : memref<10240xf32, #tpu.memory_space<vmem>> -> memref<640xf32, #tpu.memory_space<vmem>>
      %dma_start3A_56 = tpu.memref_slice %arg7[%mul3A_55] : memref<10240xf32, #tpu.memory_space<hbm>> -> memref<640xf32, #tpu.memory_space<hbm>>
      %dma_start3A_57 = tpu.memref_slice %arg7[%mul3A_55] : memref<10240xf32, #tpu.memory_space<hbm>> -> memref<640xf32, #tpu.memory_space<hbm>>
      %dma_start3A_58 = tpu.memref_slice %arg11[%mul3A_53] : memref<10240xf32, #tpu.memory_space<vmem>> -> memref<640xf32, #tpu.memory_space<vmem>>
      tpu.enqueue_dma source(%dma_start3A_58 : memref<640xf32, #tpu.memory_space<vmem>>) target(%dma_start3A_57 : memref<640xf32, #tpu.memory_space<hbm>>) target_semaphore(%run_scoped3A : memref<!tpu.dma_semaphore, #tpu.memory_space<semaphore_mem>>)
      %dma_wait3A = tpu.memref_slice %arg11[%mul3A_53] : memref<10240xf32, #tpu.memory_space<vmem>> -> memref<640xf32, #tpu.memory_space<vmem>>
      %dma_wait3A_59 = tpu.memref_slice %arg7[%mul3A_55] : memref<10240xf32, #tpu.memory_space<hbm>> -> memref<640xf32, #tpu.memory_space<hbm>>
      %dma_wait3A_60 = tpu.memref_slice %arg7[%mul3A_55] : memref<10240xf32, #tpu.memory_space<hbm>> -> memref<640xf32, #tpu.memory_space<hbm>>
      %dma_wait3A_61 = tpu.memref_slice %arg11[%mul3A_53] : memref<10240xf32, #tpu.memory_space<vmem>> -> memref<640xf32, #tpu.memory_space<vmem>>
      tpu.wait_dma2 semaphore(%run_scoped3A : memref<!tpu.dma_semaphore, #tpu.memory_space<semaphore_mem>>) src(%dma_wait3A_61 : memref<640xf32, #tpu.memory_space<vmem>>) dst(%dma_wait3A_60 : memref<640xf32, #tpu.memory_space<hbm>>)
      tpu.yield
    }) : () -> ()
    return
  }
}

module attributes {stable_mosaic.version = 14 : i64} {
  func.func @_util_body(%arg0: i32, %arg1: memref<1024x128xf32, #tpu.memory_space<vmem>>, %arg2: memref<128x1xf32, #tpu.memory_space<vmem>>, %arg3: memref<1x1xf32, #tpu.memory_space<smem>>, %arg4: memref<8x128xf32, #tpu.memory_space<vmem>>) attributes {dimension_semantics = [#tpu.dimension_semantics<arbitrary>], iteration_bounds = array<i64: 313>, scalar_prefetch = 0 : i64, scratch_operands = 0 : i64, tpu.core_type = #tpu.core_type<tc>, window_params = [{transform_indices = @transform_0, window_bounds = array<i64: 1024, 128>}, {pipeline_mode = #tpu.pipeline_mode<synchronous>, transform_indices = @transform_1, window_bounds = array<i64: 128, 1>}, {transform_indices = @transform_2, window_bounds = array<i64: 1, 1>}, {transform_indices = @transform_3, window_bounds = array<i64: 8, 128>}]} {
    %get3A = arith.constant 0 : index
    %get3A_0 = arith.constant 0 : index
    %get3A_1 = vector.load %arg1[%get3A, %get3A_0] : memref<1024x128xf32, #tpu.memory_space<vmem>>, vector<1024x128xf32>
    %get3A_2 = arith.constant 0 : index
    %get3A_3 = arith.constant 0 : index
    %get3A_4 = vector.load %arg2[%get3A_2, %get3A_3] : memref<128x1xf32, #tpu.memory_space<vmem>>, vector<128x1xf32>
    %dot_general3A = arith.constant dense<0.000000e+00> : vector<1024x1xf32>
    %dot_general3A_5 = tpu.matmul %get3A_1, %get3A_4, %dot_general3A {dimension_numbers = #tpu.dot_dimension_numbers<[1], [0], [0], [1], [0, 0, 1, 1], [], []>, transpose_lhs_hint = false} : vector<1024x128xf32>, vector<128x1xf32>, vector<1024x1xf32> -> vector<1024x1xf32>
    %reshape3A = vector.shape_cast %dot_general3A_5 : vector<1024x1xf32> to vector<8x128xf32>
    %get3A_6 = arith.constant 0 : index
    %get3A_7 = arith.constant 0 : index
    %get3A_8 = memref.load %arg3[%get3A_6, %get3A_7] : memref<1x1xf32, #tpu.memory_space<smem>>
    %add3A = vector.broadcast %get3A_8 : f32 to vector<8x128xf32>
    %add3A_9 = arith.addf %reshape3A, %add3A : vector<8x128xf32>
    %swap3A = arith.constant 0 : index
    %swap3A_10 = arith.constant 0 : index
    %swap3A_11 = vector.load %arg4[%swap3A, %swap3A_10] : memref<8x128xf32, #tpu.memory_space<vmem>>, vector<8x128xf32>
    tpu.vector_store %arg4[%swap3A, %swap3A_10], %add3A_9 {strides = array<i32>} : memref<8x128xf32, #tpu.memory_space<vmem>>, vector<8x128xf32>,
    return
  }
  func.func @transform_0(%arg0: i32) -> (i32, i32) {
    %c0_i32 = arith.constant 0 : i32
    %c0_i32_0 = arith.constant 0 : i32
    return %arg0, %c0_i32 : i32, i32
  }
  func.func @transform_1(%arg0: i32) -> (i32, i32) {
    %c0_i32 = arith.constant 0 : i32
    %c0_i32_0 = arith.constant 0 : i32
    %c0_i32_1 = arith.constant 0 : i32
    return %c0_i32, %c0_i32_0 : i32, i32
  }
  func.func @transform_2(%arg0: i32) -> (i32, i32) {
    %c0_i32 = arith.constant 0 : i32
    %c0_i32_0 = arith.constant 0 : i32
    %c0_i32_1 = arith.constant 0 : i32
    return %c0_i32, %c0_i32_0 : i32, i32
  }
  func.func @transform_3(%arg0: i32) -> (i32, i32) {
    %c0_i32 = arith.constant 0 : i32
    %c0_i32_0 = arith.constant 0 : i32
    return %arg0, %c0_i32 : i32, i32
  }
}

</mosaic_0001>

<sc_bundles>
// kernel: kernel.4.cloned.1.call-start
scs
__scs_entry_jumppad:
0x0: {  	(pc) =	sbr.rel $0x88, $3  }
0x1: {  	(tag) =	ssettag $0x0;
	lr =	simm.s32 $0x1  }
0x2: {  	[smem:$0x3F9B] =	sst lr;
	_ =	strace $0xD0000000  }
0x3: {  	_ = 	snop  }
0x4: {  	_ = 	snop  }
0x5: {  	_ = 	snop  }
0x6: {  	_ = 	snop  }
0x7: {  	_ = 	snop  }
__scs_overlays_trampoline_lowered:
0x8: {  	[smem:$0x3FAA] =	sst s0  }
0x9: {  	[smem:$0x3FAB] =	sst s1  }
0xa: {  	[smem:$0x3FAC] =	sst s2  }
0xb: {  	[smem:$0x3FAD] =	sst s3  }
0xc: {  	[smem:$0x3FAE] =	sst s4  }
0xd: {  	[smem:$0x3FAF] =	sst s5  }
0xe: {  	[smem:$0x3FB0] =	sst s6  }
0xf: {  	[smem:$0x3FB1] =	sst s7  }
0x10: {  	[smem:$0x3FB2] =	sst s8  }
0x11: {  	[smem:$0x3FB3] =	sst s9;
	s0 =	simm.s32 @!p0 $0x0  }
0x12: {  	s1 =	sld [smem:$0x3F99];
	s0 =	simm.s32 @p0 $0x1  }
0x13: {  	[smem:$0x3FB4] =	sst s0;
	s0 =	simm.s32 @!p1 $0x0  }
0x14: {  	s2 =	sld [smem:$0x3F98];
	s0 =	simm.s32 @p1 $0x1  }
0x15: {  	[smem:$0x3FB5] =	sst s0;
	s0 =	simm.s32 @!p2 $0x0  }
0x16: {  	s3 =	sld [smem:$0x3FDB];
	s0 =	simm.s32 @p2 $0x1  }
0x17: {  	s4 =	simm.s32 $0x1BF5;
	[smem:$0x3FB7] =	sst s0  }
0x18: {  	s0 =	sld [smem:$0x3F9A];
	_ =	swait.ge [sflag:s4], $0x0  }
0x19: {  	s7 =	sld [smem:$0x3F9B]  }
0x1a: {  	s8 =	sadd.s32 $0xFFFFE003, lr  }
0x1b: {  	s9 =	sadd.s32 $0xFFFFFEF7, lr;
	s5 =	simm.s32 $0xFFFFFFFF;
	p2 =	slt.u32 s8, $0xFFFFF086  }
0x1c: {  	p1 =	slt.u32 s9, $0xF7A;
	s5 =	simm.s32 @!p2 $0x0  }
0x1d: {  	s5 =	simm.s32 @p1 $0x1;
	p0 =	seq.s32 s7, s2  }
0x1e: {  	s7 =	smul.u32 @!p0 $0xF7A, s2;
	p2 =	seq.s32 @!p0 s5, $0x0  }
0x1f: {  	s9 =	smul.u32 $0xF7A, s1;
	s8 =	simm.s32 @!p0 $0x1BF5;
	p2 =	por !p2, p0  }
0x20: {  	[sflag:s8] =	ssyncset.s32 @!p0 $0xFFFFF086;
	s6 =	sadd.s32 @!p0 s3, s7;
	s7 =	simm.s32 @!p0 $0x108  }
0x21: {  	s3 =	sadd.s32 s3, s9;
	s6 =	sadd.s32 @!p0 $0x88, s6;
	s7 =	simm.s32 @p2 $0x1082  }
0x22: {  	[simem:s7], [sflag:s8] =	dma.local @!p0 [hbm:s6], $0xF7A  }
0x23: {  	s9 =	sor.u32 $0xD0000000, s2;
	s6 =	simm.s32 $0x108;
	_ =	swait.ge @!p0 [sflag:s8], $0x0  }
0x24: {  	s3 =	sadd.s32 $0x88, s3;
	s6 =	simm.s32 @!p1 $0x1082;
	[sflag:s4] =	ssyncset.s32 $0xFFFFF086  }
0x25: {  	[simem:s6], [sflag:s4] =	dma.local [hbm:s3], $0xF7A  }
0x26: {  	[smem:$0x3F9B] =	sst s1;
	(tag) =	ssettag s2;
	_ =	strace s9  }
0x27: {  	s1 =	sld [smem:$0x3FAB]  }
0x28: {  	s2 =	sld [smem:$0x3FAC]  }
0x29: {  	s4 =	sld [smem:$0x3FAE]  }
0x2a: {  	p0 =	seq.s32 s5, $0x0;
	s5 =	sld [smem:$0x3FAF]  }
0x2b: {  	s6 =	sld [smem:$0x3FB0]  }
0x2c: {  	s7 =	sld [smem:$0x3FB1]  }
0x2d: {  	s3 =	simm.s32 $0x108;
	s8 =	sld [smem:$0x3FB2]  }
0x2e: {  	s3 =	simm.s32 @!p0 $0x1082;
	s9 =	sld [smem:$0x3FB3]  }
0x2f: {  	lr =	sadd.s32 s0, s3;
	s0 =	sld [smem:$0x3FAA]  }
0x30: {  	s3 =	sld [smem:$0x3FAD]  }
0x31: {  	[smem:$0x3FB6] =	sst s10  }
0x32: {  	s10 =	sld [smem:$0x3FB4];
	_ =	sdelay $0x3  }
0x33: {  	p0 =	seq.s32 s10, $0x1;
	s10 =	sld [smem:$0x3FB6];
	_ =	sdelay $0x3  }
0x34: {  	[smem:$0x3FB6] =	sst s10  }
0x35: {  	s10 =	sld [smem:$0x3FB5];
	_ =	sdelay $0x3  }
0x36: {  	p1 =	seq.s32 s10, $0x1;
	s10 =	sld [smem:$0x3FB6];
	_ =	sdelay $0x3  }
0x37: {  	[smem:$0x3FB6] =	sst s10  }
0x38: {  	s10 =	sld [smem:$0x3FB7]  }
0x39: {  	_ = 	snop;
	(pc) =	sbr.ind lr, $3  }
0x3a: {  	_ = 	snop  }
0x3b: {  	_ = 	snop  }
0x3c: {  	p2 =	seq.s32 s10, $0x1;
	s10 =	sld [smem:$0x3FB6]  }
0x3d: {  	_ =	shalt  }
0x3e: {  	_ =	shalt  }
0x3f: {  	_ =	shalt  }
0x40: {  	_ =	shalt  }
0x41: {  	_ =	shalt  }
0x42: {  	_ =	shalt  }
0x43: {  	_ =	shalt  }
0x44: {  	_ =	shalt  }
0x45: {  	_ =	shalt  }
0x46: {  	_ =	shalt  }
0x47: {  	_ =	shalt  }
0x48: {  	_ =	shalt  }
0x49: {  	_ =	shalt  }
0x4a: {  	_ =	shalt  }
0x4b: {  	_ =	shalt  }
0x4c: {  	_ =	shalt  }
0x4d: {  	_ =	shalt  }
0x4e: {  	_ =	shalt  }
0x4f: {  	_ =	shalt  }
0x50: {  	_ =	shalt  }
0x51: {  	_ =	shalt  }
0x52: {  	_ =	shalt  }
0x53: {  	_ =	shalt  }
0x54: {  	_ =	shalt  }
0x55: {  	_ =	shalt  }
0x56: {  	_ =	shalt  }
0x57: {  	_ =	shalt  }
0x58: {  	_ =	shalt  }
0x59: {  	_ =	shalt  }
0x5a: {  	_ =	shalt  }
0x5b: {  	_ =	shalt  }
0x5c: {  	_ =	shalt  }
0x5d: {  	_ =	shalt  }
0x5e: {  	_ =	shalt  }
0x5f: {  	_ =	shalt  }
0x60: {  	_ =	shalt  }
0x61: {  	_ =	shalt  }
0x62: {  	_ =	shalt  }
0x63: {  	_ =	shalt  }
0x64: {  	_ =	shalt  }
0x65: {  	_ =	shalt  }
0x66: {  	_ =	shalt  }
0x67: {  	_ =	shalt  }
0x68: {  	_ =	shalt  }
0x69: {  	_ =	shalt  }
0x6a: {  	_ =	shalt  }
0x6b: {  	_ =	shalt  }
0x6c: {  	_ =	shalt  }
0x6d: {  	_ =	shalt  }
0x6e: {  	_ =	shalt  }
0x6f: {  	_ =	shalt  }
0x70: {  	_ =	shalt  }
0x71: {  	_ =	shalt  }
0x72: {  	_ =	shalt  }
0x73: {  	_ =	shalt  }
0x74: {  	_ =	shalt  }
0x75: {  	_ =	shalt  }
0x76: {  	_ =	shalt  }
0x77: {  	_ =	shalt  }
0x78: {  	_ =	shalt  }
0x79: {  	_ =	shalt  }
0x7a: {  	_ =	shalt  }
0x7b: {  	_ =	shalt  }
0x7c: {  	_ =	shalt  }
0x7d: {  	_ =	shalt  }
0x7e: {  	_ =	shalt  }
0x7f: {  	_ =	shalt  }
0x80: {  	_ =	shalt  }
0x81: {  	_ =	shalt  }
0x82: {  	_ =	shalt  }
0x83: {  	_ =	shalt  }
0x84: {  	_ =	shalt  }
0x85: {  	_ =	shalt  }
0x86: {  	_ =	shalt  }
0x87: {  	_ =	shalt  }
.Lfunc_end0:
.L_simem_size_0:
called_computation_lowered:
.L_overlay_start_0:
0x88: {  	s0 =	sld [smem:$0x3FD9]  }
0x89: {  	s1 =	sld [smem:$0x3FFE];
	_ =	sdelay $0x3  }
0x8a: {  	s0 =	sadd.s32 s1, s0  }
0x8b: {  	[smem:$0x3FC2] =	sst s0  }
0x8c: {  	_ = 	snop  }
0x8d: {  	s0 =	sld [smem:$0x3FD0];
	_ =	sdelay $0x2  }
0x8e: {  	s2 =	simm.s32 $0xA;
	s3 =	simm.s32 $0x10;
	s13 =	sld [smem:$0x3FC6]  }
0x8f: {  	[smem:s3], [sflag:s2] =	dma.local [hbm:s0], $0x1  }
0x90: {  	_ =	swait.eq [sflag:s2], $0x1  }
0x91: {  	[sflag:s2] =	ssyncset.done $0x0  }
0x92: {  	[sflag:s2] =	ssyncadd.s32 $0xFFFFFFFF  }
0x93: {  	s14 =	sld [smem:$0x10];
	(tm) =	ssettm $0x1  }
0x94: {  	s15 =	sld [smem:$0x3FFB];
	_ =	sdelay $0x3  }
0x95: {  	_ =	strace s15  }
0x96: {  	s2 =	sld [smem:$0x3FFC];
	_ =	sdelay $0x3  }
0x97: {  	_ =	strace s2  }
0x98: {  	s2 =	sld [smem:$0x3FFD];
	_ =	sdelay $0x3  }
0x99: {  	_ =	strace s2  }
0x9a: {  	_ =	strace $0x8FFFFFFF  }
0x9b: {  	s16 =	sld [smem:$0x3FDB];
	_ =	sdelay $0x1  }
0x9c: {  	s17 =	simm.s32 $_scs_section_size  }
0x9d: {  	s4 =	simm.s32 $_size__tile_overlayer_lowered;
	s5 =	simm.s32 $_tile_overlayer_lowered  }
0x9e: {  	s20 =	simm.s32 $0x1BFF;
	s19 =	sshll.u32 s5, $0x1;
	s2 =	sadd.s32 s17, s16  }
0x9f: {  	s6 =	simm.s32 $0x0;
	s18 =	sshll.u32 s4, $0x1;
	s4 =	sadd.s32 s19, s2  }
0xa0: {  	[timem:s6], [sflag:s20] =	dma.local [hbm:s4], s18  }
0xa1: {  	_ =	swait.ge [sflag:s20], s18  }
0xa2: {  	s3 =	ssub.s32 $0x0, s18;
	[sflag:s20] =	ssyncset.done $0x0  }
0xa3: {  	[sflag:s20] =	ssyncadd.s32 s3;
	_ =	sdelay $0x1  }
0xa4: {  	s21 =	simm.s32 $0x1B8B  }
0xa5: {  	_ =	swait.ge [sflag:s21], $0x1  }
0xa6: {  	[sflag:s21] =	ssyncset.done $0x0  }
0xa7: {  	s23 =	simm.s32 $0x1B8E;
	s22 =	sld [smem:$0x3FFE];
	[sflag:s21] =	ssyncadd.s32 $0xFFFFFFFF  }
0xa8: {  	s24 =	simm.s32 $execute0_lowered;
	[smem:$0x3FD2] =	sst s23  }
0xa9: {  	s4 =	sshll.u32 s24, $0x1;
	_ =	strace $0x80000046;
	[dreg:$0x1] =	wrdreg $0xFFFFFFFF  }
0xaa: {  	s25 =	simm.s32 $_size_execute0_lowered;
	s2 =	sadd.s32 s2, s4;
	[dreg:$0x0] =	wrdreg $0x0  }
0xab: {  	s4 =	sshll.u32 s25, $0x1;
	[dreg:$0x2] =	wrdreg s2  }
0xac: {  	[dreg:$0x3] =	wrdreg s4  }
0xad: {  	[dreg:$0x4] =	wrdreg $0xC0  }
0xae: {  	_ =	task [dreg:s6], $0x5FFFF  }
0xaf: {  	[dreg:$0x1] =	wrdreg $0xFFFFFFFF  }
0xb0: {  	[dreg:$0x0] =	wrdreg $0x60  }
0xb1: {  	[dreg:$0x2] =	wrdreg s22  }
0xb2: {  	[dreg:$0x3] =	wrdreg s14  }
0xb3: {  	[dreg:$0x4] =	wrdreg s13  }
0xb4: {  	[dreg:$0x5] =	wrdreg $0x190000  }
0xb5: {  	[dreg:$0x6] =	wrdreg $0x1B8000  }
0xb6: {  	[dreg:$0x7] =	wrdreg $0x9  }
0xb7: {  	_ =	task.clear_ibuf [dreg:s6], $0x8FFFF;
	_ =	strace $0x90000046  }
0xb8: {  	s26 =	simm.s32 $0x9;
	_ =	strace $0x80000048  }
0xb9: {  	_ =	swait.ge [sflag:s26], $0x1  }
0xba: {  	[sflag:s26] =	ssyncadd.s32 $0xFFFFFFFF  }
0xbb: {  	_ =	strace $0x90000048  }
0xbc: {  	_ =	sfence  }
0xbd: {  	s28 =	sld [smem:$0x0];
	_ =	sdelay $0x1  }
0xbe: {  	s29 =	srdreg.scid  }
0xbf: {  	s30 =	sshll.u32 s29, $0xD;
	s31 =	sshrl.u32 s29, $0x2  }
0xc0: {  	s1 =	sand.u32 $0x1, s29;
	s2 =	sand.u32 $0x4000, s30;
	s0 =	sadd.s32 s31, s28  }
0xc1: {  	s1 =	sor.u32 s2, s1;
	s0 =	sshll.u32 s0, $0x11  }
0xc2: {  	s0 =	sor.u32 s0, s1  }
0xc3: {  	s0 =	sadd.s32 $0x8F2B, s0  }
0xc4: {  	[sflag:s0] =	ssyncadd.remote.s32 $0x1  }
0xc5: {  	_ =	sfence.sel $0xFFFF  }
0xc6: {  	[dreg:$0x0] =	wrdreg $0xFFFFFFFF;
	(pc) =	sbr.abs _section_cstart, $3  }
0xc7: {  	[dreg:$0x1] =	wrdreg $0xFFFFFFFF  }
0xc8: {  	_ =	task.clear_ibuf [dreg:s6], $0x2FFFF;
	_ =	strace $0x9FFFFFFF  }
0xc9: {  	(tm) =	ssettm $0x7FFFFFFF  }
tec
execute0_lowered:
.L_overlay_start_1:
0x0: {  	(tag) =	ssettag $0x1  }
0x1: {  	s1 =	rddreg [dreg:$0x0]  }
0x2: {  	s2 =	rddreg [dreg:$0x1];
	s9 =	stileid.u32  }
0x3: {  	s3 =	rddreg [dreg:$0x2];
	s4 =	smul.u32 $0x9C4, s9  }
0x4: {  	s0 =	rddreg [dreg:$0x3];
	s5 =	simm.s32 $0x0  }
0x5: {  	[smem:$0x7FF] =	sst s5;
	s4 =	sadd.s32 s4, s1  }
0x6: {  	s28 =	simm.s32 $0x1;
	_ =	strace $0x80000047;
	s6 =	sadd.s32 $0xA200, s4  }
0x7: {  	[tilespmem:s5], [sflag:$0x1] =	stream.linear.gather [hbm4b:s6+s5], $0x4E20, $0x38;
	[tilespmem:$0x1BA80] =	vst v63  }
0x8: {  	_ =	swait.ge [sflag:s28], $0x4E20  }
0x9: {  	[sflag:s28] =	ssyncset.done $0x0  }
0xa: {  	s8 =	simm.s32 $0x4E80;
	s7 =	sadd.s32 $0x400, s4;
	[sflag:s28] =	ssyncadd.s32 $0xFFFFB1E0  }
0xb: {  	[tilespmem:s8], [sflag:$0x1] =	stream.linear.gather [hbm4b:s7+s5], $0x4E20, $0x38;
	[tilespmem:$0x1BA80] =	vst v63  }
0xc: {  	_ =	swait.ge [sflag:s28], $0x4E20  }
0xd: {  	[sflag:s28] =	ssyncset.done $0x0  }
0xe: {  	s29 =	simm.s32 $0x9D00;
	s4 =	sadd.s32 $0x14000, s4;
	[sflag:s28] =	ssyncadd.s32 $0xFFFFB1E0  }
0xf: {  	[tilespmem:s29], [sflag:$0x1] =	stream.linear.gather [hbm4b:s4+s5], $0x4E20, $0x38;
	[tilespmem:$0x1BA80] =	vst v63  }
0x10: {  	_ =	swait.ge [sflag:s28], $0x4E20  }
0x11: {  	[sflag:s28] =	ssyncset.done $0x0  }
0x12: {  	s30 =	simm.s32 $0x16400;
	[sflag:s28] =	ssyncadd.s32 $0xFFFFB1E0  }
0x13: {  	[tilespmem:s30], [sflag:$0x1] =	stream.linear.gather [hbm4b:s2+s5], $0x100, $0x38;
	[tilespmem:$0x1BA80] =	vst v63  }
0x14: {  	_ =	swait.ge [sflag:s28], $0x100  }
0x15: {  	[sflag:s28] =	ssyncset.done $0x0  }
0x16: {  	s31 =	simm.s32 $0x13B80;
	[sflag:s28] =	ssyncadd.s32 $0xFFFFFF00  }
0x17: {  	[tilespmem:s31], [sflag:$0x1] =	stream.linear.gather [hbm4b:s3+s5], $0x2780, $0x38;
	[tilespmem:$0x1BA80] =	vst v63  }
0x18: {  	_ =	swait.ge [sflag:s28], $0x2780  }
0x19: {  	[sflag:s28] =	ssyncset.done $0x0  }
0x1a: {  	v0 =	vimm.s32 $0x0;
	[sflag:s28] =	ssyncadd.s32 $0xFFFFD880  }
0x1b: {  	[tilespmem:$0x16300] =	vst v0  }
0x1c: {  	[tilespmem:$0x16310] =	vst v0  }
0x1d: {  	[tilespmem:$0x16320] =	vst v0  }
0x1e: {  	[tilespmem:$0x16330] =	vst v0  }
0x1f: {  	[tilespmem:$0x16340] =	vst v0  }
0x20: {  	[tilespmem:$0x16350] =	vst v0  }
0x21: {  	[tilespmem:$0x16360] =	vst v0  }
0x22: {  	[tilespmem:$0x16370] =	vst v0  }
0x23: {  	[tilespmem:$0x16380] =	vst v0  }
0x24: {  	[tilespmem:$0x16390] =	vst v0  }
0x25: {  	[tilespmem:$0x163A0] =	vst v0  }
0x26: {  	s1 =	sadd.s32 $0x1DE00, s1;
	[tilespmem:$0x163B0] =	vst v0  }
0x27: {  	s4 =	simm.s32 $0x0;
	s2 =	simm.s32 $0x16300;
	s3 =	simm.s32 $0x40;
	[tilespmem:$0x163C0] =	vst v0;
	v0 =	vimm.s32 $0x1  }
.LBB2_1:
0x28: {  	p0 =	sne.s32 s3, $0x9C00;
	v1 =	vld [tilespmem:s4+$0x13B80];
	_ =	sdelay $0x3  }
.Ltmp0:
0x29: {  	(pc) =	sbr.rel @p0 .LBB2_1-.Ltmp0, $2  }
0x2a: {  	_ =	sdelay $0x2  }
0x2b: {  	s4 =	sshra.s32 s3, $0x2;
	s3 =	sadd.s32 $0x40, s3;
	[tilespmem:v1+s2+$0x0] =	vst.idx.add.s32.msk $0xffff, v0  }
0x2c: {  	v1 =	vld [tilespmem:s4+$0x13B80];
	_ =	sdelay $0x7  }
0x2d: {  	[tilespmem:v1+s2+$0x0] =	vst.idx.add.s32.msk $0xffff, v0  }
0x2e: {  	v10 =	vld [tilespmem:$0x16300]  }
0x2f: {  	v12 =	vld [tilespmem:$0x16310]  }
0x30: {  	v11 =	vld [tilespmem:$0x16320]  }
0x31: {  	v9 =	vld [tilespmem:$0x16330]  }
0x32: {  	v8 =	vld [tilespmem:$0x16340]  }
0x33: {  	v7 =	vld [tilespmem:$0x16350]  }
0x34: {  	v6 =	vld [tilespmem:$0x16360]  }
0x35: {  	v5 =	vld [tilespmem:$0x16370]  }
0x36: {  	v4 =	vld [tilespmem:$0x16380]  }
0x37: {  	v3 =	vld [tilespmem:$0x16390]  }
0x38: {  	v2 =	vld [tilespmem:$0x163A0]  }
0x39: {  	v1 =	vld [tilespmem:$0x163B0]  }
0x3a: {  	v13 =	vimm.f32 $-Inf;
	s3 =	simm.s32 $0x0;
	s2 =	simm.s32 $0x40;
	v0 =	vld [tilespmem:$0x163C0]  }
.LBB2_3:
0x3b: {  	p0 =	sne.s32 s2, $0x9FC0;
	[tilespmem:s3+$0xEB80] =	vst v13;
	s3 =	smov.u32 s2;
	s2 =	sadd.s32 $0x40, s2  }
.Ltmp1:
0x3c: {  	(pc) =	sbr.rel @p0 .LBB2_3-.Ltmp1, $2  }
0x3d: {  	_ =	sdelay $0x2  }
0x3e: {  	s3 =	sshra.s32 s3, $0x2  }
0x3f: {  	[tilespmem:s3+$0xEB80] =	vst v13  }
0x40: {  	v13 =	vld [tilespmem:$0x16400];
	_ =	sdelay $0x6  }
0x41: {  	v14 =	vimm.f32 $0.0e+00;
	s3 =	simm.s32 $0xEB80  }
0x42: {  	[tilespmem:v13+s3+$0x0] =	vst.idx.msk $0xffff, v14  }
0x43: {  	v13 =	vld [tilespmem:$0x16410];
	_ =	sdelay $0x7  }
0x44: {  	[tilespmem:v13+s3+$0x0] =	vst.idx.msk $0xffff, v14  }
0x45: {  	v13 =	vld [tilespmem:$0x16420];
	_ =	sdelay $0x7  }
0x46: {  	[tilespmem:v13+s3+$0x0] =	vst.idx.msk $0xffff, v14  }
0x47: {  	v13 =	vld [tilespmem:$0x16430];
	_ =	sdelay $0x7  }
0x48: {  	[tilespmem:v13+s3+$0x0] =	vst.idx.msk $0xffff, v14  }
0x49: {  	v13 =	vld [tilespmem:$0x16440];
	_ =	sdelay $0x7  }
0x4a: {  	[tilespmem:v13+s3+$0x0] =	vst.idx.msk $0xffff, v14  }
0x4b: {  	v13 =	vld [tilespmem:$0x16450];
	_ =	sdelay $0x7  }
0x4c: {  	[tilespmem:v13+s3+$0x0] =	vst.idx.msk $0xffff, v14  }
0x4d: {  	v13 =	vld [tilespmem:$0x16460];
	_ =	sdelay $0x5  }
0x4e: {  	vm0 =	vgt.s32 v10, v12  }
0x4f: {  	v10 =	vsel vm0, v10, v12  }
0x50: {  	vm0 =	vgt.s32 v10, v11;
	[tilespmem:v13+s3+$0x0] =	vst.idx.msk $0xffff, v14  }
0x51: {  	v10 =	vsel vm0, v10, v11;
	v13 =	vld [tilespmem:$0x16470]  }
0x52: {  	vm0 =	vgt.s32 v10, v9  }
0x53: {  	v9 =	vsel vm0, v10, v9  }
0x54: {  	vm0 =	vgt.s32 v9, v8  }
0x55: {  	v8 =	vsel vm0, v9, v8  }
0x56: {  	vm0 =	vgt.s32 v8, v7  }
0x57: {  	v7 =	vsel vm0, v8, v7  }
0x58: {  	vm0 =	vgt.s32 v7, v6  }
0x59: {  	v6 =	vsel vm0, v7, v6;
	[tilespmem:v13+s3+$0x0] =	vst.idx.msk $0xffff, v14  }
0x5a: {  	vm0 =	vgt.s32 v6, v5;
	v60 =	vld [tilespmem:$0x16480]  }
0x5b: {  	v5 =	vsel vm0, v6, v5  }
0x5c: {  	vm0 =	vgt.s32 v5, v4  }
0x5d: {  	v4 =	vsel vm0, v5, v4  }
0x5e: {  	vm0 =	vgt.s32 v4, v3  }
0x5f: {  	v3 =	vsel vm0, v4, v3  }
0x60: {  	vm0 =	vgt.s32 v3, v2  }
0x61: {  	v2 =	vsel vm0, v3, v2  }
0x62: {  	vm0 =	vgt.s32 v2, v1;
	[tilespmem:v60+s3+$0x0] =	vst.idx.msk $0xffff, v14  }
0x63: {  	v1 =	vsel vm0, v2, v1;
	v61 =	vld [tilespmem:$0x16490]  }
0x64: {  	vm0 =	vgt.s32 v1, v0  }
0x65: {  	v0 =	vsel vm0, v1, v0  }
0x66: {  	vm0 =	vgt.s32 v0, $0x0  }
0x67: {  	v0 =	vnsel vm0, $0x0, v0  }
0x68: {  	v0 =	vor.u32 $0x80000000, v0  }
0x69: {  	(xrf0) =	vmax.scan.msk.u32 $0xffff, v0;
	_ =	sdelay $0x1  }
0x6a: {  	[tilespmem:v61+s3+$0x0] =	vst.idx.msk $0xffff, v14  }
0x6b: {  	v62 =	vld [tilespmem:$0x164A0];
	_ =	sdelay $0x2  }
0x6c: {  	v0, _, _ =	vpop (xrf0)  }
0x6d: {  	(v2sf) =	vpush v0, $0xF;
	_ =	sdelay $0x3  }
0x6e: {  	[tilespmem:v62+s3+$0x0] =	vst.idx.msk $0xffff, v14  }
0x6f: {  	v63 =	vld [tilespmem:$0x164B0];
	_ =	sdelay $0x7  }
0x70: {  	[tilespmem:v63+s3+$0x0] =	vst.idx.msk $0xffff, v14  }
0x71: {  	v0 =	vld [tilespmem:$0x164C0]  }
0x72: {  	s4 =	spop (v2sf)  }
0x73: {  	s5 =	sadd.s32 $0x7FFFFFFF, s4  }
0x74: {  	s2 =	smul.u32 $0x280, s9;
	p0 =	slt.s32 s5, $0x1  }
.Ltmp2:
0x75: {  	_ = 	snop;
	(pc) =	sbr.rel @p0 .LBB2_13-.Ltmp2, $4  }
0x76: {  	s30 =	sshrl.u32 s2, $0x3;
	s31 =	sadd.s32 $0xEB80, s2  }
0x77: {  	s1 =	sadd.s32 s1, s30;
	[dreg:$0x8] =	wrdreg s31  }
0x78: {  	[dreg:$0x7] =	wrdreg s1  }
0x79: {  	[dreg:$0x6] =	wrdreg s5;
	[tilespmem:v0+s3+$0x0] =	vst.idx.msk $0xffff, v14  }
0x7a: {  	s5 =	stileid.u32  }
0x7b: {  	s2 =	smul.u32 $0x5000, s5;
	_ =	sdelay $0x1  }
0x7c: {  	s2 =	sshrl.u32 s2, $0x2  }
0x7d: {  	s1 =	sshrl.u32 s5, $0x3;
	s4 =	sshll.u32 s5, $0x7;
	s7 =	sadd.s32 s2, s0  }
0x7e: {  	s22 =	smul.u32 $0xA00, s5;
	s5 =	rddreg [dreg:$0x4];
	s13 =	sadd.s32 $0x80, s7  }
0x7f: {  	s14 =	sadd.s32 $0x100, s7;
	[dreg:$0xa] =	wrdreg s13  }
0x80: {  	s15 =	sadd.s32 $0x180, s7;
	[dreg:$0xb] =	wrdreg s14  }
0x81: {  	s16 =	sadd.s32 $0x200, s7;
	[dreg:$0xc] =	wrdreg s15  }
0x82: {  	s17 =	sadd.s32 $0x280, s7;
	[dreg:$0xd] =	wrdreg s16  }
0x83: {  	s18 =	sadd.s32 $0x300, s7;
	[dreg:$0xe] =	wrdreg s17  }
0x84: {  	s19 =	sadd.s32 $0x380, s7;
	[dreg:$0xf] =	wrdreg s18  }
0x85: {  	s20 =	sadd.s32 $0x14000, s7;
	[dreg:$0x10] =	wrdreg s19  }
0x86: {  	s21 =	sadd.s32 $0x14080, s7;
	[dreg:$0x11] =	wrdreg s20  }
0x87: {  	s23 =	sadd.s32 $0x14100, s7;
	[dreg:$0x12] =	wrdreg s21  }
0x88: {  	s24 =	sadd.s32 $0x14180, s7;
	[dreg:$0x13] =	wrdreg s23  }
0x89: {  	s25 =	sadd.s32 $0x14200, s7;
	[dreg:$0x14] =	wrdreg s24  }
0x8a: {  	s26 =	sadd.s32 $0x14280, s7;
	[dreg:$0x15] =	wrdreg s25  }
0x8b: {  	s2 =	sadd.s32 $0x14300, s7;
	[dreg:$0x16] =	wrdreg s26  }
0x8c: {  	s6 =	sadd.s32 $0x400, s7;
	[dreg:$0x17] =	wrdreg s2  }
0x8d: {  	s1 =	smul.u32 $0x50000, s1;
	s8 =	sadd.s32 $0x800, s7;
	[dreg:$0x1a] =	wrdreg s6  }
0x8e: {  	s4 =	sand.u32 $0x380, s4;
	s9 =	sadd.s32 $0xC00, s7;
	[dreg:$0x1b] =	wrdreg s8  }
0x8f: {  	s1 =	sshrl.u32 s1, $0x2;
	s10 =	sadd.s32 $0x1000, s7;
	[dreg:$0x1c] =	wrdreg s9  }
0x90: {  	s1 =	sadd.s32 s1, s0;
	s11 =	sadd.s32 $0x480, s7;
	[dreg:$0x1d] =	wrdreg s10  }
0x91: {  	s0 =	sshrl.u32 s22, $0x2;
	s22 =	sadd.s32 $0x1180, s7;
	[dreg:$0x1e] =	wrdreg s11  }
0x92: {  	s12 =	sadd.s32 s4, s1;
	[smem:$0x7E1] =	sst s22  }
0x93: {  	s4 =	sadd.s32 $0x14380, s7;
	[dreg:$0x9] =	wrdreg s12  }
0x94: {  	s0 =	sadd.s32 s0, s5;
	[dreg:$0x18] =	wrdreg s4  }
0x95: {  	s13 =	sadd.s32 $0xC80, s7;
	[dreg:$0x19] =	wrdreg s0  }
0x96: {  	s14 =	sadd.s32 $0x1080, s7;
	[smem:$0x7D8] =	sst s13  }
0x97: {  	s15 =	sadd.s32 $0x500, s7;
	[smem:$0x7D9] =	sst s14  }
0x98: {  	s16 =	sadd.s32 $0x900, s7;
	[smem:$0x7DA] =	sst s15  }
0x99: {  	s17 =	sadd.s32 $0xD00, s7;
	[smem:$0x7DB] =	sst s16  }
0x9a: {  	s18 =	sadd.s32 $0x1100, s7;
	[smem:$0x7DC] =	sst s17  }
0x9b: {  	s19 =	sadd.s32 $0x580, s7;
	[smem:$0x7DD] =	sst s18  }
0x9c: {  	s20 =	sadd.s32 $0x980, s7;
	[smem:$0x7DE] =	sst s19  }
0x9d: {  	s21 =	sadd.s32 $0xD80, s7;
	[smem:$0x7DF] =	sst s20  }
0x9e: {  	s23 =	sadd.s32 $0x600, s7;
	[smem:$0x7E0] =	sst s21  }
0x9f: {  	s24 =	sadd.s32 $0xA00, s7;
	[smem:$0x7E2] =	sst s23  }
0xa0: {  	s25 =	sadd.s32 $0xE00, s7;
	[smem:$0x7E3] =	sst s24  }
0xa1: {  	s26 =	sadd.s32 $0x1200, s7;
	[smem:$0x7E4] =	sst s25  }
0xa2: {  	s1 =	sadd.s32 $0x680, s7;
	[smem:$0x7E5] =	sst s26  }
0xa3: {  	s2 =	sadd.s32 $0xA80, s7;
	[smem:$0x7E6] =	sst s1  }
0xa4: {  	s5 =	sadd.s32 $0x1280, s7;
	[smem:$0x7E7] =	sst s2  }
0xa5: {  	s6 =	sadd.s32 $0x700, s7;
	[smem:$0x7E9] =	sst s5  }
0xa6: {  	s8 =	sadd.s32 $0xB00, s7;
	[smem:$0x7EA] =	sst s6  }
0xa7: {  	s9 =	sadd.s32 $0xF00, s7;
	[smem:$0x7EB] =	sst s8  }
0xa8: {  	s10 =	sadd.s32 $0x1300, s7;
	[smem:$0x7EC] =	sst s9  }
0xa9: {  	s11 =	sadd.s32 $0x780, s7;
	[smem:$0x7ED] =	sst s10  }
0xaa: {  	s22 =	sadd.s32 $0x15080, s7;
	[smem:$0x7EE] =	sst s11  }
0xab: {  	s12 =	sadd.s32 $0x880, s7;
	[smem:$0x7F9] =	sst s22  }
0xac: {  	s4 =	sadd.s32 $0xE80, s7;
	[dreg:$0x1f] =	wrdreg s12  }
0xad: {  	s13 =	sadd.s32 $0xF80, s7;
	[smem:$0x7E8] =	sst s4  }
0xae: {  	s14 =	sadd.s32 $0x1380, s7;
	[smem:$0x7F0] =	sst s13  }
0xaf: {  	s15 =	sadd.s32 $0x14400, s7;
	[smem:$0x7F1] =	sst s14  }
0xb0: {  	v0 =	vimm.s32 $0xFFEDCBA9;
	s16 =	sadd.s32 $0x14800, s7;
	[smem:$0x7F2] =	sst s15  }
0xb1: {  	v1 =	vimm.s32 $0x87654321;
	s28 =	sadd.s32 $0x15300, s7;
	s17 =	sadd.s32 $0x14C00, s7;
	[smem:$0x7F3] =	sst s16  }
0xb2: {  	v2 =	vimm.s32 $0xBA987654;
	s29 =	sadd.s32 $0x14780, s7;
	s18 =	sadd.s32 $0x15000, s7;
	[smem:$0x7F4] =	sst s17  }
0xb3: {  	v4 =	vimm.s32 $0x98765432;
	v0 =	vunpack.c.l.s4.s8 v0;
	v1 =	vunpack.c.l.s4.s8 v1;
	s30 =	sadd.s32 $0x14B80, s7;
	s19 =	sadd.s32 $0x14480, s7;
	[smem:$0x7F5] =	sst s18  }
0xb4: {  	v3 =	vimm.s32 $0xFFFEDCBA;
	vm0 =	vcmask $0x1F00;
	s31 =	sadd.s32 $0x14F80, s7;
	s20 =	sadd.s32 $0x14880, s7;
	[smem:$0x7F6] =	sst s19  }
0xb5: {  	v6 =	vimm.s32 $0xEDCBA987;
	v0 =	vunpack.c.0.s8.s32 v0;
	v1 =	vunpack.c.0.s8.s32 v1;
	s21 =	sadd.s32 $0x14C80, s7;
	s23 =	sadd.s32 $0x14500, s7;
	[smem:$0x7F7] =	sst s20  }
0xb6: {  	v7 =	vimm.s32 $0x65432100;
	v2 =	vunpack.c.l.s4.s8 v2;
	v3 =	vunpack.c.l.s4.s8 v3;
	s24 =	sadd.s32 $0x14900, s7;
	s25 =	sadd.s32 $0x14D00, s7;
	[smem:$0x7F8] =	sst s21  }
0xb7: {  	v4 =	vunpack.c.l.s4.s8 v4;
	v6 =	vunpack.c.l.s4.s8 v6;
	v5 =	vcombine.low v1, v0;
	s26 =	sadd.s32 $0x15100, s7;
	s22 =	sadd.s32 $0x14E80, s7;
	[smem:$0x7FA] =	sst s23  }
0xb8: {  	v0 =	vunpack.c.0.s8.s32 v2;
	v1 =	vunpack.c.0.s8.s32 v3;
	v3 =	vimm.s32 $0xFEDCBA98;
	s1 =	sadd.s32 $0x15380, s7;
	s5 =	simm.s32 $0x0;
	[smem:$0x7FB] =	sst s24  }
0xb9: {  	v2 =	vunpack.c.0.s8.s32 v4;
	v4 =	vimm.s32 $0xF0E0D0C;
	v3 =	vunpack.c.l.s4.s8 v3;
	s6 =	simm.s32 $0x18F80;
	s0 =	simm.s32 $0x1;
	[smem:$0x7FC] =	sst s25  }
0xba: {  	v7 =	vunpack.c.l.s4.s8 v7;
	v4 =	vunpack.c.0.s8.s32 v4;
	v0 =	vand.u32 $0xF, v0;
	s12 =	sadd.s32 $0xB80, s7;
	[smem:$0x7FD] =	sst s26;
	s13 =	sadd.s32 $0x14980, s7  }
0xbb: {  	vm1 =	vcmask $0x2F20;
	s14 =	sadd.s32 $0x14D80, s7;
	s15 =	sadd.s32 $0x15180, s7;
	s16 =	sadd.s32 $0x14600, s7;
	v3 =	vunpack.c.0.s8.s32 v3;
	v0 =	vnsel vm0, $0xF, v0  }
0xbc: {  	v7 =	vunpack.c.0.s8.s32 v7;
	s17 =	sadd.s32 $0x14A00, s7;
	s18 =	sadd.s32 $0x14E00, s7;
	s19 =	sadd.s32 $0x15200, s7;
	v0 =	vsel vm1, v4, v0;
	v4 =	vunpack.c.0.s8.s32 v6  }
0xbd: {  	s20 =	sadd.s32 $0x14680, s7;
	s21 =	sadd.s32 $0x14A80, s7;
	s23 =	sadd.s32 $0x15280, s7;
	v6 =	vcombine.low v2, v1;
	v2 =	vimm.f32 $-Inf;
	v3 =	vand.u32 $0xF, v3  }
0xbe: {  	s24 =	sadd.s32 $0x14700, s7;
	s25 =	sadd.s32 $0x14B00, s7;
	s26 =	sadd.s32 $0x14F00, s7;
	v1 =	vnsel vm0, $0xF, v3;
	v3 =	vand.u32 $0xF, v5;
	v5 =	vand.u32 $0xF, v4  }
0xbf: {  	s4 =	simm.s32 $0x11380;
	[smem:$0x7EF] =	sst s12;
	s12 =	sadd.s32 $0x14580, s7;
	v4 =	vand.u32 $0xF, v6;
	vm0 =	vmmov $0x1;
	v5 =	vcombine.low v7, v5  }
.LBB2_6:
0xc0: {  	s2 =	simm.s32 $0x0  }
.LBB2_7:
0xc1: {  	p0 =	sne.s32 s2, $0x9FC0  }
.Ltmp3:
0xc2: {  	_ = 	snop;
	(pc) =	sbr.rel @p0 .LBB2_7-.Ltmp3, $3  }
0xc3: {  	_ =	sdelay $0x1  }
0xc4: {  	s8 =	sshra.s32 s2, $0x2  }
0xc5: {  	s2 =	sadd.s32 $0x40, s2;
	[tilespmem:s8+$0x11380] =	vst v2  }
0xc6: {  	s2 =	simm.s32 $0x0  }
0xc7: {  	v6 =	vld [tilespmem:s2+$0x4E80];
	_ =	sdelay $0x6  }
0xc8: {  	v7 =	vld [tilespmem:s2+$0x9D00]  }
0xc9: {  	v6 =	vld.idx.msk [tilespmem:v6+s3+$0x0], $0xffff  }
0xca: {  	v8 =	vld [tilespmem:s2+$0x0];
	_ =	sdelay $0x3  }
0xcb: {  	v6 =	vadd.f32 v6, v7  }
0xcc: {  	v7 =	vxor.u32 $0x80000000, v8  }
0xcd: {  	(xrf1) =	vsort.ascd.msk.u32 $0xffff, v7, v6;
	_ =	sdelay $0xd  }
0xce: {  	v6, v7, _ =	vpop (xrf1)  }
0xcf: {  	v6 =	vxor.u32 $0x80000000, v6  }
0xd0: {  	[tilespmem:$0x18F80] =	vst v6  }
0xd1: {  	v8 =	vld.idx.msk [tilespmem:v3+s6+$0x0], $0xffff;
	_ =	sdelay $0x2  }
0xd2: {  	v9 =	vperm.xlane v7, v3  }
0xd3: {  	v10 =	vld.idx.msk [tilespmem:v4+s6+$0x0], $0xffff  }
0xd4: {  	v9 =	vmax.f32 v7, v9;
	vm1 =	veq.s32 v8, v6  }
0xd5: {  	v7 =	vsel vm1, v9, v7  }
0xd6: {  	v8 =	vperm.xlane v7, v4  }
0xd7: {  	v61 =	vld.idx.msk [tilespmem:v0+s6+$0x0], $0xffff  }
0xd8: {  	vm1 =	veq.s32 v10, v6;
	v8 =	vmax.f32 v7, v8  }
0xd9: {  	v7 =	vsel vm1, v8, v7  }
0xda: {  	v62 =	vld.idx.msk [tilespmem:v1+s6+$0x0], $0xffff;
	v8 =	vperm.xlane v7, v0  }
0xdb: {  	v11 =	vld.idx.msk [tilespmem:v5+s6+$0x0], $0xffff  }
0xdc: {  	vm1 =	veq.s32 v61, v6;
	v8 =	vmax.f32 v7, v8  }
0xdd: {  	v7 =	vsel vm1, v8, v7  }
0xde: {  	v8 =	vperm.xlane v7, v1;
	_ =	sdelay $0x1  }
0xdf: {  	v63 =	vld.idx.msk [tilespmem:v6+s4+$0x0], $0xffff;
	vm2 =	vne.s32 v11, v6;
	vm1 =	veq.s32 v62, v6;
	v8 =	vmax.f32 v7, v8  }
0xe0: {  	v7 =	vsel vm1, v8, v7;
	vm1 =	vmor vm2, vm0;
	_ =	sdelay $0x3  }
0xe1: {  	s8 =	simm.s32 $0x80;
	s2 =	simm.s32 $0x40;
	v7 =	vmax.f32 v63, v7  }
.LBB2_9:
0xe2: {  	p0 =	sne.s32 s8, $0x13840  }
0xe3: {  	s9 =	sshra.s32 s2, $0x2;
	[tilespmem:v6+s4+$0x0] =	vst.idx.msk vm1, v7;
	s2 =	smov.u32 s8;
	s8 =	sadd.s32 $0x40, s8  }
0xe4: {  	v6 =	vld [tilespmem:s9+$0x4E80];
	_ =	sdelay $0x7  }
0xe5: {  	v6 =	vld.idx.msk [tilespmem:v6+s3+$0x0], $0xffff  }
0xe6: {  	v7 =	vld [tilespmem:s9+$0x9D00]  }
0xe7: {  	v8 =	vld [tilespmem:s9+$0x0];
	_ =	sdelay $0x3  }
0xe8: {  	v6 =	vadd.f32 v6, v7  }
0xe9: {  	v7 =	vxor.u32 $0x80000000, v8  }
0xea: {  	(xrf1) =	vsort.ascd.msk.u32 $0xffff, v7, v6;
	_ =	sdelay $0xd  }
0xeb: {  	v6, v7, _ =	vpop (xrf1)  }
0xec: {  	v6 =	vxor.u32 $0x80000000, v6;
	v8 =	vperm.xlane v7, v3  }
0xed: {  	[tilespmem:$0x18F80] =	vst v6  }
0xee: {  	v9 =	vld.idx.msk [tilespmem:v3+s6+$0x0], $0xffff;
	v8 =	vmax.f32 v7, v8;
	_ =	sdelay $0x3  }
0xef: {  	v10 =	vld.idx.msk [tilespmem:v4+s6+$0x0], $0xffff;
	_ =	sdelay $0x1  }
0xf0: {  	vm1 =	veq.s32 v9, v6  }
0xf1: {  	v7 =	vsel vm1, v8, v7;
	v8 =	vld.idx.msk [tilespmem:v5+s6+$0x0], $0xffff  }
0xf2: {  	v9 =	vperm.xlane v7, v4;
	v11 =	vld.idx.msk [tilespmem:v0+s6+$0x0], $0xffff;
	_ =	sdelay $0x1  }
0xf3: {  	vm1 =	veq.s32 v10, v6;
	v9 =	vmax.f32 v7, v9  }
0xf4: {  	v7 =	vsel vm1, v9, v7  }
0xf5: {  	v9 =	vperm.xlane v7, v0;
	v10 =	vld.idx.msk [tilespmem:v1+s6+$0x0], $0xffff  }
0xf6: {  	vm1 =	vne.s32 v8, v6  }
0xf7: {  	vm2 =	veq.s32 v11, v6;
	v8 =	vmax.f32 v7, v9;
	v9 =	vld.idx.msk [tilespmem:v6+s4+$0x0], $0xffff  }
0xf8: {  	vm1 =	vmor vm1, vm0;
	v7 =	vsel vm2, v8, v7  }
.Ltmp4:
0xf9: {  	v8 =	vperm.xlane v7, v1;
	(pc) =	sbr.rel @p0 .LBB2_9-.Ltmp4, $4  }
0xfa: {  	_ = 	snop  }
0xfb: {  	vm2 =	veq.s32 v10, v6;
	v8 =	vmax.f32 v7, v8  }
0xfc: {  	v7 =	vsel vm2, v8, v7  }
0xfd: {  	v7 =	vmax.f32 v9, v7  }
0xfe: {  	_ =	sdelay $0x4  }
0xff: {  	s2 =	sshra.s32 s2, $0x2;
	[tilespmem:v6+s4+$0x0] =	vst.idx.msk vm1, v7  }
0x100: {  	v6 =	vld [tilespmem:s2+$0x4E80];
	_ =	sdelay $0x6  }
0x101: {  	v7 =	vld [tilespmem:s2+$0x9D00]  }
0x102: {  	v6 =	vld.idx.msk [tilespmem:v6+s3+$0x0], $0xffff  }
0x103: {  	v8 =	vld [tilespmem:s2+$0x0];
	_ =	sdelay $0x3  }
0x104: {  	v6 =	vadd.f32 v6, v7  }
0x105: {  	v7 =	vxor.u32 $0x80000000, v8  }
0x106: {  	(xrf1) =	vsort.ascd.msk.u32 $0xffff, v7, v6;
	_ =	sdelay $0xd  }
0x107: {  	v6, v7, _ =	vpop (xrf1)  }
0x108: {  	v6 =	vxor.u32 $0x80000000, v6  }
0x109: {  	[tilespmem:$0x18F80] =	vst v6  }
0x10a: {  	v8 =	vld.idx.msk [tilespmem:v3+s6+$0x0], $0xffff;
	_ =	sdelay $0x2  }
0x10b: {  	v9 =	vperm.xlane v7, v3  }
0x10c: {  	v10 =	vld.idx.msk [tilespmem:v4+s6+$0x0], $0xffff  }
0x10d: {  	v9 =	vmax.f32 v7, v9;
	vm1 =	veq.s32 v8, v6  }
0x10e: {  	v7 =	vsel vm1, v9, v7  }
0x10f: {  	v11 =	vld.idx.msk [tilespmem:v0+s6+$0x0], $0xffff;
	v9 =	vperm.xlane v7, v4  }
0x110: {  	v8 =	vld.idx.msk [tilespmem:v5+s6+$0x0], $0xffff  }
0x111: {  	vm1 =	veq.s32 v10, v6;
	v9 =	vmax.f32 v7, v9  }
0x112: {  	v7 =	vsel vm1, v9, v7  }
0x113: {  	v9 =	vperm.xlane v7, v0  }
0x114: {  	v53 =	vld.idx.msk [tilespmem:v1+s6+$0x0], $0xffff  }
0x115: {  	vm2 =	veq.s32 v11, v6;
	vm1 =	vne.s32 v8, v6;
	v8 =	vmax.f32 v7, v9  }
0x116: {  	v54 =	vld.idx.msk [tilespmem:v6+s4+$0x0], $0xffff;
	vm1 =	vmor vm1, vm0;
	v7 =	vsel vm2, v8, v7  }
0x117: {  	v8 =	vperm.xlane v7, v1;
	_ =	sdelay $0x1  }
0x118: {  	vm2 =	veq.s32 v53, v6;
	v8 =	vmax.f32 v7, v8  }
0x119: {  	v7 =	vsel vm2, v8, v7  }
0x11a: {  	v7 =	vmax.f32 v54, v7  }
0x11b: {  	s11 =	rddreg [dreg:$0x9];
	s8 =	simm.s32 $0x80;
	s9 =	simm.s32 $0x400;
	[tilespmem:v6+s4+$0x0] =	vst.idx.msk vm1, v7  }
0x11c: {  	[spmem:s11] =	stream.strided.scatter [tilespmem:s4], [sflag:$0x1], $0x2800, s9, s8, $0x38;
	[tilespmem:$0x1BA80] =	vst v63  }
0x11d: {  	_ =	swait.ge [sflag:s0], $0x2800  }
0x11e: {  	[sflag:s0] =	ssyncset.done $0x0  }
0x11f: {  	[sflag:s0] =	ssyncadd.s32 $0xFFFFD800  }
0x120: {  	s9 =	simm.s32 $0x16780;
	[bflag:$0x0] =	sbarrier.arrive $0xFFFF  }
0x121: {  	[tilespmem:s9], [sflag:$0x1] =	stream.linear.gather [spmem:s7], $0x80, $0x38;
	[tilespmem:$0x1BA80] =	vst v63  }
0x122: {  	s11 =	simm.s32 $0x16B80;
	s10 =	rddreg [dreg:$0x1a]  }
0x123: {  	[tilespmem:s11], [sflag:$0x1] =	stream.linear.gather [spmem:s10], $0x80, $0x38;
	[tilespmem:$0x1BA80] =	vst v63  }
0x124: {  	s8 =	rddreg [dreg:$0x1b];
	s9 =	simm.s32 $0x16F80  }
0x125: {  	[tilespmem:s9], [sflag:$0x1] =	stream.linear.gather [spmem:s8], $0x80, $0x38;
	[tilespmem:$0x1BA80] =	vst v63  }
0x126: {  	s10 =	rddreg [dreg:$0x1c];
	s11 =	simm.s32 $0x17380  }
0x127: {  	[tilespmem:s11], [sflag:$0x1] =	stream.linear.gather [spmem:s10], $0x80, $0x38;
	[tilespmem:$0x1BA80] =	vst v63  }
0x128: {  	s8 =	rddreg [dreg:$0x1d];
	s9 =	simm.s32 $0x17780  }
0x129: {  	[tilespmem:s9], [sflag:$0x1] =	stream.linear.gather [spmem:s8], $0x80, $0x38;
	[tilespmem:$0x1BA80] =	vst v63  }
0x12a: {  	_ =	swait.ge [sflag:s0], $0x280  }
0x12b: {  	[sflag:s0] =	ssyncset.done $0x0;
	s10 =	rddreg [dreg:$0xa]  }
0x12c: {  	s11 =	simm.s32 $0x16800;
	s8 =	rddreg [dreg:$0x1e];
	[sflag:s0] =	ssyncadd.s32 $0xFFFFFD80  }
0x12d: {  	[tilespmem:s11], [sflag:$0x1] =	stream.linear.gather [spmem:s10], $0x80, $0x38;
	[tilespmem:$0x1BA80] =	vst v63  }
0x12e: {  	s9 =	simm.s32 $0x16C00;
	s10 =	rddreg [dreg:$0x1f]  }
0x12f: {  	[tilespmem:s9], [sflag:$0x1] =	stream.linear.gather [spmem:s8], $0x80, $0x38;
	[tilespmem:$0x1BA80] =	vst v63  }
0x130: {  	s11 =	simm.s32 $0x17000;
	s8 =	sld [smem:$0x7D8]  }
0x131: {  	[tilespmem:s11], [sflag:$0x1] =	stream.linear.gather [spmem:s10], $0x80, $0x38;
	[tilespmem:$0x1BA80] =	vst v63  }
0x132: {  	s9 =	simm.s32 $0x17400;
	s10 =	sld [smem:$0x7D9]  }
0x133: {  	[tilespmem:s9], [sflag:$0x1] =	stream.linear.gather [spmem:s8], $0x80, $0x38;
	[tilespmem:$0x1BA80] =	vst v63  }
0x134: {  	s11 =	simm.s32 $0x17800  }
0x135: {  	[tilespmem:s11], [sflag:$0x1] =	stream.linear.gather [spmem:s10], $0x80, $0x38;
	[tilespmem:$0x1BA80] =	vst v63  }
0x136: {  	_ =	swait.ge [sflag:s0], $0x280  }
0x137: {  	[sflag:s0] =	ssyncset.done $0x0;
	s8 =	rddreg [dreg:$0xb]  }
0x138: {  	s9 =	simm.s32 $0x16880;
	s10 =	sld [smem:$0x7DA];
	[sflag:s0] =	ssyncadd.s32 $0xFFFFFD80  }
0x139: {  	[tilespmem:s9], [sflag:$0x1] =	stream.linear.gather [spmem:s8], $0x80, $0x38;
	[tilespmem:$0x1BA80] =	vst v63  }
0x13a: {  	s11 =	simm.s32 $0x16C80;
	s8 =	sld [smem:$0x7DB]  }
0x13b: {  	[tilespmem:s11], [sflag:$0x1] =	stream.linear.gather [spmem:s10], $0x80, $0x38;
	[tilespmem:$0x1BA80] =	vst v63  }
0x13c: {  	s9 =	simm.s32 $0x17080;
	s10 =	sld [smem:$0x7DC]  }
0x13d: {  	[tilespmem:s9], [sflag:$0x1] =	stream.linear.gather [spmem:s8], $0x80, $0x38;
	[tilespmem:$0x1BA80] =	vst v63  }
0x13e: {  	s11 =	simm.s32 $0x17480;
	s8 =	sld [smem:$0x7DD]  }
0x13f: {  	[tilespmem:s11], [sflag:$0x1] =	stream.linear.gather [spmem:s10], $0x80, $0x38;
	[tilespmem:$0x1BA80] =	vst v63  }
0x140: {  	s9 =	simm.s32 $0x17880  }
0x141: {  	[tilespmem:s9], [sflag:$0x1] =	stream.linear.gather [spmem:s8], $0x80, $0x38;
	[tilespmem:$0x1BA80] =	vst v63  }
0x142: {  	_ =	swait.ge [sflag:s0], $0x280  }
0x143: {  	[sflag:s0] =	ssyncset.done $0x0;
	s10 =	rddreg [dreg:$0xc]  }
0x144: {  	s11 =	simm.s32 $0x16900;
	s8 =	sld [smem:$0x7DE];
	[sflag:s0] =	ssyncadd.s32 $0xFFFFFD80  }
0x145: {  	[tilespmem:s11], [sflag:$0x1] =	stream.linear.gather [spmem:s10], $0x80, $0x38;
	[tilespmem:$0x1BA80] =	vst v63  }
0x146: {  	s9 =	simm.s32 $0x16D00;
	s10 =	sld [smem:$0x7DF]  }
0x147: {  	[tilespmem:s9], [sflag:$0x1] =	stream.linear.gather [spmem:s8], $0x80, $0x38;
	[tilespmem:$0x1BA80] =	vst v63  }
0x148: {  	s11 =	simm.s32 $0x17100;
	s8 =	sld [smem:$0x7E0]  }
0x149: {  	[tilespmem:s11], [sflag:$0x1] =	stream.linear.gather [spmem:s10], $0x80, $0x38;
	[tilespmem:$0x1BA80] =	vst v63  }
0x14a: {  	s9 =	simm.s32 $0x17500;
	s10 =	sld [smem:$0x7E1]  }
0x14b: {  	[tilespmem:s9], [sflag:$0x1] =	stream.linear.gather [spmem:s8], $0x80, $0x38;
	[tilespmem:$0x1BA80] =	vst v63  }
0x14c: {  	s11 =	simm.s32 $0x17900  }
0x14d: {  	[tilespmem:s11], [sflag:$0x1] =	stream.linear.gather [spmem:s10], $0x80, $0x38;
	[tilespmem:$0x1BA80] =	vst v63  }
0x14e: {  	_ =	swait.ge [sflag:s0], $0x280  }
0x14f: {  	[sflag:s0] =	ssyncset.done $0x0;
	s8 =	rddreg [dreg:$0xd]  }
0x150: {  	s9 =	simm.s32 $0x16980;
	s10 =	sld [smem:$0x7E2];
	[sflag:s0] =	ssyncadd.s32 $0xFFFFFD80  }
0x151: {  	[tilespmem:s9], [sflag:$0x1] =	stream.linear.gather [spmem:s8], $0x80, $0x38;
	[tilespmem:$0x1BA80] =	vst v63  }
0x152: {  	s11 =	simm.s32 $0x16D80;
	s8 =	sld [smem:$0x7E3]  }
0x153: {  	[tilespmem:s11], [sflag:$0x1] =	stream.linear.gather [spmem:s10], $0x80, $0x38;
	[tilespmem:$0x1BA80] =	vst v63  }
0x154: {  	s9 =	simm.s32 $0x17180;
	s10 =	sld [smem:$0x7E4]  }
0x155: {  	[tilespmem:s9], [sflag:$0x1] =	stream.linear.gather [spmem:s8], $0x80, $0x38;
	[tilespmem:$0x1BA80] =	vst v63  }
0x156: {  	s11 =	simm.s32 $0x17580;
	s8 =	sld [smem:$0x7E5]  }
0x157: {  	[tilespmem:s11], [sflag:$0x1] =	stream.linear.gather [spmem:s10], $0x80, $0x38;
	[tilespmem:$0x1BA80] =	vst v63  }
0x158: {  	s9 =	simm.s32 $0x17980  }
0x159: {  	[tilespmem:s9], [sflag:$0x1] =	stream.linear.gather [spmem:s8], $0x80, $0x38;
	[tilespmem:$0x1BA80] =	vst v63  }
0x15a: {  	_ =	swait.ge [sflag:s0], $0x280  }
0x15b: {  	[sflag:s0] =	ssyncset.done $0x0;
	s10 =	rddreg [dreg:$0xe]  }
0x15c: {  	s11 =	simm.s32 $0x16A00;
	s8 =	sld [smem:$0x7E6];
	[sflag:s0] =	ssyncadd.s32 $0xFFFFFD80  }
0x15d: {  	[tilespmem:s11], [sflag:$0x1] =	stream.linear.gather [spmem:s10], $0x80, $0x38;
	[tilespmem:$0x1BA80] =	vst v63  }
0x15e: {  	s9 =	simm.s32 $0x16E00;
	s10 =	sld [smem:$0x7E7]  }
0x15f: {  	[tilespmem:s9], [sflag:$0x1] =	stream.linear.gather [spmem:s8], $0x80, $0x38;
	[tilespmem:$0x1BA80] =	vst v63  }
0x160: {  	s11 =	simm.s32 $0x17200;
	s8 =	sld [smem:$0x7E8]  }
0x161: {  	[tilespmem:s11], [sflag:$0x1] =	stream.linear.gather [spmem:s10], $0x80, $0x38;
	[tilespmem:$0x1BA80] =	vst v63  }
0x162: {  	s9 =	simm.s32 $0x17600;
	s10 =	sld [smem:$0x7E9]  }
0x163: {  	[tilespmem:s9], [sflag:$0x1] =	stream.linear.gather [spmem:s8], $0x80, $0x38;
	[tilespmem:$0x1BA80] =	vst v63  }
0x164: {  	s11 =	simm.s32 $0x17A00  }
0x165: {  	[tilespmem:s11], [sflag:$0x1] =	stream.linear.gather [spmem:s10], $0x80, $0x38;
	[tilespmem:$0x1BA80] =	vst v63  }
0x166: {  	_ =	swait.ge [sflag:s0], $0x280  }
0x167: {  	[sflag:s0] =	ssyncset.done $0x0;
	s8 =	rddreg [dreg:$0xf]  }
0x168: {  	s9 =	simm.s32 $0x16A80;
	s10 =	sld [smem:$0x7EA];
	[sflag:s0] =	ssyncadd.s32 $0xFFFFFD80  }
0x169: {  	[tilespmem:s9], [sflag:$0x1] =	stream.linear.gather [spmem:s8], $0x80, $0x38;
	[tilespmem:$0x1BA80] =	vst v63  }
0x16a: {  	s11 =	simm.s32 $0x16E80;
	s8 =	sld [smem:$0x7EB]  }
0x16b: {  	[tilespmem:s11], [sflag:$0x1] =	stream.linear.gather [spmem:s10], $0x80, $0x38;
	[tilespmem:$0x1BA80] =	vst v63  }
0x16c: {  	s9 =	simm.s32 $0x17280;
	s10 =	sld [smem:$0x7EC]  }
0x16d: {  	[tilespmem:s9], [sflag:$0x1] =	stream.linear.gather [spmem:s8], $0x80, $0x38;
	[tilespmem:$0x1BA80] =	vst v63  }
0x16e: {  	s11 =	simm.s32 $0x17680;
	s8 =	sld [smem:$0x7ED]  }
0x16f: {  	[tilespmem:s11], [sflag:$0x1] =	stream.linear.gather [spmem:s10], $0x80, $0x38;
	[tilespmem:$0x1BA80] =	vst v63  }
0x170: {  	s9 =	simm.s32 $0x17A80  }
0x171: {  	[tilespmem:s9], [sflag:$0x1] =	stream.linear.gather [spmem:s8], $0x80, $0x38;
	[tilespmem:$0x1BA80] =	vst v63  }
0x172: {  	_ =	swait.ge [sflag:s0], $0x280  }
0x173: {  	[sflag:s0] =	ssyncset.done $0x0;
	s10 =	rddreg [dreg:$0x10]  }
0x174: {  	s11 =	simm.s32 $0x16B00;
	s8 =	sld [smem:$0x7EE];
	[sflag:s0] =	ssyncadd.s32 $0xFFFFFD80  }
0x175: {  	[tilespmem:s11], [sflag:$0x1] =	stream.linear.gather [spmem:s10], $0x80, $0x38;
	[tilespmem:$0x1BA80] =	vst v63  }
0x176: {  	s9 =	simm.s32 $0x16F00;
	s10 =	sld [smem:$0x7EF]  }
0x177: {  	[tilespmem:s9], [sflag:$0x1] =	stream.linear.gather [spmem:s8], $0x80, $0x38;
	[tilespmem:$0x1BA80] =	vst v63  }
0x178: {  	s11 =	simm.s32 $0x17300;
	s8 =	sld [smem:$0x7F0]  }
0x179: {  	[tilespmem:s11], [sflag:$0x1] =	stream.linear.gather [spmem:s10], $0x80, $0x38;
	[tilespmem:$0x1BA80] =	vst v63  }
0x17a: {  	s9 =	simm.s32 $0x17700;
	s10 =	sld [smem:$0x7F1]  }
0x17b: {  	[tilespmem:s9], [sflag:$0x1] =	stream.linear.gather [spmem:s8], $0x80, $0x38;
	[tilespmem:$0x1BA80] =	vst v63  }
0x17c: {  	s11 =	simm.s32 $0x17B00  }
0x17d: {  	[tilespmem:s11], [sflag:$0x1] =	stream.linear.gather [spmem:s10], $0x80, $0x38;
	[tilespmem:$0x1BA80] =	vst v63  }
0x17e: {  	_ =	swait.ge [sflag:s0], $0x280  }
0x17f: {  	[sflag:s0] =	ssyncset.done $0x0;
	s8 =	rddreg [dreg:$0x11]  }
0x180: {  	s9 =	simm.s32 $0x17B80;
	s10 =	sld [smem:$0x7F2];
	[sflag:s0] =	ssyncadd.s32 $0xFFFFFD80  }
0x181: {  	[tilespmem:s9], [sflag:$0x1] =	stream.linear.gather [spmem:s8], $0x80, $0x38;
	[tilespmem:$0x1BA80] =	vst v63  }
0x182: {  	s11 =	simm.s32 $0x17F80;
	s8 =	sld [smem:$0x7F3]  }
0x183: {  	[tilespmem:s11], [sflag:$0x1] =	stream.linear.gather [spmem:s10], $0x80, $0x38;
	[tilespmem:$0x1BA80] =	vst v63  }
0x184: {  	s9 =	simm.s32 $0x18380;
	s10 =	sld [smem:$0x7F4]  }
0x185: {  	[tilespmem:s9], [sflag:$0x1] =	stream.linear.gather [spmem:s8], $0x80, $0x38;
	[tilespmem:$0x1BA80] =	vst v63  }
0x186: {  	s11 =	simm.s32 $0x18780;
	s8 =	sld [smem:$0x7F5]  }
0x187: {  	[tilespmem:s11], [sflag:$0x1] =	stream.linear.gather [spmem:s10], $0x80, $0x38;
	[tilespmem:$0x1BA80] =	vst v63  }
0x188: {  	s9 =	simm.s32 $0x18B80  }
0x189: {  	[tilespmem:s9], [sflag:$0x1] =	stream.linear.gather [spmem:s8], $0x80, $0x38;
	[tilespmem:$0x1BA80] =	vst v63  }
0x18a: {  	_ =	swait.ge [sflag:s0], $0x280  }
0x18b: {  	[sflag:s0] =	ssyncset.done $0x0;
	s10 =	rddreg [dreg:$0x12]  }
0x18c: {  	s11 =	simm.s32 $0x17C00;
	s8 =	sld [smem:$0x7F6];
	[sflag:s0] =	ssyncadd.s32 $0xFFFFFD80  }
0x18d: {  	[tilespmem:s11], [sflag:$0x1] =	stream.linear.gather [spmem:s10], $0x80, $0x38;
	[tilespmem:$0x1BA80] =	vst v63  }
0x18e: {  	s9 =	simm.s32 $0x18000;
	s10 =	sld [smem:$0x7F7]  }
0x18f: {  	[tilespmem:s9], [sflag:$0x1] =	stream.linear.gather [spmem:s8], $0x80, $0x38;
	[tilespmem:$0x1BA80] =	vst v63  }
0x190: {  	s11 =	simm.s32 $0x18400;
	s8 =	sld [smem:$0x7F8]  }
0x191: {  	[tilespmem:s11], [sflag:$0x1] =	stream.linear.gather [spmem:s10], $0x80, $0x38;
	[tilespmem:$0x1BA80] =	vst v63  }
0x192: {  	s9 =	simm.s32 $0x18800;
	s10 =	sld [smem:$0x7F9]  }
0x193: {  	[tilespmem:s9], [sflag:$0x1] =	stream.linear.gather [spmem:s8], $0x80, $0x38;
	[tilespmem:$0x1BA80] =	vst v63  }
0x194: {  	s11 =	simm.s32 $0x18C00  }
0x195: {  	[tilespmem:s11], [sflag:$0x1] =	stream.linear.gather [spmem:s10], $0x80, $0x38;
	[tilespmem:$0x1BA80] =	vst v63  }
0x196: {  	_ =	swait.ge [sflag:s0], $0x280  }
0x197: {  	[sflag:s0] =	ssyncset.done $0x0;
	s8 =	rddreg [dreg:$0x13]  }
0x198: {  	s9 =	simm.s32 $0x17C80;
	s10 =	sld [smem:$0x7FA];
	[sflag:s0] =	ssyncadd.s32 $0xFFFFFD80  }
0x199: {  	[tilespmem:s9], [sflag:$0x1] =	stream.linear.gather [spmem:s8], $0x80, $0x38;
	[tilespmem:$0x1BA80] =	vst v63  }
0x19a: {  	s11 =	simm.s32 $0x18080;
	s8 =	sld [smem:$0x7FB]  }
0x19b: {  	[tilespmem:s11], [sflag:$0x1] =	stream.linear.gather [spmem:s10], $0x80, $0x38;
	[tilespmem:$0x1BA80] =	vst v63  }
0x19c: {  	s9 =	simm.s32 $0x18480;
	s10 =	sld [smem:$0x7FC]  }
0x19d: {  	[tilespmem:s9], [sflag:$0x1] =	stream.linear.gather [spmem:s8], $0x80, $0x38;
	[tilespmem:$0x1BA80] =	vst v63  }
0x19e: {  	s11 =	simm.s32 $0x18880;
	s8 =	sld [smem:$0x7FD]  }
0x19f: {  	[tilespmem:s11], [sflag:$0x1] =	stream.linear.gather [spmem:s10], $0x80, $0x38;
	[tilespmem:$0x1BA80] =	vst v63  }
0x1a0: {  	s9 =	simm.s32 $0x18C80  }
0x1a1: {  	[tilespmem:s9], [sflag:$0x1] =	stream.linear.gather [spmem:s8], $0x80, $0x38;
	[tilespmem:$0x1BA80] =	vst v63  }
0x1a2: {  	_ =	swait.ge [sflag:s0], $0x280  }
0x1a3: {  	[sflag:s0] =	ssyncset.done $0x0  }
0x1a4: {  	s11 =	simm.s32 $0x17D00;
	s10 =	rddreg [dreg:$0x14];
	[sflag:s0] =	ssyncadd.s32 $0xFFFFFD80  }
0x1a5: {  	[tilespmem:s11], [sflag:$0x1] =	stream.linear.gather [spmem:s10], $0x80, $0x38;
	[tilespmem:$0x1BA80] =	vst v63  }
0x1a6: {  	s8 =	simm.s32 $0x18100  }
0x1a7: {  	[tilespmem:s8], [sflag:$0x1] =	stream.linear.gather [spmem:s12], $0x80, $0x38;
	[tilespmem:$0x1BA80] =	vst v63  }
0x1a8: {  	s9 =	simm.s32 $0x18500  }
0x1a9: {  	[tilespmem:s9], [sflag:$0x1] =	stream.linear.gather [spmem:s13], $0x80, $0x38;
	[tilespmem:$0x1BA80] =	vst v63  }
0x1aa: {  	s10 =	simm.s32 $0x18900  }
0x1ab: {  	[tilespmem:s10], [sflag:$0x1] =	stream.linear.gather [spmem:s14], $0x80, $0x38;
	[tilespmem:$0x1BA80] =	vst v63  }
0x1ac: {  	s11 =	simm.s32 $0x18D00  }
0x1ad: {  	[tilespmem:s11], [sflag:$0x1] =	stream.linear.gather [spmem:s15], $0x80, $0x38;
	[tilespmem:$0x1BA80] =	vst v63  }
0x1ae: {  	_ =	swait.ge [sflag:s0], $0x280  }
0x1af: {  	[sflag:s0] =	ssyncset.done $0x0  }
0x1b0: {  	s9 =	simm.s32 $0x17D80;
	s8 =	rddreg [dreg:$0x15];
	[sflag:s0] =	ssyncadd.s32 $0xFFFFFD80  }
0x1b1: {  	[tilespmem:s9], [sflag:$0x1] =	stream.linear.gather [spmem:s8], $0x80, $0x38;
	[tilespmem:$0x1BA80] =	vst v63  }
0x1b2: {  	s10 =	simm.s32 $0x18180  }
0x1b3: {  	[tilespmem:s10], [sflag:$0x1] =	stream.linear.gather [spmem:s16], $0x80, $0x38;
	[tilespmem:$0x1BA80] =	vst v63  }
0x1b4: {  	s11 =	simm.s32 $0x18580  }
0x1b5: {  	[tilespmem:s11], [sflag:$0x1] =	stream.linear.gather [spmem:s17], $0x80, $0x38;
	[tilespmem:$0x1BA80] =	vst v63  }
0x1b6: {  	s8 =	simm.s32 $0x18980  }
0x1b7: {  	[tilespmem:s8], [sflag:$0x1] =	stream.linear.gather [spmem:s18], $0x80, $0x38;
	[tilespmem:$0x1BA80] =	vst v63  }
0x1b8: {  	s9 =	simm.s32 $0x18D80  }
0x1b9: {  	[tilespmem:s9], [sflag:$0x1] =	stream.linear.gather [spmem:s19], $0x80, $0x38;
	[tilespmem:$0x1BA80] =	vst v63  }
0x1ba: {  	_ =	swait.ge [sflag:s0], $0x280  }
0x1bb: {  	[sflag:s0] =	ssyncset.done $0x0  }
0x1bc: {  	s11 =	simm.s32 $0x17E00;
	s10 =	rddreg [dreg:$0x16];
	[sflag:s0] =	ssyncadd.s32 $0xFFFFFD80  }
0x1bd: {  	[tilespmem:s11], [sflag:$0x1] =	stream.linear.gather [spmem:s10], $0x80, $0x38;
	[tilespmem:$0x1BA80] =	vst v63  }
0x1be: {  	s8 =	simm.s32 $0x18200  }
0x1bf: {  	[tilespmem:s8], [sflag:$0x1] =	stream.linear.gather [spmem:s20], $0x80, $0x38;
	[tilespmem:$0x1BA80] =	vst v63  }
0x1c0: {  	s9 =	simm.s32 $0x18600  }
0x1c1: {  	[tilespmem:s9], [sflag:$0x1] =	stream.linear.gather [spmem:s21], $0x80, $0x38;
	[tilespmem:$0x1BA80] =	vst v63  }
0x1c2: {  	s10 =	simm.s32 $0x18A00  }
0x1c3: {  	[tilespmem:s10], [sflag:$0x1] =	stream.linear.gather [spmem:s22], $0x80, $0x38;
	[tilespmem:$0x1BA80] =	vst v63  }
0x1c4: {  	s11 =	simm.s32 $0x18E00  }
0x1c5: {  	[tilespmem:s11], [sflag:$0x1] =	stream.linear.gather [spmem:s23], $0x80, $0x38;
	[tilespmem:$0x1BA80] =	vst v63  }
0x1c6: {  	_ =	swait.ge [sflag:s0], $0x280  }
0x1c7: {  	[sflag:s0] =	ssyncset.done $0x0  }
0x1c8: {  	s9 =	simm.s32 $0x17E80;
	s8 =	rddreg [dreg:$0x17];
	[sflag:s0] =	ssyncadd.s32 $0xFFFFFD80  }
0x1c9: {  	[tilespmem:s9], [sflag:$0x1] =	stream.linear.gather [spmem:s8], $0x80, $0x38;
	[tilespmem:$0x1BA80] =	vst v63  }
0x1ca: {  	s10 =	simm.s32 $0x18280  }
0x1cb: {  	[tilespmem:s10], [sflag:$0x1] =	stream.linear.gather [spmem:s24], $0x80, $0x38;
	[tilespmem:$0x1BA80] =	vst v63  }
0x1cc: {  	s11 =	simm.s32 $0x18680  }
0x1cd: {  	[tilespmem:s11], [sflag:$0x1] =	stream.linear.gather [spmem:s25], $0x80, $0x38;
	[tilespmem:$0x1BA80] =	vst v63  }
0x1ce: {  	s8 =	simm.s32 $0x18A80  }
0x1cf: {  	[tilespmem:s8], [sflag:$0x1] =	stream.linear.gather [spmem:s26], $0x80, $0x38;
	[tilespmem:$0x1BA80] =	vst v63  }
0x1d0: {  	s9 =	simm.s32 $0x18E80  }
0x1d1: {  	[tilespmem:s9], [sflag:$0x1] =	stream.linear.gather [spmem:s28], $0x80, $0x38;
	[tilespmem:$0x1BA80] =	vst v63  }
0x1d2: {  	_ =	swait.ge [sflag:s0], $0x280  }
0x1d3: {  	[sflag:s0] =	ssyncset.done $0x0  }
0x1d4: {  	s11 =	simm.s32 $0x17F00;
	s10 =	rddreg [dreg:$0x18];
	[sflag:s0] =	ssyncadd.s32 $0xFFFFFD80  }
0x1d5: {  	[tilespmem:s11], [sflag:$0x1] =	stream.linear.gather [spmem:s10], $0x80, $0x38;
	[tilespmem:$0x1BA80] =	vst v63  }
0x1d6: {  	s8 =	simm.s32 $0x18300  }
0x1d7: {  	[tilespmem:s8], [sflag:$0x1] =	stream.linear.gather [spmem:s29], $0x80, $0x38;
	[tilespmem:$0x1BA80] =	vst v63  }
0x1d8: {  	s9 =	simm.s32 $0x18700  }
0x1d9: {  	[tilespmem:s9], [sflag:$0x1] =	stream.linear.gather [spmem:s30], $0x80, $0x38;
	[tilespmem:$0x1BA80] =	vst v63  }
0x1da: {  	s10 =	simm.s32 $0x18B00  }
0x1db: {  	[tilespmem:s10], [sflag:$0x1] =	stream.linear.gather [spmem:s31], $0x80, $0x38;
	[tilespmem:$0x1BA80] =	vst v63  }
0x1dc: {  	s11 =	simm.s32 $0x18F00;
	s8 =	simm.s32 $0x0  }
0x1dd: {  	[tilespmem:s11], [sflag:$0x1] =	stream.linear.gather [spmem:s1], $0x80, $0x38;
	[tilespmem:$0x1BA80] =	vst v63  }
0x1de: {  	s2 =	sand.u32 $0x1C00, s8;
	s9 =	sand.u32 $0x70, s8;
	_ =	swait.ge [sflag:s0], $0x280  }
0x1df: {  	s2 =	sor.u32 s9, s2;
	[sflag:s0] =	ssyncset.done $0x0  }
0x1e0: {  	s8 =	sadd.s32 $0x16780, s2;
	[sflag:s0] =	ssyncadd.s32 $0xFFFFFD80  }
0x1e1: {  	v6 =	vld [tilespmem:s8+$0x80]  }
0x1e2: {  	v7 =	vld [tilespmem:s2+$0x16780]  }
0x1e3: {  	v8 =	vld [tilespmem:s8+$0x100]  }
0x1e4: {  	v55 =	vld [tilespmem:s8+$0x180]  }
0x1e5: {  	v56 =	vld [tilespmem:s8+$0x200]  }
0x1e6: {  	v57 =	vld [tilespmem:s8+$0x280]  }
0x1e7: {  	v6 =	vmax.f32 v7, v6;
	v7 =	vld [tilespmem:s8+$0x300]  }
0x1e8: {  	v6 =	vmax.f32 v6, v8;
	v8 =	vld [tilespmem:s8+$0x380]  }
0x1e9: {  	v58 =	vld [tilespmem:s2+$0x17B80];
	v6 =	vmax.f32 v6, v55  }
0x1ea: {  	v59 =	vld [tilespmem:s2+$0x17C00];
	v6 =	vmax.f32 v6, v56  }
0x1eb: {  	v60 =	vld [tilespmem:s2+$0x17C80];
	v6 =	vmax.f32 v6, v57  }
0x1ec: {  	v6 =	vmax.f32 v6, v7;
	v7 =	vld [tilespmem:s2+$0x17D00]  }
0x1ed: {  	v6 =	vmax.f32 v6, v8;
	v8 =	vld [tilespmem:s2+$0x17D80]  }
0x1ee: {  	v61 =	vld [tilespmem:s2+$0x17E00];
	v6 =	vmax.f32 v6, v58  }
0x1ef: {  	v62 =	vld [tilespmem:s2+$0x17E80];
	v6 =	vmax.f32 v6, v59  }
0x1f0: {  	v63 =	vld [tilespmem:s2+$0x17F00];
	v6 =	vmax.f32 v6, v60  }
0x1f1: {  	v6 =	vmax.f32 v6, v7  }
0x1f2: {  	v6 =	vmax.f32 v6, v8  }
0x1f3: {  	s9 =	simm.s32 $0x80;
	s10 =	simm.s32 $0x10;
	v6 =	vmax.f32 v6, v61  }
0x1f4: {  	s11 =	sand.u32 $0x70, s10;
	s10 =	sand.u32 $0x1C00, s9;
	v6 =	vmax.f32 v6, v62  }
0x1f5: {  	s8 =	sor.u32 s11, s10;
	s10 =	simm.s32 $0x20;
	s2 =	simm.s32 $0x16500;
	v6 =	vmax.f32 v6, v63  }
.LBB2_11:
0x1f6: {  	p0 =	sne.s32 s10, $0x270;
	s11 =	sadd.s32 $0x16780, s8;
	[tilespmem:s2+$0x0] =	vst v6  }
0x1f7: {  	v6 =	vld [tilespmem:s11+$0x80]  }
0x1f8: {  	v7 =	vld [tilespmem:s8+$0x16780]  }
0x1f9: {  	v8 =	vld [tilespmem:s11+$0x100]  }
0x1fa: {  	v9 =	vld [tilespmem:s11+$0x180]  }
0x1fb: {  	v10 =	vld [tilespmem:s11+$0x200]  }
0x1fc: {  	v11 =	vld [tilespmem:s11+$0x280]  }
0x1fd: {  	v6 =	vmax.f32 v7, v6;
	v7 =	vld [tilespmem:s11+$0x300]  }
0x1fe: {  	v6 =	vmax.f32 v6, v8;
	v8 =	vld [tilespmem:s11+$0x380]  }
0x1ff: {  	v6 =	vmax.f32 v6, v9;
	v9 =	vld [tilespmem:s8+$0x17B80]  }
0x200: {  	v6 =	vmax.f32 v6, v10;
	v10 =	vld [tilespmem:s8+$0x17C00]  }
0x201: {  	v6 =	vmax.f32 v6, v11;
	v11 =	vld [tilespmem:s8+$0x17C80]  }
0x202: {  	v6 =	vmax.f32 v6, v7;
	v7 =	vld [tilespmem:s8+$0x17D00]  }
0x203: {  	v6 =	vmax.f32 v6, v8;
	v8 =	vld [tilespmem:s8+$0x17D80]  }
0x204: {  	v6 =	vmax.f32 v6, v9;
	v9 =	vld [tilespmem:s8+$0x17E00]  }
0x205: {  	v6 =	vmax.f32 v6, v10;
	v10 =	vld [tilespmem:s8+$0x17E80]  }
0x206: {  	v6 =	vmax.f32 v6, v11;
	v11 =	vld [tilespmem:s8+$0x17F00]  }
.Ltmp5:
0x207: {  	v6 =	vmax.f32 v6, v7;
	(pc) =	sbr.rel @p0 .LBB2_11-.Ltmp5, $4  }
0x208: {  	v6 =	vmax.f32 v6, v8  }
0x209: {  	s9 =	sadd.s32 $0x80, s9;
	v6 =	vmax.f32 v6, v9  }
0x20a: {  	s11 =	sand.u32 $0x1C00, s9;
	s8 =	sand.u32 $0x70, s10;
	v6 =	vmax.f32 v6, v10  }
0x20b: {  	s2 =	sadd.s32 $0x10, s2;
	s10 =	sadd.s32 $0x10, s10;
	s8 =	sor.u32 s8, s11;
	v6 =	vmax.f32 v6, v11  }
0x20c: {  	s9 =	sadd.s32 $0x16780, s8;
	[tilespmem:s2+$0x0] =	vst v6  }
0x20d: {  	v6 =	vld [tilespmem:s9+$0x80]  }
0x20e: {  	v7 =	vld [tilespmem:s8+$0x16780]  }
0x20f: {  	v8 =	vld [tilespmem:s9+$0x100]  }
0x210: {  	v9 =	vld [tilespmem:s9+$0x180]  }
0x211: {  	v10 =	vld [tilespmem:s9+$0x200]  }
0x212: {  	v11 =	vld [tilespmem:s9+$0x280]  }
0x213: {  	v6 =	vmax.f32 v7, v6;
	v7 =	vld [tilespmem:s9+$0x300]  }
0x214: {  	v56 =	vld [tilespmem:s9+$0x380];
	v6 =	vmax.f32 v6, v8  }
0x215: {  	v57 =	vld [tilespmem:s8+$0x17B80];
	v6 =	vmax.f32 v6, v9  }
0x216: {  	v58 =	vld [tilespmem:s8+$0x17C00];
	v6 =	vmax.f32 v6, v10  }
0x217: {  	v59 =	vld [tilespmem:s8+$0x17C80];
	v6 =	vmax.f32 v6, v11  }
0x218: {  	v6 =	vmax.f32 v6, v7;
	v7 =	vld [tilespmem:s8+$0x17D00]  }
0x219: {  	v60 =	vld [tilespmem:s8+$0x17D80];
	v6 =	vmax.f32 v6, v56  }
0x21a: {  	v61 =	vld [tilespmem:s8+$0x17E00];
	v6 =	vmax.f32 v6, v57  }
0x21b: {  	v62 =	vld [tilespmem:s8+$0x17E80];
	v6 =	vmax.f32 v6, v58  }
0x21c: {  	v63 =	vld [tilespmem:s8+$0x17F00];
	v6 =	vmax.f32 v6, v59  }
0x21d: {  	v6 =	vmax.f32 v6, v7  }
0x21e: {  	v6 =	vmax.f32 v6, v60  }
0x21f: {  	v6 =	vmax.f32 v6, v61  }
0x220: {  	v6 =	vmax.f32 v6, v62  }
0x221: {  	s11 =	sadd.s32 $0x10, s2;
	v6 =	vmax.f32 v6, v63  }
0x222: {  	s9 =	simm.s32 $0x16500;
	s8 =	rddreg [dreg:$0x19];
	[tilespmem:s11+$0x0] =	vst v6  }
0x223: {  	[spmem:s8] =	stream.linear.scatter [tilespmem:s9], [sflag:$0x1], $0x280, $0x38;
	[tilespmem:$0x1BA80] =	vst v63  }
0x224: {  	_ =	swait.ge [sflag:s0], $0x280  }
0x225: {  	[sflag:s0] =	ssyncset.done $0x0  }
0x226: {  	[sflag:s0] =	ssyncadd.s32 $0xFFFFFD80  }
0x227: {  	[bflag:$0x0] =	sbarrier.arrive $0xFFFF  }
0x228: {  	s10 =	rddreg [dreg:$0x4]  }
0x229: {  	[tilespmem:s3], [sflag:$0x1] =	stream.linear.gather [spmem:s10], $0x2800, $0x38;
	[tilespmem:$0x1BA80] =	vst v63  }
0x22a: {  	_ =	swait.ge [sflag:s0], $0x2800  }
0x22b: {  	s5 =	sadd.s32 $0x1, s5;
	s11 =	rddreg [dreg:$0x6]  }
0x22c: {  	p0 =	sne.s32 s5, s11  }
.Ltmp6:
0x22d: {  	_ = 	snop;
	(pc) =	sbr.rel @p0 .LBB2_6-.Ltmp6, $3  }
0x22e: {  	_ =	sdelay $0x1  }
0x22f: {  	[sflag:s0] =	ssyncset.done $0x0  }
0x230: {  	[sflag:s0] =	ssyncadd.s32 $0xFFFFD800  }
.LBB2_13:
0x231: {  	s1 =	rddreg [dreg:$0x7]  }
0x232: {  	s0 =	simm.s32 $0x0;
	s2 =	rddreg [dreg:$0x8];
	s30 =	simm.s32 $0x1  }
0x233: {  	[hbm4b:s1+s0] =	stream.linear.scatter [tilespmem:s2], [sflag:$0x1], $0x280, $0x38;
	[tilespmem:$0x1BA80] =	vst v63  }
0x234: {  	_ =	swait.ge [sflag:s30], $0x280  }
0x235: {  	[sflag:s30] =	ssyncset.done $0x0  }
0x236: {  	[sflag:s30] =	ssyncadd.s32 $0xFFFFFD80  }
0x237: {  	_ =	sfence.sel $0x180000  }
0x238: {  	[bflag:$0x0] =	sbarrier.arrive $0xFFFF  }
0x239: {  	_ =	strace $0x90000047  }
0x23a: {  	s31 =	stileid.u32;
	[bflag:$0x2] =	sbarrier.arrive $0xFFFF  }
0x23b: {  	p0 =	sne.s32 s31, $0x0;
	s0 =	rddreg [dreg:$0x5]  }
0x23c: {  	s0 =	sadd.s32 @!p0 $0x100000, s0  }
0x23d: {  	[sflag:s0] =	ssyncadd.tile.s32 @!p0 $0x1;
	_ =	shalt  }
.Lfunc_end2:
_tile_overlayer_lowered:
.L_overlay_start_2:
0x23e: {  	(tag) =	ssettag $0x2  }
0x23f: {  	s0 =	rddreg [dreg:$0x0];
	s2 =	stileid.u32  }
0x240: {  	s1 =	rddreg [dreg:$0x1];
	p0 =	sne.s32 s2, $0x0  }
0x241: {  	s3 =	rddreg [dreg:$0x2];
	[bflag:$0x3] =	sbarrier.arrive $0xFFFF;
	s2 =	simm.s32 @!p0 $0x1C01  }
0x242: {  	[timem:s3], [sflag:s2] =	dma.local @!p0 [hbm:s0], s1  }
0x243: {  	s0 =	simm.s32 @!p0 $0x1  }
0x244: {  	_ =	swait.ge @!p0 [sflag:s0], s1  }
0x245: {  	s1 =	ssub.s32 @!p0 $0x0, s1;
	[sflag:s0] =	ssyncset.done @!p0 $0x0  }
0x246: {  	[sflag:s0] =	ssyncadd.s32 @!p0 s1  }
0x247: {  	[bflag:$0x3] =	sbarrier.arrive $0xFFFF  }
0x248: {  	_ =	shalt  }

</sc_bundles>
